<compile_context>
chip_gen: v7x
topology: tpu7x:2x2x1
jax: 0.10.2.dev20260603
libtpu: 0.0.44.dev20260713+nightly
codegen_flags: <defaults>
</compile_context>

<pallas_src>
import functools

import jax
import jax.numpy as jnp
import numpy as np
from jax import lax
from jax.experimental import pallas as pl
from jax.experimental.pallas import tpu as pltpu
from jax.experimental.pallas import tpu_sc as plsc

NPTS = 100000
BLKC = 6400
NPAD = 102400
NBLK = NPAD // BLKC
NSORT = 131072
SROWS = NSORT // 128

_f32 = jnp.float32


def _c(v):
    return _f32(np.float32(v))


def _erfc_xla(q):
    one = _c(1.0)
    q2 = q * q
    p = q2 * _c(7.85386146e-05)
    p = p + _c(-0.000801019371)
    p = p * q2
    p = p + _c(0.00518832775)
    p = p * q2
    p = p + _c(-0.0268538129)
    p = p * q2
    p = p + _c(0.112835854)
    p = p * q2
    p = p + _c(-0.37612626)
    p = p * q2
    p = p + _c(1.12837911)
    r_small = one - q * p
    aq = jnp.abs(q)
    nq2 = -q2
    e = jnp.exp(nq2)
    g = e * (one / aq)
    z = one / q2
    pa = z * _c(0.0232682)
    pa = pa + _c(-0.138703942)
    pa = pa * z
    pa = pa + _c(0.368742466)
    pa = pa * z
    pa = pa + _c(-0.582473278)
    pa = pa * z
    pa = pa + _c(0.621000469)
    pa = pa * z
    pa = pa + _c(-0.494451523)
    pa = pa * z
    pa = pa + _c(0.340488)
    pa = pa * z
    pa = pa + _c(-0.274112701)
    pa = pa * z
    pa = pa + _c(0.563825965)
    pb = z * _c(-10.477664)
    pb = pb + _c(12.9772)
    pb = pb * z
    pb = pb + _c(-7.49551868)
    pb = pb * z
    pb = pb + _c(2.92101908)
    pb = pb * z
    pb = pb + _c(-1.01526523)
    pb = pb * z
    pb = pb + _c(0.42184633)
    pb = pb * z
    pb = pb + _c(-0.282076746)
    pb = pb * z
    pb = pb + _c(0.564189494)
    sel_poly = jnp.where(aq < _c(2.0), pa, pb)
    r_large = g * sel_poly
    r_large = jnp.where(nq2 < _c(-88.7228394), _c(0.0), r_large)
    r_neg = jnp.where(q < _c(0.0), _c(2.0) - r_large, r_large)
    return jnp.where(aq < _c(1.0), r_small, r_neg)


def _gelu_xla(x):
    q = (-x) * _c(0.707106769)
    return (x * _c(0.5)) * _erfc_xla(q)


def _lane_tree_sum(acc):
    for sh in (64, 32, 16, 8, 4, 2, 1):
        acc = acc + pltpu.roll(acc, 128 - sh, 1)
    return acc


def _lane_tree_max(acc):
    for sh in (64, 32, 16, 8, 4, 2, 1):
        acc = jnp.maximum(acc, pltpu.roll(acc, 128 - sh, 1))
    return acc


def _colmask(b, shape):
    col = b * BLKC + lax.broadcasted_iota(jnp.int32, shape, 1)
    return col < NPTS




def _k_mm1(xt_ref, w_ref, b_ref, h_ref, m_ref, acc_ref):
    b = pl.program_id(0)
    h = lax.dot_general(
        w_ref[...], xt_ref[...], (((1,), (0,)), ((), ())),
        preferred_element_type=jnp.float32,
    )
    h = h + b_ref[...]
    h_ref[...] = h

    @pl.when(b == 0)
    def _():
        acc_ref[...] = jnp.zeros_like(acc_ref)

    hm = jnp.where(_colmask(b, h.shape), h, _c(0.0))
    for ct in range(BLKC // 128):
        acc_ref[...] += hm[:, 128 * ct:128 * (ct + 1)]

    @pl.when(b == NBLK - 1)
    def _():
        red = _lane_tree_sum(acc_ref[...])
        m_ref[...] = red[:, 0:1] * _c(1e-05)




def _k_var(h_ref, m_ref, d_ref, acc_ref):
    b = pl.program_id(0)

    @pl.when(b == 0)
    def _():
        acc_ref[...] = jnp.zeros_like(acc_ref)

    d = h_ref[...] - m_ref[...]
    sq = d * d
    sq = jnp.where(_colmask(b, sq.shape), sq, _c(0.0))
    for ct in range(BLKC // 128):
        acc_ref[...] += sq[:, 128 * ct:128 * (ct + 1)]

    @pl.when(b == NBLK - 1)
    def _():
        red = _lane_tree_sum(acc_ref[...])
        var = red[:, 0:1] * _c(1e-05)
        d_ref[...] = jnp.sqrt(var + _c(1e-05))




def _k_mm2(h1_ref, m_ref, den_ref, g_ref, be_ref, w_ref, b2_ref,
           h2_ref, m2_ref, acc_ref):
    b = pl.program_id(0)
    x = (h1_ref[...] - m_ref[...]) / den_ref[...] * g_ref[...] + be_ref[...]
    gx = _gelu_xla(x)
    h2 = lax.dot_general(
        w_ref[...], gx, (((1,), (0,)), ((), ())),
        preferred_element_type=jnp.float32,
    )
    h2 = h2 + b2_ref[...]
    h2_ref[...] = h2

    @pl.when(b == 0)
    def _():
        acc_ref[...] = jnp.zeros_like(acc_ref)

    hm = jnp.where(_colmask(b, h2.shape), h2, _c(0.0))
    for ct in range(BLKC // 128):
        acc_ref[...] += hm[:, 128 * ct:128 * (ct + 1)]

    @pl.when(b == NBLK - 1)
    def _():
        red = _lane_tree_sum(acc_ref[...])
        m2_ref[...] = red[:, 0:1] * _c(1e-05)




def _k_scores(h2_ref, m_ref, den_ref, g_ref, be_ref, w3_ref, b3_ref,
              s_ref, mx_ref, acc_ref):
    b = pl.program_id(0)
    x = (h2_ref[...] - m_ref[...]) / den_ref[...] * g_ref[...] + be_ref[...]
    gx = _gelu_xla(x)
    u = lax.dot_general(
        w3_ref[...], gx, (((1,), (0,)), ((), ())),
        preferred_element_type=jnp.float32,
    )
    u = u + b3_ref[...]
    s = _c(1.0) / (jnp.exp(-u) + _c(1.0))
    s_ref[...] = s

    @pl.when(b == 0)
    def _():
        acc_ref[...] = jnp.full_like(acc_ref, -jnp.inf)

    sm = jnp.where(_colmask(b, s.shape), s, -jnp.inf)
    for ct in range(BLKC // 128):
        acc_ref[...] = jnp.maximum(acc_ref[...], sm[:, 128 * ct:128 * (ct + 1)])

    @pl.when(b == NBLK - 1)
    def _():
        red = _lane_tree_max(acc_ref[...])
        mx_ref[...] = red[:, 0:1]




def _k_sort(scores_ref, batch_ref, mx_ref, jt_ref, kt_ref, su_ref, sd_ref,
            ax_ref, ord_ref, keys_ref, idx_ref, pk_ref, pi_ref, iv_ref):
    rows = lax.broadcasted_iota(jnp.int32, (SROWS, 128), 0)
    cols = lax.broadcasted_iota(jnp.int32, (SROWS, 128), 1)
    ivec = rows * 128 + cols
    iv_ref[...] = ivec

    off = mx_ref[0] + _c(10.0)
    nreal_rows = NPAD // 128
    sc = scores_ref[...]
    bt = batch_ref[...].astype(jnp.float32)
    kreal = sc + bt * off
    kreal = jnp.where(ivec[:nreal_rows] < NPTS, kreal, jnp.inf)
    keys_ref[...] = jnp.full((SROWS, 128), jnp.inf, dtype=jnp.float32)
    keys_ref[0:nreal_rows, :] = kreal
    idx_ref[...] = ivec

    def stage(s, _):
        j = jt_ref[s]
        k = kt_ref[s]
        sup = su_ref[s]
        sdn = sd_ref[s]
        is_row = ax_ref[s]
        iv = iv_ref[...]
        maskj = (iv & j) == 0
        asc = (iv & k) == 0

        @pl.when(is_row == 1)
        def _():
            ks = keys_ref[...]
            ix = idx_ref[...]
            pk_ref[...] = jnp.where(
                maskj, pltpu.roll(ks, sup, 0), pltpu.roll(ks, sdn, 0))
            pi_ref[...] = jnp.where(
                maskj, pltpu.roll(ix, sup, 0), pltpu.roll(ix, sdn, 0))

        @pl.when(is_row == 0)
        def _():
            ks = keys_ref[...]
            ix = idx_ref[...]
            pk_ref[...] = jnp.where(
                maskj, pltpu.roll(ks, sup, 1), pltpu.roll(ks, sdn, 1))
            pi_ref[...] = jnp.where(
                maskj, pltpu.roll(ix, sup, 1), pltpu.roll(ix, sdn, 1))

        ks = keys_ref[...]
        ix = idx_ref[...]
        pk = pk_ref[...]
        pi = pi_ref[...]
        partner_less = (pk < ks) | ((pk == ks) & (pi < ix))
        want_min = ~(maskj ^ asc)
        take = ~(partner_less ^ want_min)
        keys_ref[...] = jnp.where(take, pk, ks)
        idx_ref[...] = jnp.where(take, pi, ix)
        return 0

    nstages = 17 * 18 // 2
    lax.fori_loop(0, nstages, stage, 0)
    ord_ref[...] = idx_ref[...]




def _make_inverse_sc():
    info = plsc.get_sparse_core_info()
    ns = info.num_subcores
    chunk = NSORT // ns
    mesh = plsc.VectorSubcoreMesh(core_axis_name="c", subcore_axis_name="s")

    @functools.partial(
        pl.kernel,
        mesh=mesh,
        out_type=jax.ShapeDtypeStruct((NSORT,), jnp.int32),
        scratch_types=[
            pltpu.VMEM((chunk,), jnp.int32),
            pltpu.VMEM((chunk,), jnp.int32),
            pltpu.VMEM_SHARED((NSORT,), jnp.int32),
            pltpu.SemaphoreType.DMA,
        ],
    )
    def inv_kernel(order_hbm, inv_hbm, idx_v, val_v, spmem, sem):
        cid = lax.axis_index("c")
        sid = lax.axis_index("s")

        @pl.when(cid == 0)
        def _():
            base = sid * chunk
            pltpu.sync_copy(order_hbm.at[pl.ds(base, chunk)], idx_v)

            def fill(i, _):
                val_v[pl.ds(i * 16, 16)] = (
                    lax.broadcasted_iota(jnp.int32, (16,), 0) + (base + i * 16)
                )
                return 0

            lax.fori_loop(0, chunk // 16, fill, 0)
            pltpu.async_copy(val_v, spmem.at[idx_v], sem).wait()
            plsc.subcore_barrier()
            pltpu.sync_copy(spmem.at[pl.ds(base, chunk)],
                            inv_hbm.at[pl.ds(base, chunk)])

    return inv_kernel


def _sort_tables():
    js, ks, sups, sdns, axs = [], [], [], [], []
    for klog in range(1, 18):
        for jlog in reversed(range(klog)):
            j = 1 << jlog
            k = 1 << klog
            js.append(j)
            ks.append(k)
            if j >= 128:
                jr = j // 128
                sups.append(SROWS - jr)
                sdns.append(jr)
                axs.append(1)
            else:
                sups.append(128 - j)
                sdns.append(j)
                axs.append(0)
    return (np.array(js, np.int32), np.array(ks, np.int32),
            np.array(sups, np.int32), np.array(sdns, np.int32),
            np.array(axs, np.int32))


def kernel(coord, feat, batch, W1, b1, g1, beta1, W2, b2, g2, beta2, W3, b3):
    xb = jnp.concatenate([coord, feat], axis=1).astype(jnp.bfloat16)
    xt = jnp.pad(xb.T, ((0, 0), (0, NPAD - NPTS)))
    w1t = W1.T
    w2t = W2.T
    w3t = W3.T
    b1c = b1[:, None]
    b2c = b2[:, None]
    g1c = g1[:, None]
    g2c = g2[:, None]
    be1c = beta1[:, None]
    be2c = beta2[:, None]
    b3c = b3[:, None]

    grid = (NBLK,)
    cspec = pl.BlockSpec((64, BLKC), lambda b: (0, b))
    full = pl.BlockSpec((64, 1), lambda b: (0, 0))

    h1t, m1 = pl.pallas_call(
        _k_mm1,
        grid=grid,
        in_specs=[
            pl.BlockSpec((131, BLKC), lambda b: (0, b)),
            pl.BlockSpec((64, 131), lambda b: (0, 0)),
            full,
        ],
        out_specs=[cspec, full],
        out_shape=[
            jax.ShapeDtypeStruct((64, NPAD), jnp.float32),
            jax.ShapeDtypeStruct((64, 1), jnp.float32),
        ],
        scratch_shapes=[pltpu.VMEM((64, 128), jnp.float32)],
    )(xt, w1t, b1c)

    den1 = pl.pallas_call(
        _k_var,
        grid=grid,
        in_specs=[cspec, full],
        out_specs=full,
        out_shape=jax.ShapeDtypeStruct((64, 1), jnp.float32),
        scratch_shapes=[pltpu.VMEM((64, 128), jnp.float32)],
    )(h1t, m1)

    h2t, m2 = pl.pallas_call(
        _k_mm2,
        grid=grid,
        in_specs=[
            cspec, full, full, full, full,
            pl.BlockSpec((64, 64), lambda b: (0, 0)),
            full,
        ],
        out_specs=[cspec, full],
        out_shape=[
            jax.ShapeDtypeStruct((64, NPAD), jnp.float32),
            jax.ShapeDtypeStruct((64, 1), jnp.float32),
        ],
        scratch_shapes=[pltpu.VMEM((64, 128), jnp.float32)],
    )(h1t, m1, den1, g1c, be1c, w2t, b2c)

    den2 = pl.pallas_call(
        _k_var,
        grid=grid,
        in_specs=[cspec, full],
        out_specs=full,
        out_shape=jax.ShapeDtypeStruct((64, 1), jnp.float32),
        scratch_shapes=[pltpu.VMEM((64, 128), jnp.float32)],
    )(h2t, m2)

    rspec = pl.BlockSpec((1, BLKC), lambda b: (0, b))
    rfull = pl.BlockSpec((1, 1), lambda b: (0, 0))
    scorest, mx = pl.pallas_call(
        _k_scores,
        grid=grid,
        in_specs=[
            cspec, full, full, full, full,
            pl.BlockSpec((1, 64), lambda b: (0, 0)),
            rfull,
        ],
        out_specs=[rspec, rfull],
        out_shape=[
            jax.ShapeDtypeStruct((1, NPAD), jnp.float32),
            jax.ShapeDtypeStruct((1, 1), jnp.float32),
        ],
        scratch_shapes=[pltpu.VMEM((1, 128), jnp.float32)],
    )(h2t, m2, den2, g2c, be2c, w3t, b3c)

    jt, kt, su, sd, ax = _sort_tables()
    batch_p = jnp.pad(batch, (0, NPAD - NPTS))
    nsr = NPAD // 128
    order2d = pl.pallas_call(
        _k_sort,
        in_specs=[
            pl.BlockSpec(memory_space=pltpu.VMEM),
            pl.BlockSpec(memory_space=pltpu.VMEM),
            pl.BlockSpec(memory_space=pltpu.SMEM),
            pl.BlockSpec(memory_space=pltpu.SMEM),
            pl.BlockSpec(memory_space=pltpu.SMEM),
            pl.BlockSpec(memory_space=pltpu.SMEM),
            pl.BlockSpec(memory_space=pltpu.SMEM),
            pl.BlockSpec(memory_space=pltpu.SMEM),
        ],
        out_shape=jax.ShapeDtypeStruct((SROWS, 128), jnp.int32),
        scratch_shapes=[
            pltpu.VMEM((SROWS, 128), jnp.float32),
            pltpu.VMEM((SROWS, 128), jnp.int32),
            pltpu.VMEM((SROWS, 128), jnp.float32),
            pltpu.VMEM((SROWS, 128), jnp.int32),
            pltpu.VMEM((SROWS, 128), jnp.int32),
        ],
    )(scorest.reshape(nsr, 128), batch_p.reshape(nsr, 128),
      jnp.asarray(mx).reshape(1), jt, kt, su, sd, ax)

    order_full = order2d.reshape(NSORT)
    inv_kernel = _make_inverse_sc()
    inv_full = inv_kernel(order_full)

    scores = scorest.reshape(NPAD)[:NPTS].reshape(NPTS, 1)
    orders = order_full[:NPTS].reshape(1, NPTS)
    inverses = inv_full[:NPTS].reshape(1, NPTS)
    return (scores, orders, inverses)

# --- scband reference (transcript-rebuilt; emitter-appended) ---
"""Pipeline reference for scband-point-sorter-67035849556371 (READ-ONLY COPY).

The authoritative reference and input builder live on the scoring server;
editing this copy changes nothing except your own understanding.
"""

import jax, jax.numpy as jnp
import numpy as np

N = 100000
D_FEAT = 128
IN_CH = 131
HID = 64
NUM_ORDERS = 1


def setup_inputs(seed: int = 0) -> dict:
    key = jax.random.key(seed)
    ks = jax.random.split(key, 13)
    coord = jax.random.normal(ks[0], (N, 3), dtype=jnp.float32)
    feat = jax.random.normal(ks[1], (N, D_FEAT), dtype=jnp.float32)
    batch = jnp.sort(jax.random.randint(ks[2], (N,), 0, 16, dtype=jnp.int32))
    W1 = jax.random.normal(ks[3], (IN_CH, HID), dtype=jnp.float32) * 0.05
    b1 = jnp.zeros((HID,), dtype=jnp.float32)
    g1 = jnp.ones((HID,), dtype=jnp.float32)
    beta1 = jnp.zeros((HID,), dtype=jnp.float32)
    W2 = jax.random.normal(ks[4], (HID, HID), dtype=jnp.float32) * 0.05
    b2 = jnp.zeros((HID,), dtype=jnp.float32)
    g2 = jnp.ones((HID,), dtype=jnp.float32)
    beta2 = jnp.zeros((HID,), dtype=jnp.float32)
    W3 = jax.random.normal(ks[5], (HID, NUM_ORDERS), dtype=jnp.float32) * 0.05
    b3 = jnp.zeros((NUM_ORDERS,), dtype=jnp.float32)
    return {"coord": coord, "feat": feat, "batch": batch,
            "W1": W1, "b1": b1, "g1": g1, "beta1": beta1,
            "W2": W2, "b2": b2, "g2": g2, "beta2": beta2,
            "W3": W3, "b3": b3}


def _bn(h, g, be):
    m = jnp.mean(h, axis=0)
    v = jnp.var(h, axis=0)
    return (h - m) / jnp.sqrt(v + 1e-5) * g + be


def reference(coord, feat, batch, W1, b1, g1, beta1, W2, b2, g2, beta2, W3, b3):
    inp = jnp.concatenate([coord, jax.lax.stop_gradient(feat)], axis=1)
    h = jax.nn.gelu(_bn(inp @ W1 + b1, g1, beta1), approximate=False)
    h = jax.nn.gelu(_bn(h @ W2 + b2, g2, beta2), approximate=False)
    scores = jax.nn.sigmoid(h @ W3 + b3)
    batch_offset = batch[:, None].astype(scores.dtype) * (jax.lax.stop_gradient(jnp.max(scores)) + 10.0)
    scores_with_batch = scores + batch_offset
    scores_t = scores_with_batch.T
    n = scores.shape[0]
    ar = jnp.arange(n, dtype=jnp.int32)
    orders_list = []
    inverses_list = []
    for i in range(NUM_ORDERS):
        order = jnp.argsort(scores_t[i]).astype(jnp.int32)
        inverse = jnp.zeros((n,), dtype=jnp.int32).at[order].set(ar)
        orders_list.append(order)
        inverses_list.append(inverse)
    return (scores, jnp.stack(orders_list), jnp.stack(inverses_list))

if __name__ == "__main__":
    import jax
    _d = setup_inputs()
    print(jax.jit(kernel)(*tuple(_d.values())))

</pallas_src>

<mosaic_0001>
#map = affine_map<(d0, d1) -> (0)>
module attributes {stable_mosaic.version = 14 : i64} {
  func.func @inv_kernel(%arg0: i32, %arg1: i32, %arg2: memref<131072xi32, #tpu.memory_space<hbm>>, %arg3: memref<131072xi32, #tpu.memory_space<hbm>>, %arg4: memref<8192xi32, #tpu.memory_space<vmem>>, %arg5: memref<8192xi32, #tpu.memory_space<vmem>>, %arg6: memref<131072xi32, #tpu.memory_space<vmem_shared>>, %arg7: memref<!tpu.dma_semaphore, #tpu.memory_space<semaphore_mem>>) attributes {dimension_semantics = [#tpu.dimension_semantics<core_parallel>, #tpu.dimension_semantics<subcore_parallel>], iteration_bounds = array<i64: 2, 16>, scalar_prefetch = 0 : i64, scratch_operands = 4 : i64, tpu.core_type = #tpu.core_type<sc_vector_subcore>, window_params = [{transform_indices = #map}, {transform_indices = #map}]} {
    %eq3A = arith.constant 0 : i32
    %eq3A_0 = arith.cmpi eq, %arg0, %eq3A : i32
    %convert_element_type3A = arith.extui %eq3A_0 : i1 to i32
    %cond3A = arith.constant 0 : i32
    %cond3A_1 = arith.cmpi ne, %convert_element_type3A, %cond3A : i32
    scf.if %cond3A_1 {
      %mul3A = arith.constant 8192 : i32
      %mul3A_2 = arith.muli %arg1, %mul3A : i32
      "tpu.region"() ({
        %run_scoped3A = tpu.sem_alloc : memref<!tpu.dma_semaphore, #tpu.memory_space<semaphore_mem>>
        %dma_start3A_11 = tpu.memref_slice %arg2[%mul3A_2] : memref<131072xi32, #tpu.memory_space<hbm>> -> memref<8192xi32, #tpu.memory_space<hbm>>
        %dma_start3A_12 = tpu.memref_slice %arg2[%mul3A_2] : memref<131072xi32, #tpu.memory_space<hbm>> -> memref<8192xi32, #tpu.memory_space<hbm>>
        tpu.enqueue_dma source(%dma_start3A_12 : memref<8192xi32, #tpu.memory_space<hbm>>) target(%arg4 : memref<8192xi32, #tpu.memory_space<vmem>>) target_semaphore(%run_scoped3A : memref<!tpu.dma_semaphore, #tpu.memory_space<semaphore_mem>>)
        %dma_wait3A_13 = tpu.memref_slice %arg2[%mul3A_2] : memref<131072xi32, #tpu.memory_space<hbm>> -> memref<8192xi32, #tpu.memory_space<hbm>>
        %dma_wait3A_14 = tpu.memref_slice %arg2[%mul3A_2] : memref<131072xi32, #tpu.memory_space<hbm>> -> memref<8192xi32, #tpu.memory_space<hbm>>
        tpu.wait_dma2 semaphore(%run_scoped3A : memref<!tpu.dma_semaphore, #tpu.memory_space<semaphore_mem>>) src(%dma_wait3A_14 : memref<8192xi32, #tpu.memory_space<hbm>>) dst(%arg4 : memref<8192xi32, #tpu.memory_space<vmem>>)
        tpu.yield
      }) : () -> ()
      %scan3A = arith.constant 0 : i32
      %scan3A_3 = arith.constant 0 : i32
      %scan3A_4 = arith.constant 512 : i32
      %scan3A_5 = arith.addi %scan3A_3, %scan3A_4 : i32
      %scan3A_6 = arith.constant 1 : i32
      %scan3A_7 = scf.for %scan3A_11 = %scan3A_3 to %scan3A_5 step %scan3A_6 iter_args(%scan3A_12 = %scan3A) -> (i32)  : i32 {
        %iota3A = tpu.iota {dimensions = array<i32: 0>} : vector<16xi32>
        %mul3A_13 = arith.constant 16 : i32
        %mul3A_14 = arith.muli %scan3A_11, %mul3A_13 : i32
        %add3A = arith.addi %mul3A_2, %mul3A_14 : i32
        %add3A_15 = vector.broadcast %add3A : i32 to vector<16xi32>
        %add3A_16 = arith.addi %iota3A, %add3A_15 : vector<16xi32>
        %mul3A_17 = arith.constant 16 : i32
        %mul3A_18 = arith.muli %scan3A_11, %mul3A_17 : i32
        %swap3A = arith.index_cast %mul3A_18 : i32 to index
        %swap3A_19 = tpu.vector_load %arg5[%swap3A] {strides = array<i32>} : memref<8192xi32, #tpu.memory_space<vmem>>, vector<16xi32>,
        %swap3A_20 = vector.shape_cast %swap3A_19 : vector<16xi32> to vector<16xi32>
        %swap3A_21 = vector.shape_cast %add3A_16 : vector<16xi32> to vector<16xi32>
        tpu.vector_store %arg5[%swap3A], %swap3A_21 {strides = array<i32>} : memref<8192xi32, #tpu.memory_space<vmem>>, vector<16xi32>,
        %scan3A_22 = arith.constant 0 : i32
        scf.yield %scan3A_22 : i32
      }
      %scan3A_8 = arith.constant 512 : i32
      %dma_start3A = arith.constant 0 : i32
      %dma_start3A_9 = tpu.memref_slice %arg6[%dma_start3A] : memref<131072xi32, #tpu.memory_space<vmem_shared>> -> memref<131072xi32, #tpu.memory_space<vmem_shared>>
      tpu.enqueue_indirect_dma source(%arg5 : memref<8192xi32, #tpu.memory_space<vmem>>) target(%dma_start3A_9 : memref<131072xi32, #tpu.memory_space<vmem_shared>>) offsets(%arg4 : memref<8192xi32, #tpu.memory_space<vmem>>) semaphore(%arg7 : memref<!tpu.dma_semaphore, #tpu.memory_space<semaphore_mem>>)
      %dma_wait3A = arith.constant 0 : i32
      %dma_wait3A_10 = tpu.memref_slice %arg6[%dma_wait3A] : memref<131072xi32, #tpu.memory_space<vmem_shared>> -> memref<131072xi32, #tpu.memory_space<vmem_shared>>
      tpu.wait_indirect_dma semaphore(%arg7 : memref<!tpu.dma_semaphore, #tpu.memory_space<semaphore_mem>>) src(%arg5 : memref<8192xi32, #tpu.memory_space<vmem>>) dst(%dma_wait3A_10 : memref<131072xi32, #tpu.memory_space<vmem_shared>>)
      %barrier3A = arith.constant 0 : index
      tpu.barrier barrier_id(%barrier3A)
      "tpu.region"() ({
        %run_scoped3A = tpu.sem_alloc : memref<!tpu.dma_semaphore, #tpu.memory_space<semaphore_mem>>
        %dma_start3A_11 = tpu.memref_slice %arg3[%mul3A_2] : memref<131072xi32, #tpu.memory_space<hbm>> -> memref<8192xi32, #tpu.memory_space<hbm>>
        %dma_start3A_12 = tpu.memref_slice %arg6[%mul3A_2] : memref<131072xi32, #tpu.memory_space<vmem_shared>> -> memref<8192xi32, #tpu.memory_space<vmem_shared>>
        tpu.enqueue_dma source(%dma_start3A_12 : memref<8192xi32, #tpu.memory_space<vmem_shared>>) target(%dma_start3A_11 : memref<8192xi32, #tpu.memory_space<hbm>>) target_semaphore(%run_scoped3A : memref<!tpu.dma_semaphore, #tpu.memory_space<semaphore_mem>>)
        %dma_wait3A_13 = tpu.memref_slice %arg3[%mul3A_2] : memref<131072xi32, #tpu.memory_space<hbm>> -> memref<8192xi32, #tpu.memory_space<hbm>>
        %dma_wait3A_14 = tpu.memref_slice %arg6[%mul3A_2] : memref<131072xi32, #tpu.memory_space<vmem_shared>> -> memref<8192xi32, #tpu.memory_space<vmem_shared>>
        tpu.wait_dma2 semaphore(%run_scoped3A : memref<!tpu.dma_semaphore, #tpu.memory_space<semaphore_mem>>) src(%dma_wait3A_14 : memref<8192xi32, #tpu.memory_space<vmem_shared>>) dst(%dma_wait3A_13 : memref<8192xi32, #tpu.memory_space<hbm>>)
        tpu.yield
      }) : () -> ()
    } else {
    }
    return
  }
}

module attributes {stable_mosaic.version = 14 : i64} {
  func.func @_k_mm1(%arg0: i32, %arg1: memref<131x6400xbf16, #tpu.memory_space<vmem>>, %arg2: memref<64x131xf32, #tpu.memory_space<vmem>>, %arg3: memref<64x1xf32, #tpu.memory_space<vmem>>, %arg4: memref<64x6400xf32, #tpu.memory_space<vmem>>, %arg5: memref<64x1xf32, #tpu.memory_space<vmem>>, %arg6: memref<64x128xf32, #tpu.memory_space<vmem>>) attributes {dimension_semantics = [#tpu.dimension_semantics<arbitrary>], iteration_bounds = array<i64: 16>, scalar_prefetch = 0 : i64, scratch_operands = 1 : i64, tpu.core_type = #tpu.core_type<tc>, window_params = [{transform_indices = @transform_0, window_bounds = array<i64: 131, 6400>}, {pipeline_mode = #tpu.pipeline_mode<synchronous>, transform_indices = @transform_1, window_bounds = array<i64: 64, 131>}, {pipeline_mode = #tpu.pipeline_mode<synchronous>, transform_indices = @transform_2, window_bounds = array<i64: 64, 1>}, {transform_indices = @transform_3, window_bounds = array<i64: 64, 6400>}, {pipeline_mode = #tpu.pipeline_mode<synchronous>, transform_indices = @transform_4, window_bounds = array<i64: 64, 1>}]} {
    %get3A = arith.constant 0 : index
    %get3A_0 = arith.constant 0 : index
    %get3A_1 = vector.load %arg2[%get3A, %get3A_0] : memref<64x131xf32, #tpu.memory_space<vmem>>, vector<64x131xf32>
    %get3A_2 = arith.constant 0 : index
    %get3A_3 = arith.constant 0 : index
    %get3A_4 = vector.load %arg1[%get3A_2, %get3A_3] : memref<131x6400xbf16, #tpu.memory_space<vmem>>, vector<131x6400xbf16>
    %dot_general3A = arith.constant dense<0.000000e+00> : vector<64x6400xf32>
    %dot_general3A_5 = tpu.matmul %get3A_1, %get3A_4, %dot_general3A {dimension_numbers = #tpu.dot_dimension_numbers<[1], [0], [0], [1], [0, 0, 1, 1], [], []>, transpose_lhs_hint = false} : vector<64x131xf32>, vector<131x6400xbf16>, vector<64x6400xf32> -> vector<64x6400xf32>
    %get3A_6 = arith.constant 0 : index
    %get3A_7 = arith.constant 0 : index
    %get3A_8 = vector.load %arg3[%get3A_6, %get3A_7] : memref<64x1xf32, #tpu.memory_space<vmem>>, vector<64x1xf32>
    %add3A = vector.broadcast %get3A_8 : vector<64x1xf32> to vector<64x6400xf32>
    %add3A_9 = arith.addf %dot_general3A_5, %add3A : vector<64x6400xf32>
    %swap3A = arith.constant 0 : index
    %swap3A_10 = arith.constant 0 : index
    %swap3A_11 = vector.load %arg4[%swap3A, %swap3A_10] : memref<64x6400xf32, #tpu.memory_space<vmem>>, vector<64x6400xf32>
    tpu.vector_store %arg4[%swap3A, %swap3A_10], %add3A_9 {strides = array<i32>} : memref<64x6400xf32, #tpu.memory_space<vmem>>, vector<64x6400xf32>,
    %eq3A = arith.constant 0 : i32
    %eq3A_12 = arith.cmpi eq, %arg0, %eq3A : i32
    %convert_element_type3A = arith.extui %eq3A_12 : i1 to i32
    %cond3A = arith.constant 0 : i32
    %cond3A_13 = arith.cmpi ne, %convert_element_type3A, %cond3A : i32
    scf.if %cond3A_13 {
      %broadcast_in_dim3A_423 = arith.constant 0.000000e+00 : f32
      %broadcast_in_dim3A_424 = vector.broadcast %broadcast_in_dim3A_423 : f32 to vector<64x128xf32>
      %swap3A_425 = arith.constant 0 : index
      %swap3A_426 = arith.constant 0 : index
      %swap3A_427 = vector.load %arg6[%swap3A_425, %swap3A_426] : memref<64x128xf32, #tpu.memory_space<vmem>>, vector<64x128xf32>
      tpu.vector_store %arg6[%swap3A_425, %swap3A_426], %broadcast_in_dim3A_424 {strides = array<i32>} : memref<64x128xf32, #tpu.memory_space<vmem>>, vector<64x128xf32>,
    } else {
    }
    %mul3A = arith.constant 6400 : i32
    %mul3A_14 = arith.muli %arg0, %mul3A : i32
    %iota3A = tpu.iota {dimensions = array<i32: 1>} : vector<64x6400xi32>
    %add3A_15 = vector.broadcast %mul3A_14 : i32 to vector<64x6400xi32>
    %add3A_16 = arith.addi %add3A_15, %iota3A : vector<64x6400xi32>
    %lt3A = arith.constant 100000 : i32
    %lt3A_17 = vector.broadcast %lt3A : i32 to vector<64x6400xi32>
    %lt3A_18 = arith.cmpi slt, %add3A_16, %lt3A_17 : vector<64x6400xi32>
    %jit3A = arith.constant 0.000000e+00 : f32
    %broadcast_in_dim3A = vector.broadcast %jit3A : f32 to vector<64x6400xf32>
    %select_n3A = arith.select %lt3A_18, %add3A_9, %broadcast_in_dim3A : vector<64x6400xi1>, vector<64x6400xf32>
    %get3A_19 = arith.constant 0 : index
    %get3A_20 = arith.constant 0 : index
    %get3A_21 = vector.load %arg6[%get3A_19, %get3A_20] : memref<64x128xf32, #tpu.memory_space<vmem>>, vector<64x128xf32>
    %slice3A = vector.extract_strided_slice %select_n3A {offsets = [0, 0], sizes = [64, 128], strides = [1, 1]} : vector<64x6400xf32> to vector<64x128xf32>
    %add3A_22 = arith.addf %get3A_21, %slice3A : vector<64x128xf32>
    %swap3A_23 = arith.constant 0 : index
    %swap3A_24 = arith.constant 0 : index
    %swap3A_25 = vector.load %arg6[%swap3A_23, %swap3A_24] : memref<64x128xf32, #tpu.memory_space<vmem>>, vector<64x128xf32>
    tpu.vector_store %arg6[%swap3A_23, %swap3A_24], %add3A_22 {strides = array<i32>} : memref<64x128xf32, #tpu.memory_space<vmem>>, vector<64x128xf32>,
    %get3A_26 = arith.constant 0 : index
    %get3A_27 = arith.constant 0 : index
    %get3A_28 = vector.load %arg6[%get3A_26, %get3A_27] : memref<64x128xf32, #tpu.memory_space<vmem>>, vector<64x128xf32>
    %slice3A_29 = vector.extract_strided_slice %select_n3A {offsets = [0, 128], sizes = [64, 128], strides = [1, 1]} : vector<64x6400xf32> to vector<64x128xf32>
    %add3A_30 = arith.addf %get3A_28, %slice3A_29 : vector<64x128xf32>
    %swap3A_31 = arith.constant 0 : index
    %swap3A_32 = arith.constant 0 : index
    %swap3A_33 = vector.load %arg6[%swap3A_31, %swap3A_32] : memref<64x128xf32, #tpu.memory_space<vmem>>, vector<64x128xf32>
    tpu.vector_store %arg6[%swap3A_31, %swap3A_32], %add3A_30 {strides = array<i32>} : memref<64x128xf32, #tpu.memory_space<vmem>>, vector<64x128xf32>,
    %get3A_34 = arith.constant 0 : index
    %get3A_35 = arith.constant 0 : index
    %get3A_36 = vector.load %arg6[%get3A_34, %get3A_35] : memref<64x128xf32, #tpu.memory_space<vmem>>, vector<64x128xf32>
    %slice3A_37 = vector.extract_strided_slice %select_n3A {offsets = [0, 256], sizes = [64, 128], strides = [1, 1]} : vector<64x6400xf32> to vector<64x128xf32>
    %add3A_38 = arith.addf %get3A_36, %slice3A_37 : vector<64x128xf32>
    %swap3A_39 = arith.constant 0 : index
    %swap3A_40 = arith.constant 0 : index
    %swap3A_41 = vector.load %arg6[%swap3A_39, %swap3A_40] : memref<64x128xf32, #tpu.memory_space<vmem>>, vector<64x128xf32>
    tpu.vector_store %arg6[%swap3A_39, %swap3A_40], %add3A_38 {strides = array<i32>} : memref<64x128xf32, #tpu.memory_space<vmem>>, vector<64x128xf32>,
    %get3A_42 = arith.constant 0 : index
    %get3A_43 = arith.constant 0 : index
    %get3A_44 = vector.load %arg6[%get3A_42, %get3A_43] : memref<64x128xf32, #tpu.memory_space<vmem>>, vector<64x128xf32>
    %slice3A_45 = vector.extract_strided_slice %select_n3A {offsets = [0, 384], sizes = [64, 128], strides = [1, 1]} : vector<64x6400xf32> to vector<64x128xf32>
    %add3A_46 = arith.addf %get3A_44, %slice3A_45 : vector<64x128xf32>
    %swap3A_47 = arith.constant 0 : index
    %swap3A_48 = arith.constant 0 : index
    %swap3A_49 = vector.load %arg6[%swap3A_47, %swap3A_48] : memref<64x128xf32, #tpu.memory_space<vmem>>, vector<64x128xf32>
    tpu.vector_store %arg6[%swap3A_47, %swap3A_48], %add3A_46 {strides = array<i32>} : memref<64x128xf32, #tpu.memory_space<vmem>>, vector<64x128xf32>,
    %get3A_50 = arith.constant 0 : index
    %get3A_51 = arith.constant 0 : index
    %get3A_52 = vector.load %arg6[%get3A_50, %get3A_51] : memref<64x128xf32, #tpu.memory_space<vmem>>, vector<64x128xf32>
    %slice3A_53 = vector.extract_strided_slice %select_n3A {offsets = [0, 512], sizes = [64, 128], strides = [1, 1]} : vector<64x6400xf32> to vector<64x128xf32>
    %add3A_54 = arith.addf %get3A_52, %slice3A_53 : vector<64x128xf32>
    %swap3A_55 = arith.constant 0 : index
    %swap3A_56 = arith.constant 0 : index
    %swap3A_57 = vector.load %arg6[%swap3A_55, %swap3A_56] : memref<64x128xf32, #tpu.memory_space<vmem>>, vector<64x128xf32>
    tpu.vector_store %arg6[%swap3A_55, %swap3A_56], %add3A_54 {strides = array<i32>} : memref<64x128xf32, #tpu.memory_space<vmem>>, vector<64x128xf32>,
    %get3A_58 = arith.constant 0 : index
    %get3A_59 = arith.constant 0 : index
    %get3A_60 = vector.load %arg6[%get3A_58, %get3A_59] : memref<64x128xf32, #tpu.memory_space<vmem>>, vector<64x128xf32>
    %slice3A_61 = vector.extract_strided_slice %select_n3A {offsets = [0, 640], sizes = [64, 128], strides = [1, 1]} : vector<64x6400xf32> to vector<64x128xf32>
    %add3A_62 = arith.addf %get3A_60, %slice3A_61 : vector<64x128xf32>
    %swap3A_63 = arith.constant 0 : index
    %swap3A_64 = arith.constant 0 : index
    %swap3A_65 = vector.load %arg6[%swap3A_63, %swap3A_64] : memref<64x128xf32, #tpu.memory_space<vmem>>, vector<64x128xf32>
    tpu.vector_store %arg6[%swap3A_63, %swap3A_64], %add3A_62 {strides = array<i32>} : memref<64x128xf32, #tpu.memory_space<vmem>>, vector<64x128xf32>,
    %get3A_66 = arith.constant 0 : index
    %get3A_67 = arith.constant 0 : index
    %get3A_68 = vector.load %arg6[%get3A_66, %get3A_67] : memref<64x128xf32, #tpu.memory_space<vmem>>, vector<64x128xf32>
    %slice3A_69 = vector.extract_strided_slice %select_n3A {offsets = [0, 768], sizes = [64, 128], strides = [1, 1]} : vector<64x6400xf32> to vector<64x128xf32>
    %add3A_70 = arith.addf %get3A_68, %slice3A_69 : vector<64x128xf32>
    %swap3A_71 = arith.constant 0 : index
    %swap3A_72 = arith.constant 0 : index
    %swap3A_73 = vector.load %arg6[%swap3A_71, %swap3A_72] : memref<64x128xf32, #tpu.memory_space<vmem>>, vector<64x128xf32>
    tpu.vector_store %arg6[%swap3A_71, %swap3A_72], %add3A_70 {strides = array<i32>} : memref<64x128xf32, #tpu.memory_space<vmem>>, vector<64x128xf32>,
    %get3A_74 = arith.constant 0 : index
    %get3A_75 = arith.constant 0 : index
    %get3A_76 = vector.load %arg6[%get3A_74, %get3A_75] : memref<64x128xf32, #tpu.memory_space<vmem>>, vector<64x128xf32>
    %slice3A_77 = vector.extract_strided_slice %select_n3A {offsets = [0, 896], sizes = [64, 128], strides = [1, 1]} : vector<64x6400xf32> to vector<64x128xf32>
    %add3A_78 = arith.addf %get3A_76, %slice3A_77 : vector<64x128xf32>
    %swap3A_79 = arith.constant 0 : index
    %swap3A_80 = arith.constant 0 : index
    %swap3A_81 = vector.load %arg6[%swap3A_79, %swap3A_80] : memref<64x128xf32, #tpu.memory_space<vmem>>, vector<64x128xf32>
    tpu.vector_store %arg6[%swap3A_79, %swap3A_80], %add3A_78 {strides = array<i32>} : memref<64x128xf32, #tpu.memory_space<vmem>>, vector<64x128xf32>,
    %get3A_82 = arith.constant 0 : index
    %get3A_83 = arith.constant 0 : index
    %get3A_84 = vector.load %arg6[%get3A_82, %get3A_83] : memref<64x128xf32, #tpu.memory_space<vmem>>, vector<64x128xf32>
    %slice3A_85 = vector.extract_strided_slice %select_n3A {offsets = [0, 1024], sizes = [64, 128], strides = [1, 1]} : vector<64x6400xf32> to vector<64x128xf32>
    %add3A_86 = arith.addf %get3A_84, %slice3A_85 : vector<64x128xf32>
    %swap3A_87 = arith.constant 0 : index
    %swap3A_88 = arith.constant 0 : index
    %swap3A_89 = vector.load %arg6[%swap3A_87, %swap3A_88] : memref<64x128xf32, #tpu.memory_space<vmem>>, vector<64x128xf32>
    tpu.vector_store %arg6[%swap3A_87, %swap3A_88], %add3A_86 {strides = array<i32>} : memref<64x128xf32, #tpu.memory_space<vmem>>, vector<64x128xf32>,
    %get3A_90 = arith.constant 0 : index
    %get3A_91 = arith.constant 0 : index
    %get3A_92 = vector.load %arg6[%get3A_90, %get3A_91] : memref<64x128xf32, #tpu.memory_space<vmem>>, vector<64x128xf32>
    %slice3A_93 = vector.extract_strided_slice %select_n3A {offsets = [0, 1152], sizes = [64, 128], strides = [1, 1]} : vector<64x6400xf32> to vector<64x128xf32>
    %add3A_94 = arith.addf %get3A_92, %slice3A_93 : vector<64x128xf32>
    %swap3A_95 = arith.constant 0 : index
    %swap3A_96 = arith.constant 0 : index
    %swap3A_97 = vector.load %arg6[%swap3A_95, %swap3A_96] : memref<64x128xf32, #tpu.memory_space<vmem>>, vector<64x128xf32>
    tpu.vector_store %arg6[%swap3A_95, %swap3A_96], %add3A_94 {strides = array<i32>} : memref<64x128xf32, #tpu.memory_space<vmem>>, vector<64x128xf32>,
    %get3A_98 = arith.constant 0 : index
    %get3A_99 = arith.constant 0 : index
    %get3A_100 = vector.load %arg6[%get3A_98, %get3A_99] : memref<64x128xf32, #tpu.memory_space<vmem>>, vector<64x128xf32>
    %slice3A_101 = vector.extract_strided_slice %select_n3A {offsets = [0, 1280], sizes = [64, 128], strides = [1, 1]} : vector<64x6400xf32> to vector<64x128xf32>
    %add3A_102 = arith.addf %get3A_100, %slice3A_101 : vector<64x128xf32>
    %swap3A_103 = arith.constant 0 : index
    %swap3A_104 = arith.constant 0 : index
    %swap3A_105 = vector.load %arg6[%swap3A_103, %swap3A_104] : memref<64x128xf32, #tpu.memory_space<vmem>>, vector<64x128xf32>
    tpu.vector_store %arg6[%swap3A_103, %swap3A_104], %add3A_102 {strides = array<i32>} : memref<64x128xf32, #tpu.memory_space<vmem>>, vector<64x128xf32>,
    %get3A_106 = arith.constant 0 : index
    %get3A_107 = arith.constant 0 : index
    %get3A_108 = vector.load %arg6[%get3A_106, %get3A_107] : memref<64x128xf32, #tpu.memory_space<vmem>>, vector<64x128xf32>
    %slice3A_109 = vector.extract_strided_slice %select_n3A {offsets = [0, 1408], sizes = [64, 128], strides = [1, 1]} : vector<64x6400xf32> to vector<64x128xf32>
    %add3A_110 = arith.addf %get3A_108, %slice3A_109 : vector<64x128xf32>
    %swap3A_111 = arith.constant 0 : index
    %swap3A_112 = arith.constant 0 : index
    %swap3A_113 = vector.load %arg6[%swap3A_111, %swap3A_112] : memref<64x128xf32, #tpu.memory_space<vmem>>, vector<64x128xf32>
    tpu.vector_store %arg6[%swap3A_111, %swap3A_112], %add3A_110 {strides = array<i32>} : memref<64x128xf32, #tpu.memory_space<vmem>>, vector<64x128xf32>,
    %get3A_114 = arith.constant 0 : index
    %get3A_115 = arith.constant 0 : index
    %get3A_116 = vector.load %arg6[%get3A_114, %get3A_115] : memref<64x128xf32, #tpu.memory_space<vmem>>, vector<64x128xf32>
    %slice3A_117 = vector.extract_strided_slice %select_n3A {offsets = [0, 1536], sizes = [64, 128], strides = [1, 1]} : vector<64x6400xf32> to vector<64x128xf32>
    %add3A_118 = arith.addf %get3A_116, %slice3A_117 : vector<64x128xf32>
    %swap3A_119 = arith.constant 0 : index
    %swap3A_120 = arith.constant 0 : index
    %swap3A_121 = vector.load %arg6[%swap3A_119, %swap3A_120] : memref<64x128xf32, #tpu.memory_space<vmem>>, vector<64x128xf32>
    tpu.vector_store %arg6[%swap3A_119, %swap3A_120], %add3A_118 {strides = array<i32>} : memref<64x128xf32, #tpu.memory_space<vmem>>, vector<64x128xf32>,
    %get3A_122 = arith.constant 0 : index
    %get3A_123 = arith.constant 0 : index
    %get3A_124 = vector.load %arg6[%get3A_122, %get3A_123] : memref<64x128xf32, #tpu.memory_space<vmem>>, vector<64x128xf32>
    %slice3A_125 = vector.extract_strided_slice %select_n3A {offsets = [0, 1664], sizes = [64, 128], strides = [1, 1]} : vector<64x6400xf32> to vector<64x128xf32>
    %add3A_126 = arith.addf %get3A_124, %slice3A_125 : vector<64x128xf32>
    %swap3A_127 = arith.constant 0 : index
    %swap3A_128 = arith.constant 0 : index
    %swap3A_129 = vector.load %arg6[%swap3A_127, %swap3A_128] : memref<64x128xf32, #tpu.memory_space<vmem>>, vector<64x128xf32>
    tpu.vector_store %arg6[%swap3A_127, %swap3A_128], %add3A_126 {strides = array<i32>} : memref<64x128xf32, #tpu.memory_space<vmem>>, vector<64x128xf32>,
    %get3A_130 = arith.constant 0 : index
    %get3A_131 = arith.constant 0 : index
    %get3A_132 = vector.load %arg6[%get3A_130, %get3A_131] : memref<64x128xf32, #tpu.memory_space<vmem>>, vector<64x128xf32>
    %slice3A_133 = vector.extract_strided_slice %select_n3A {offsets = [0, 1792], sizes = [64, 128], strides = [1, 1]} : vector<64x6400xf32> to vector<64x128xf32>
    %add3A_134 = arith.addf %get3A_132, %slice3A_133 : vector<64x128xf32>
    %swap3A_135 = arith.constant 0 : index
    %swap3A_136 = arith.constant 0 : index
    %swap3A_137 = vector.load %arg6[%swap3A_135, %swap3A_136] : memref<64x128xf32, #tpu.memory_space<vmem>>, vector<64x128xf32>
    tpu.vector_store %arg6[%swap3A_135, %swap3A_136], %add3A_134 {strides = array<i32>} : memref<64x128xf32, #tpu.memory_space<vmem>>, vector<64x128xf32>,
    %get3A_138 = arith.constant 0 : index
    %get3A_139 = arith.constant 0 : index
    %get3A_140 = vector.load %arg6[%get3A_138, %get3A_139] : memref<64x128xf32, #tpu.memory_space<vmem>>, vector<64x128xf32>
    %slice3A_141 = vector.extract_strided_slice %select_n3A {offsets = [0, 1920], sizes = [64, 128], strides = [1, 1]} : vector<64x6400xf32> to vector<64x128xf32>
    %add3A_142 = arith.addf %get3A_140, %slice3A_141 : vector<64x128xf32>
    %swap3A_143 = arith.constant 0 : index
    %swap3A_144 = arith.constant 0 : index
    %swap3A_145 = vector.load %arg6[%swap3A_143, %swap3A_144] : memref<64x128xf32, #tpu.memory_space<vmem>>, vector<64x128xf32>
    tpu.vector_store %arg6[%swap3A_143, %swap3A_144], %add3A_142 {strides = array<i32>} : memref<64x128xf32, #tpu.memory_space<vmem>>, vector<64x128xf32>,
    %get3A_146 = arith.constant 0 : index
    %get3A_147 = arith.constant 0 : index
    %get3A_148 = vector.load %arg6[%get3A_146, %get3A_147] : memref<64x128xf32, #tpu.memory_space<vmem>>, vector<64x128xf32>
    %slice3A_149 = vector.extract_strided_slice %select_n3A {offsets = [0, 2048], sizes = [64, 128], strides = [1, 1]} : vector<64x6400xf32> to vector<64x128xf32>
    %add3A_150 = arith.addf %get3A_148, %slice3A_149 : vector<64x128xf32>
    %swap3A_151 = arith.constant 0 : index
    %swap3A_152 = arith.constant 0 : index
    %swap3A_153 = vector.load %arg6[%swap3A_151, %swap3A_152] : memref<64x128xf32, #tpu.memory_space<vmem>>, vector<64x128xf32>
    tpu.vector_store %arg6[%swap3A_151, %swap3A_152], %add3A_150 {strides = array<i32>} : memref<64x128xf32, #tpu.memory_space<vmem>>, vector<64x128xf32>,
    %get3A_154 = arith.constant 0 : index
    %get3A_155 = arith.constant 0 : index
    %get3A_156 = vector.load %arg6[%get3A_154, %get3A_155] : memref<64x128xf32, #tpu.memory_space<vmem>>, vector<64x128xf32>
    %slice3A_157 = vector.extract_strided_slice %select_n3A {offsets = [0, 2176], sizes = [64, 128], strides = [1, 1]} : vector<64x6400xf32> to vector<64x128xf32>
    %add3A_158 = arith.addf %get3A_156, %slice3A_157 : vector<64x128xf32>
    %swap3A_159 = arith.constant 0 : index
    %swap3A_160 = arith.constant 0 : index
    %swap3A_161 = vector.load %arg6[%swap3A_159, %swap3A_160] : memref<64x128xf32, #tpu.memory_space<vmem>>, vector<64x128xf32>
    tpu.vector_store %arg6[%swap3A_159, %swap3A_160], %add3A_158 {strides = array<i32>} : memref<64x128xf32, #tpu.memory_space<vmem>>, vector<64x128xf32>,
    %get3A_162 = arith.constant 0 : index
    %get3A_163 = arith.constant 0 : index
    %get3A_164 = vector.load %arg6[%get3A_162, %get3A_163] : memref<64x128xf32, #tpu.memory_space<vmem>>, vector<64x128xf32>
    %slice3A_165 = vector.extract_strided_slice %select_n3A {offsets = [0, 2304], sizes = [64, 128], strides = [1, 1]} : vector<64x6400xf32> to vector<64x128xf32>
    %add3A_166 = arith.addf %get3A_164, %slice3A_165 : vector<64x128xf32>
    %swap3A_167 = arith.constant 0 : index
    %swap3A_168 = arith.constant 0 : index
    %swap3A_169 = vector.load %arg6[%swap3A_167, %swap3A_168] : memref<64x128xf32, #tpu.memory_space<vmem>>, vector<64x128xf32>
    tpu.vector_store %arg6[%swap3A_167, %swap3A_168], %add3A_166 {strides = array<i32>} : memref<64x128xf32, #tpu.memory_space<vmem>>, vector<64x128xf32>,
    %get3A_170 = arith.constant 0 : index
    %get3A_171 = arith.constant 0 : index
    %get3A_172 = vector.load %arg6[%get3A_170, %get3A_171] : memref<64x128xf32, #tpu.memory_space<vmem>>, vector<64x128xf32>
    %slice3A_173 = vector.extract_strided_slice %select_n3A {offsets = [0, 2432], sizes = [64, 128], strides = [1, 1]} : vector<64x6400xf32> to vector<64x128xf32>
    %add3A_174 = arith.addf %get3A_172, %slice3A_173 : vector<64x128xf32>
    %swap3A_175 = arith.constant 0 : index
    %swap3A_176 = arith.constant 0 : index
    %swap3A_177 = vector.load %arg6[%swap3A_175, %swap3A_176] : memref<64x128xf32, #tpu.memory_space<vmem>>, vector<64x128xf32>
    tpu.vector_store %arg6[%swap3A_175, %swap3A_176], %add3A_174 {strides = array<i32>} : memref<64x128xf32, #tpu.memory_space<vmem>>, vector<64x128xf32>,
    %get3A_178 = arith.constant 0 : index
    %get3A_179 = arith.constant 0 : index
    %get3A_180 = vector.load %arg6[%get3A_178, %get3A_179] : memref<64x128xf32, #tpu.memory_space<vmem>>, vector<64x128xf32>
    %slice3A_181 = vector.extract_strided_slice %select_n3A {offsets = [0, 2560], sizes = [64, 128], strides = [1, 1]} : vector<64x6400xf32> to vector<64x128xf32>
    %add3A_182 = arith.addf %get3A_180, %slice3A_181 : vector<64x128xf32>
    %swap3A_183 = arith.constant 0 : index
    %swap3A_184 = arith.constant 0 : index
    %swap3A_185 = vector.load %arg6[%swap3A_183, %swap3A_184] : memref<64x128xf32, #tpu.memory_space<vmem>>, vector<64x128xf32>
    tpu.vector_store %arg6[%swap3A_183, %swap3A_184], %add3A_182 {strides = array<i32>} : memref<64x128xf32, #tpu.memory_space<vmem>>, vector<64x128xf32>,
    %get3A_186 = arith.constant 0 : index
    %get3A_187 = arith.constant 0 : index
    %get3A_188 = vector.load %arg6[%get3A_186, %get3A_187] : memref<64x128xf32, #tpu.memory_space<vmem>>, vector<64x128xf32>
    %slice3A_189 = vector.extract_strided_slice %select_n3A {offsets = [0, 2688], sizes = [64, 128], strides = [1, 1]} : vector<64x6400xf32> to vector<64x128xf32>
    %add3A_190 = arith.addf %get3A_188, %slice3A_189 : vector<64x128xf32>
    %swap3A_191 = arith.constant 0 : index
    %swap3A_192 = arith.constant 0 : index
    %swap3A_193 = vector.load %arg6[%swap3A_191, %swap3A_192] : memref<64x128xf32, #tpu.memory_space<vmem>>, vector<64x128xf32>
    tpu.vector_store %arg6[%swap3A_191, %swap3A_192], %add3A_190 {strides = array<i32>} : memref<64x128xf32, #tpu.memory_space<vmem>>, vector<64x128xf32>,
    %get3A_194 = arith.constant 0 : index
    %get3A_195 = arith.constant 0 : index
    %get3A_196 = vector.load %arg6[%get3A_194, %get3A_195] : memref<64x128xf32, #tpu.memory_space<vmem>>, vector<64x128xf32>
    %slice3A_197 = vector.extract_strided_slice %select_n3A {offsets = [0, 2816], sizes = [64, 128], strides = [1, 1]} : vector<64x6400xf32> to vector<64x128xf32>
    %add3A_198 = arith.addf %get3A_196, %slice3A_197 : vector<64x128xf32>
    %swap3A_199 = arith.constant 0 : index
    %swap3A_200 = arith.constant 0 : index
    %swap3A_201 = vector.load %arg6[%swap3A_199, %swap3A_200] : memref<64x128xf32, #tpu.memory_space<vmem>>, vector<64x128xf32>
    tpu.vector_store %arg6[%swap3A_199, %swap3A_200], %add3A_198 {strides = array<i32>} : memref<64x128xf32, #tpu.memory_space<vmem>>, vector<64x128xf32>,
    %get3A_202 = arith.constant 0 : index
    %get3A_203 = arith.constant 0 : index
    %get3A_204 = vector.load %arg6[%get3A_202, %get3A_203] : memref<64x128xf32, #tpu.memory_space<vmem>>, vector<64x128xf32>
    %slice3A_205 = vector.extract_strided_slice %select_n3A {offsets = [0, 2944], sizes = [64, 128], strides = [1, 1]} : vector<64x6400xf32> to vector<64x128xf32>
    %add3A_206 = arith.addf %get3A_204, %slice3A_205 : vector<64x128xf32>
    %swap3A_207 = arith.constant 0 : index
    %swap3A_208 = arith.constant 0 : index
    %swap3A_209 = vector.load %arg6[%swap3A_207, %swap3A_208] : memref<64x128xf32, #tpu.memory_space<vmem>>, vector<64x128xf32>
    tpu.vector_store %arg6[%swap3A_207, %swap3A_208], %add3A_206 {strides = array<i32>} : memref<64x128xf32, #tpu.memory_space<vmem>>, vector<64x128xf32>,
    %get3A_210 = arith.constant 0 : index
    %get3A_211 = arith.constant 0 : index
    %get3A_212 = vector.load %arg6[%get3A_210, %get3A_211] : memref<64x128xf32, #tpu.memory_space<vmem>>, vector<64x128xf32>
    %slice3A_213 = vector.extract_strided_slice %select_n3A {offsets = [0, 3072], sizes = [64, 128], strides = [1, 1]} : vector<64x6400xf32> to vector<64x128xf32>
    %add3A_214 = arith.addf %get3A_212, %slice3A_213 : vector<64x128xf32>
    %swap3A_215 = arith.constant 0 : index
    %swap3A_216 = arith.constant 0 : index
    %swap3A_217 = vector.load %arg6[%swap3A_215, %swap3A_216] : memref<64x128xf32, #tpu.memory_space<vmem>>, vector<64x128xf32>
    tpu.vector_store %arg6[%swap3A_215, %swap3A_216], %add3A_214 {strides = array<i32>} : memref<64x128xf32, #tpu.memory_space<vmem>>, vector<64x128xf32>,
    %get3A_218 = arith.constant 0 : index
    %get3A_219 = arith.constant 0 : index
    %get3A_220 = vector.load %arg6[%get3A_218, %get3A_219] : memref<64x128xf32, #tpu.memory_space<vmem>>, vector<64x128xf32>
    %slice3A_221 = vector.extract_strided_slice %select_n3A {offsets = [0, 3200], sizes = [64, 128], strides = [1, 1]} : vector<64x6400xf32> to vector<64x128xf32>
    %add3A_222 = arith.addf %get3A_220, %slice3A_221 : vector<64x128xf32>
    %swap3A_223 = arith.constant 0 : index
    %swap3A_224 = arith.constant 0 : index
    %swap3A_225 = vector.load %arg6[%swap3A_223, %swap3A_224] : memref<64x128xf32, #tpu.memory_space<vmem>>, vector<64x128xf32>
    tpu.vector_store %arg6[%swap3A_223, %swap3A_224], %add3A_222 {strides = array<i32>} : memref<64x128xf32, #tpu.memory_space<vmem>>, vector<64x128xf32>,
    %get3A_226 = arith.constant 0 : index
    %get3A_227 = arith.constant 0 : index
    %get3A_228 = vector.load %arg6[%get3A_226, %get3A_227] : memref<64x128xf32, #tpu.memory_space<vmem>>, vector<64x128xf32>
    %slice3A_229 = vector.extract_strided_slice %select_n3A {offsets = [0, 3328], sizes = [64, 128], strides = [1, 1]} : vector<64x6400xf32> to vector<64x128xf32>
    %add3A_230 = arith.addf %get3A_228, %slice3A_229 : vector<64x128xf32>
    %swap3A_231 = arith.constant 0 : index
    %swap3A_232 = arith.constant 0 : index
    %swap3A_233 = vector.load %arg6[%swap3A_231, %swap3A_232] : memref<64x128xf32, #tpu.memory_space<vmem>>, vector<64x128xf32>
    tpu.vector_store %arg6[%swap3A_231, %swap3A_232], %add3A_230 {strides = array<i32>} : memref<64x128xf32, #tpu.memory_space<vmem>>, vector<64x128xf32>,
    %get3A_234 = arith.constant 0 : index
    %get3A_235 = arith.constant 0 : index
    %get3A_236 = vector.load %arg6[%get3A_234, %get3A_235] : memref<64x128xf32, #tpu.memory_space<vmem>>, vector<64x128xf32>
    %slice3A_237 = vector.extract_strided_slice %select_n3A {offsets = [0, 3456], sizes = [64, 128], strides = [1, 1]} : vector<64x6400xf32> to vector<64x128xf32>
    %add3A_238 = arith.addf %get3A_236, %slice3A_237 : vector<64x128xf32>
    %swap3A_239 = arith.constant 0 : index
    %swap3A_240 = arith.constant 0 : index
    %swap3A_241 = vector.load %arg6[%swap3A_239, %swap3A_240] : memref<64x128xf32, #tpu.memory_space<vmem>>, vector<64x128xf32>
    tpu.vector_store %arg6[%swap3A_239, %swap3A_240], %add3A_238 {strides = array<i32>} : memref<64x128xf32, #tpu.memory_space<vmem>>, vector<64x128xf32>,
    %get3A_242 = arith.constant 0 : index
    %get3A_243 = arith.constant 0 : index
    %get3A_244 = vector.load %arg6[%get3A_242, %get3A_243] : memref<64x128xf32, #tpu.memory_space<vmem>>, vector<64x128xf32>
    %slice3A_245 = vector.extract_strided_slice %select_n3A {offsets = [0, 3584], sizes = [64, 128], strides = [1, 1]} : vector<64x6400xf32> to vector<64x128xf32>
    %add3A_246 = arith.addf %get3A_244, %slice3A_245 : vector<64x128xf32>
    %swap3A_247 = arith.constant 0 : index
    %swap3A_248 = arith.constant 0 : index
    %swap3A_249 = vector.load %arg6[%swap3A_247, %swap3A_248] : memref<64x128xf32, #tpu.memory_space<vmem>>, vector<64x128xf32>
    tpu.vector_store %arg6[%swap3A_247, %swap3A_248], %add3A_246 {strides = array<i32>} : memref<64x128xf32, #tpu.memory_space<vmem>>, vector<64x128xf32>,
    %get3A_250 = arith.constant 0 : index
    %get3A_251 = arith.constant 0 : index
    %get3A_252 = vector.load %arg6[%get3A_250, %get3A_251] : memref<64x128xf32, #tpu.memory_space<vmem>>, vector<64x128xf32>
    %slice3A_253 = vector.extract_strided_slice %select_n3A {offsets = [0, 3712], sizes = [64, 128], strides = [1, 1]} : vector<64x6400xf32> to vector<64x128xf32>
    %add3A_254 = arith.addf %get3A_252, %slice3A_253 : vector<64x128xf32>
    %swap3A_255 = arith.constant 0 : index
    %swap3A_256 = arith.constant 0 : index
    %swap3A_257 = vector.load %arg6[%swap3A_255, %swap3A_256] : memref<64x128xf32, #tpu.memory_space<vmem>>, vector<64x128xf32>
    tpu.vector_store %arg6[%swap3A_255, %swap3A_256], %add3A_254 {strides = array<i32>} : memref<64x128xf32, #tpu.memory_space<vmem>>, vector<64x128xf32>,
    %get3A_258 = arith.constant 0 : index
    %get3A_259 = arith.constant 0 : index
    %get3A_260 = vector.load %arg6[%get3A_258, %get3A_259] : memref<64x128xf32, #tpu.memory_space<vmem>>, vector<64x128xf32>
    %slice3A_261 = vector.extract_strided_slice %select_n3A {offsets = [0, 3840], sizes = [64, 128], strides = [1, 1]} : vector<64x6400xf32> to vector<64x128xf32>
    %add3A_262 = arith.addf %get3A_260, %slice3A_261 : vector<64x128xf32>
    %swap3A_263 = arith.constant 0 : index
    %swap3A_264 = arith.constant 0 : index
    %swap3A_265 = vector.load %arg6[%swap3A_263, %swap3A_264] : memref<64x128xf32, #tpu.memory_space<vmem>>, vector<64x128xf32>
    tpu.vector_store %arg6[%swap3A_263, %swap3A_264], %add3A_262 {strides = array<i32>} : memref<64x128xf32, #tpu.memory_space<vmem>>, vector<64x128xf32>,
    %get3A_266 = arith.constant 0 : index
    %get3A_267 = arith.constant 0 : index
    %get3A_268 = vector.load %arg6[%get3A_266, %get3A_267] : memref<64x128xf32, #tpu.memory_space<vmem>>, vector<64x128xf32>
    %slice3A_269 = vector.extract_strided_slice %select_n3A {offsets = [0, 3968], sizes = [64, 128], strides = [1, 1]} : vector<64x6400xf32> to vector<64x128xf32>
    %add3A_270 = arith.addf %get3A_268, %slice3A_269 : vector<64x128xf32>
    %swap3A_271 = arith.constant 0 : index
    %swap3A_272 = arith.constant 0 : index
    %swap3A_273 = vector.load %arg6[%swap3A_271, %swap3A_272] : memref<64x128xf32, #tpu.memory_space<vmem>>, vector<64x128xf32>
    tpu.vector_store %arg6[%swap3A_271, %swap3A_272], %add3A_270 {strides = array<i32>} : memref<64x128xf32, #tpu.memory_space<vmem>>, vector<64x128xf32>,
    %get3A_274 = arith.constant 0 : index
    %get3A_275 = arith.constant 0 : index
    %get3A_276 = vector.load %arg6[%get3A_274, %get3A_275] : memref<64x128xf32, #tpu.memory_space<vmem>>, vector<64x128xf32>
    %slice3A_277 = vector.extract_strided_slice %select_n3A {offsets = [0, 4096], sizes = [64, 128], strides = [1, 1]} : vector<64x6400xf32> to vector<64x128xf32>
    %add3A_278 = arith.addf %get3A_276, %slice3A_277 : vector<64x128xf32>
    %swap3A_279 = arith.constant 0 : index
    %swap3A_280 = arith.constant 0 : index
    %swap3A_281 = vector.load %arg6[%swap3A_279, %swap3A_280] : memref<64x128xf32, #tpu.memory_space<vmem>>, vector<64x128xf32>
    tpu.vector_store %arg6[%swap3A_279, %swap3A_280], %add3A_278 {strides = array<i32>} : memref<64x128xf32, #tpu.memory_space<vmem>>, vector<64x128xf32>,
    %get3A_282 = arith.constant 0 : index
    %get3A_283 = arith.constant 0 : index
    %get3A_284 = vector.load %arg6[%get3A_282, %get3A_283] : memref<64x128xf32, #tpu.memory_space<vmem>>, vector<64x128xf32>
    %slice3A_285 = vector.extract_strided_slice %select_n3A {offsets = [0, 4224], sizes = [64, 128], strides = [1, 1]} : vector<64x6400xf32> to vector<64x128xf32>
    %add3A_286 = arith.addf %get3A_284, %slice3A_285 : vector<64x128xf32>
    %swap3A_287 = arith.constant 0 : index
    %swap3A_288 = arith.constant 0 : index
    %swap3A_289 = vector.load %arg6[%swap3A_287, %swap3A_288] : memref<64x128xf32, #tpu.memory_space<vmem>>, vector<64x128xf32>
    tpu.vector_store %arg6[%swap3A_287, %swap3A_288], %add3A_286 {strides = array<i32>} : memref<64x128xf32, #tpu.memory_space<vmem>>, vector<64x128xf32>,
    %get3A_290 = arith.constant 0 : index
    %get3A_291 = arith.constant 0 : index
    %get3A_292 = vector.load %arg6[%get3A_290, %get3A_291] : memref<64x128xf32, #tpu.memory_space<vmem>>, vector<64x128xf32>
    %slice3A_293 = vector.extract_strided_slice %select_n3A {offsets = [0, 4352], sizes = [64, 128], strides = [1, 1]} : vector<64x6400xf32> to vector<64x128xf32>
    %add3A_294 = arith.addf %get3A_292, %slice3A_293 : vector<64x128xf32>
    %swap3A_295 = arith.constant 0 : index
    %swap3A_296 = arith.constant 0 : index
    %swap3A_297 = vector.load %arg6[%swap3A_295, %swap3A_296] : memref<64x128xf32, #tpu.memory_space<vmem>>, vector<64x128xf32>
    tpu.vector_store %arg6[%swap3A_295, %swap3A_296], %add3A_294 {strides = array<i32>} : memref<64x128xf32, #tpu.memory_space<vmem>>, vector<64x128xf32>,
    %get3A_298 = arith.constant 0 : index
    %get3A_299 = arith.constant 0 : index
    %get3A_300 = vector.load %arg6[%get3A_298, %get3A_299] : memref<64x128xf32, #tpu.memory_space<vmem>>, vector<64x128xf32>
    %slice3A_301 = vector.extract_strided_slice %select_n3A {offsets = [0, 4480], sizes = [64, 128], strides = [1, 1]} : vector<64x6400xf32> to vector<64x128xf32>
    %add3A_302 = arith.addf %get3A_300, %slice3A_301 : vector<64x128xf32>
    %swap3A_303 = arith.constant 0 : index
    %swap3A_304 = arith.constant 0 : index
    %swap3A_305 = vector.load %arg6[%swap3A_303, %swap3A_304] : memref<64x128xf32, #tpu.memory_space<vmem>>, vector<64x128xf32>
    tpu.vector_store %arg6[%swap3A_303, %swap3A_304], %add3A_302 {strides = array<i32>} : memref<64x128xf32, #tpu.memory_space<vmem>>, vector<64x128xf32>,
    %get3A_306 = arith.constant 0 : index
    %get3A_307 = arith.constant 0 : index
    %get3A_308 = vector.load %arg6[%get3A_306, %get3A_307] : memref<64x128xf32, #tpu.memory_space<vmem>>, vector<64x128xf32>
    %slice3A_309 = vector.extract_strided_slice %select_n3A {offsets = [0, 4608], sizes = [64, 128], strides = [1, 1]} : vector<64x6400xf32> to vector<64x128xf32>
    %add3A_310 = arith.addf %get3A_308, %slice3A_309 : vector<64x128xf32>
    %swap3A_311 = arith.constant 0 : index
    %swap3A_312 = arith.constant 0 : index
    %swap3A_313 = vector.load %arg6[%swap3A_311, %swap3A_312] : memref<64x128xf32, #tpu.memory_space<vmem>>, vector<64x128xf32>
    tpu.vector_store %arg6[%swap3A_311, %swap3A_312], %add3A_310 {strides = array<i32>} : memref<64x128xf32, #tpu.memory_space<vmem>>, vector<64x128xf32>,
    %get3A_314 = arith.constant 0 : index
    %get3A_315 = arith.constant 0 : index
    %get3A_316 = vector.load %arg6[%get3A_314, %get3A_315] : memref<64x128xf32, #tpu.memory_space<vmem>>, vector<64x128xf32>
    %slice3A_317 = vector.extract_strided_slice %select_n3A {offsets = [0, 4736], sizes = [64, 128], strides = [1, 1]} : vector<64x6400xf32> to vector<64x128xf32>
    %add3A_318 = arith.addf %get3A_316, %slice3A_317 : vector<64x128xf32>
    %swap3A_319 = arith.constant 0 : index
    %swap3A_320 = arith.constant 0 : index
    %swap3A_321 = vector.load %arg6[%swap3A_319, %swap3A_320] : memref<64x128xf32, #tpu.memory_space<vmem>>, vector<64x128xf32>
    tpu.vector_store %arg6[%swap3A_319, %swap3A_320], %add3A_318 {strides = array<i32>} : memref<64x128xf32, #tpu.memory_space<vmem>>, vector<64x128xf32>,
    %get3A_322 = arith.constant 0 : index
    %get3A_323 = arith.constant 0 : index
    %get3A_324 = vector.load %arg6[%get3A_322, %get3A_323] : memref<64x128xf32, #tpu.memory_space<vmem>>, vector<64x128xf32>
    %slice3A_325 = vector.extract_strided_slice %select_n3A {offsets = [0, 4864], sizes = [64, 128], strides = [1, 1]} : vector<64x6400xf32> to vector<64x128xf32>
    %add3A_326 = arith.addf %get3A_324, %slice3A_325 : vector<64x128xf32>
    %swap3A_327 = arith.constant 0 : index
    %swap3A_328 = arith.constant 0 : index
    %swap3A_329 = vector.load %arg6[%swap3A_327, %swap3A_328] : memref<64x128xf32, #tpu.memory_space<vmem>>, vector<64x128xf32>
    tpu.vector_store %arg6[%swap3A_327, %swap3A_328], %add3A_326 {strides = array<i32>} : memref<64x128xf32, #tpu.memory_space<vmem>>, vector<64x128xf32>,
    %get3A_330 = arith.constant 0 : index
    %get3A_331 = arith.constant 0 : index
    %get3A_332 = vector.load %arg6[%get3A_330, %get3A_331] : memref<64x128xf32, #tpu.memory_space<vmem>>, vector<64x128xf32>
    %slice3A_333 = vector.extract_strided_slice %select_n3A {offsets = [0, 4992], sizes = [64, 128], strides = [1, 1]} : vector<64x6400xf32> to vector<64x128xf32>
    %add3A_334 = arith.addf %get3A_332, %slice3A_333 : vector<64x128xf32>
    %swap3A_335 = arith.constant 0 : index
    %swap3A_336 = arith.constant 0 : index
    %swap3A_337 = vector.load %arg6[%swap3A_335, %swap3A_336] : memref<64x128xf32, #tpu.memory_space<vmem>>, vector<64x128xf32>
    tpu.vector_store %arg6[%swap3A_335, %swap3A_336], %add3A_334 {strides = array<i32>} : memref<64x128xf32, #tpu.memory_space<vmem>>, vector<64x128xf32>,
    %get3A_338 = arith.constant 0 : index
    %get3A_339 = arith.constant 0 : index
    %get3A_340 = vector.load %arg6[%get3A_338, %get3A_339] : memref<64x128xf32, #tpu.memory_space<vmem>>, vector<64x128xf32>
    %slice3A_341 = vector.extract_strided_slice %select_n3A {offsets = [0, 5120], sizes = [64, 128], strides = [1, 1]} : vector<64x6400xf32> to vector<64x128xf32>
    %add3A_342 = arith.addf %get3A_340, %slice3A_341 : vector<64x128xf32>
    %swap3A_343 = arith.constant 0 : index
    %swap3A_344 = arith.constant 0 : index
    %swap3A_345 = vector.load %arg6[%swap3A_343, %swap3A_344] : memref<64x128xf32, #tpu.memory_space<vmem>>, vector<64x128xf32>
    tpu.vector_store %arg6[%swap3A_343, %swap3A_344], %add3A_342 {strides = array<i32>} : memref<64x128xf32, #tpu.memory_space<vmem>>, vector<64x128xf32>,
    %get3A_346 = arith.constant 0 : index
    %get3A_347 = arith.constant 0 : index
    %get3A_348 = vector.load %arg6[%get3A_346, %get3A_347] : memref<64x128xf32, #tpu.memory_space<vmem>>, vector<64x128xf32>
    %slice3A_349 = vector.extract_strided_slice %select_n3A {offsets = [0, 5248], sizes = [64, 128], strides = [1, 1]} : vector<64x6400xf32> to vector<64x128xf32>
    %add3A_350 = arith.addf %get3A_348, %slice3A_349 : vector<64x128xf32>
    %swap3A_351 = arith.constant 0 : index
    %swap3A_352 = arith.constant 0 : index
    %swap3A_353 = vector.load %arg6[%swap3A_351, %swap3A_352] : memref<64x128xf32, #tpu.memory_space<vmem>>, vector<64x128xf32>
    tpu.vector_store %arg6[%swap3A_351, %swap3A_352], %add3A_350 {strides = array<i32>} : memref<64x128xf32, #tpu.memory_space<vmem>>, vector<64x128xf32>,
    %get3A_354 = arith.constant 0 : index
    %get3A_355 = arith.constant 0 : index
    %get3A_356 = vector.load %arg6[%get3A_354, %get3A_355] : memref<64x128xf32, #tpu.memory_space<vmem>>, vector<64x128xf32>
    %slice3A_357 = vector.extract_strided_slice %select_n3A {offsets = [0, 5376], sizes = [64, 128], strides = [1, 1]} : vector<64x6400xf32> to vector<64x128xf32>
    %add3A_358 = arith.addf %get3A_356, %slice3A_357 : vector<64x128xf32>
    %swap3A_359 = arith.constant 0 : index
    %swap3A_360 = arith.constant 0 : index
    %swap3A_361 = vector.load %arg6[%swap3A_359, %swap3A_360] : memref<64x128xf32, #tpu.memory_space<vmem>>, vector<64x128xf32>
    tpu.vector_store %arg6[%swap3A_359, %swap3A_360], %add3A_358 {strides = array<i32>} : memref<64x128xf32, #tpu.memory_space<vmem>>, vector<64x128xf32>,
    %get3A_362 = arith.constant 0 : index
    %get3A_363 = arith.constant 0 : index
    %get3A_364 = vector.load %arg6[%get3A_362, %get3A_363] : memref<64x128xf32, #tpu.memory_space<vmem>>, vector<64x128xf32>
    %slice3A_365 = vector.extract_strided_slice %select_n3A {offsets = [0, 5504], sizes = [64, 128], strides = [1, 1]} : vector<64x6400xf32> to vector<64x128xf32>
    %add3A_366 = arith.addf %get3A_364, %slice3A_365 : vector<64x128xf32>
    %swap3A_367 = arith.constant 0 : index
    %swap3A_368 = arith.constant 0 : index
    %swap3A_369 = vector.load %arg6[%swap3A_367, %swap3A_368] : memref<64x128xf32, #tpu.memory_space<vmem>>, vector<64x128xf32>
    tpu.vector_store %arg6[%swap3A_367, %swap3A_368], %add3A_366 {strides = array<i32>} : memref<64x128xf32, #tpu.memory_space<vmem>>, vector<64x128xf32>,
    %get3A_370 = arith.constant 0 : index
    %get3A_371 = arith.constant 0 : index
    %get3A_372 = vector.load %arg6[%get3A_370, %get3A_371] : memref<64x128xf32, #tpu.memory_space<vmem>>, vector<64x128xf32>
    %slice3A_373 = vector.extract_strided_slice %select_n3A {offsets = [0, 5632], sizes = [64, 128], strides = [1, 1]} : vector<64x6400xf32> to vector<64x128xf32>
    %add3A_374 = arith.addf %get3A_372, %slice3A_373 : vector<64x128xf32>
    %swap3A_375 = arith.constant 0 : index
    %swap3A_376 = arith.constant 0 : index
    %swap3A_377 = vector.load %arg6[%swap3A_375, %swap3A_376] : memref<64x128xf32, #tpu.memory_space<vmem>>, vector<64x128xf32>
    tpu.vector_store %arg6[%swap3A_375, %swap3A_376], %add3A_374 {strides = array<i32>} : memref<64x128xf32, #tpu.memory_space<vmem>>, vector<64x128xf32>,
    %get3A_378 = arith.constant 0 : index
    %get3A_379 = arith.constant 0 : index
    %get3A_380 = vector.load %arg6[%get3A_378, %get3A_379] : memref<64x128xf32, #tpu.memory_space<vmem>>, vector<64x128xf32>
    %slice3A_381 = vector.extract_strided_slice %select_n3A {offsets = [0, 5760], sizes = [64, 128], strides = [1, 1]} : vector<64x6400xf32> to vector<64x128xf32>
    %add3A_382 = arith.addf %get3A_380, %slice3A_381 : vector<64x128xf32>
    %swap3A_383 = arith.constant 0 : index
    %swap3A_384 = arith.constant 0 : index
    %swap3A_385 = vector.load %arg6[%swap3A_383, %swap3A_384] : memref<64x128xf32, #tpu.memory_space<vmem>>, vector<64x128xf32>
    tpu.vector_store %arg6[%swap3A_383, %swap3A_384], %add3A_382 {strides = array<i32>} : memref<64x128xf32, #tpu.memory_space<vmem>>, vector<64x128xf32>,
    %get3A_386 = arith.constant 0 : index
    %get3A_387 = arith.constant 0 : index
    %get3A_388 = vector.load %arg6[%get3A_386, %get3A_387] : memref<64x128xf32, #tpu.memory_space<vmem>>, vector<64x128xf32>
    %slice3A_389 = vector.extract_strided_slice %select_n3A {offsets = [0, 5888], sizes = [64, 128], strides = [1, 1]} : vector<64x6400xf32> to vector<64x128xf32>
    %add3A_390 = arith.addf %get3A_388, %slice3A_389 : vector<64x128xf32>
    %swap3A_391 = arith.constant 0 : index
    %swap3A_392 = arith.constant 0 : index
    %swap3A_393 = vector.load %arg6[%swap3A_391, %swap3A_392] : memref<64x128xf32, #tpu.memory_space<vmem>>, vector<64x128xf32>
    tpu.vector_store %arg6[%swap3A_391, %swap3A_392], %add3A_390 {strides = array<i32>} : memref<64x128xf32, #tpu.memory_space<vmem>>, vector<64x128xf32>,
    %get3A_394 = arith.constant 0 : index
    %get3A_395 = arith.constant 0 : index
    %get3A_396 = vector.load %arg6[%get3A_394, %get3A_395] : memref<64x128xf32, #tpu.memory_space<vmem>>, vector<64x128xf32>
    %slice3A_397 = vector.extract_strided_slice %select_n3A {offsets = [0, 6016], sizes = [64, 128], strides = [1, 1]} : vector<64x6400xf32> to vector<64x128xf32>
    %add3A_398 = arith.addf %get3A_396, %slice3A_397 : vector<64x128xf32>
    %swap3A_399 = arith.constant 0 : index
    %swap3A_400 = arith.constant 0 : index
    %swap3A_401 = vector.load %arg6[%swap3A_399, %swap3A_400] : memref<64x128xf32, #tpu.memory_space<vmem>>, vector<64x128xf32>
    tpu.vector_store %arg6[%swap3A_399, %swap3A_400], %add3A_398 {strides = array<i32>} : memref<64x128xf32, #tpu.memory_space<vmem>>, vector<64x128xf32>,
    %get3A_402 = arith.constant 0 : index
    %get3A_403 = arith.constant 0 : index
    %get3A_404 = vector.load %arg6[%get3A_402, %get3A_403] : memref<64x128xf32, #tpu.memory_space<vmem>>, vector<64x128xf32>
    %slice3A_405 = vector.extract_strided_slice %select_n3A {offsets = [0, 6144], sizes = [64, 128], strides = [1, 1]} : vector<64x6400xf32> to vector<64x128xf32>
    %add3A_406 = arith.addf %get3A_404, %slice3A_405 : vector<64x128xf32>
    %swap3A_407 = arith.constant 0 : index
    %swap3A_408 = arith.constant 0 : index
    %swap3A_409 = vector.load %arg6[%swap3A_407, %swap3A_408] : memref<64x128xf32, #tpu.memory_space<vmem>>, vector<64x128xf32>
    tpu.vector_store %arg6[%swap3A_407, %swap3A_408], %add3A_406 {strides = array<i32>} : memref<64x128xf32, #tpu.memory_space<vmem>>, vector<64x128xf32>,
    %get3A_410 = arith.constant 0 : index
    %get3A_411 = arith.constant 0 : index
    %get3A_412 = vector.load %arg6[%get3A_410, %get3A_411] : memref<64x128xf32, #tpu.memory_space<vmem>>, vector<64x128xf32>
    %slice3A_413 = vector.extract_strided_slice %select_n3A {offsets = [0, 6272], sizes = [64, 128], strides = [1, 1]} : vector<64x6400xf32> to vector<64x128xf32>
    %add3A_414 = arith.addf %get3A_412, %slice3A_413 : vector<64x128xf32>
    %swap3A_415 = arith.constant 0 : index
    %swap3A_416 = arith.constant 0 : index
    %swap3A_417 = vector.load %arg6[%swap3A_415, %swap3A_416] : memref<64x128xf32, #tpu.memory_space<vmem>>, vector<64x128xf32>
    tpu.vector_store %arg6[%swap3A_415, %swap3A_416], %add3A_414 {strides = array<i32>} : memref<64x128xf32, #tpu.memory_space<vmem>>, vector<64x128xf32>,
    %eq3A_418 = arith.constant 15 : i32
    %eq3A_419 = arith.cmpi eq, %arg0, %eq3A_418 : i32
    %convert_element_type3A_420 = arith.extui %eq3A_419 : i1 to i32
    %cond3A_421 = arith.constant 0 : i32
    %cond3A_422 = arith.cmpi ne, %convert_element_type3A_420, %cond3A_421 : i32
    scf.if %cond3A_422 {
      %get3A_423 = arith.constant 0 : index
      %get3A_424 = arith.constant 0 : index
      %get3A_425 = vector.load %arg6[%get3A_423, %get3A_424] : memref<64x128xf32, #tpu.memory_space<vmem>>, vector<64x128xf32>
      %roll3A = arith.constant 64 : i32
      %roll3A_426 = tpu.dynamic_rotate %get3A_425 by %roll3A dim 1 : vector<64x128xf32>, i32 -> vector<64x128xf32>
      %add3A_427 = arith.addf %get3A_425, %roll3A_426 : vector<64x128xf32>
      %roll3A_428 = arith.constant 96 : i32
      %roll3A_429 = tpu.dynamic_rotate %add3A_427 by %roll3A_428 dim 1 : vector<64x128xf32>, i32 -> vector<64x128xf32>
      %add3A_430 = arith.addf %add3A_427, %roll3A_429 : vector<64x128xf32>
      %roll3A_431 = arith.constant 112 : i32
      %roll3A_432 = tpu.dynamic_rotate %add3A_430 by %roll3A_431 dim 1 : vector<64x128xf32>, i32 -> vector<64x128xf32>
      %add3A_433 = arith.addf %add3A_430, %roll3A_432 : vector<64x128xf32>
      %roll3A_434 = arith.constant 120 : i32
      %roll3A_435 = tpu.dynamic_rotate %add3A_433 by %roll3A_434 dim 1 : vector<64x128xf32>, i32 -> vector<64x128xf32>
      %add3A_436 = arith.addf %add3A_433, %roll3A_435 : vector<64x128xf32>
      %roll3A_437 = arith.constant 124 : i32
      %roll3A_438 = tpu.dynamic_rotate %add3A_436 by %roll3A_437 dim 1 : vector<64x128xf32>, i32 -> vector<64x128xf32>
      %add3A_439 = arith.addf %add3A_436, %roll3A_438 : vector<64x128xf32>
      %roll3A_440 = arith.constant 126 : i32
      %roll3A_441 = tpu.dynamic_rotate %add3A_439 by %roll3A_440 dim 1 : vector<64x128xf32>, i32 -> vector<64x128xf32>
      %add3A_442 = arith.addf %add3A_439, %roll3A_441 : vector<64x128xf32>
      %roll3A_443 = arith.constant 127 : i32
      %roll3A_444 = tpu.dynamic_rotate %add3A_442 by %roll3A_443 dim 1 : vector<64x128xf32>, i32 -> vector<64x128xf32>
      %add3A_445 = arith.addf %add3A_442, %roll3A_444 : vector<64x128xf32>
      %slice3A_446 = vector.extract_strided_slice %add3A_445 {offsets = [0, 0], sizes = [64, 1], strides = [1, 1]} : vector<64x128xf32> to vector<64x1xf32>
      %mul3A_447 = arith.constant 9.99999974E-6 : f32
      %mul3A_448 = vector.broadcast %mul3A_447 : f32 to vector<64x1xf32>
      %mul3A_449 = arith.mulf %slice3A_446, %mul3A_448 : vector<64x1xf32>
      %swap3A_450 = arith.constant 0 : index
      %swap3A_451 = arith.constant 0 : index
      %swap3A_452 = vector.load %arg5[%swap3A_450, %swap3A_451] : memref<64x1xf32, #tpu.memory_space<vmem>>, vector<64x1xf32>
      tpu.vector_store %arg5[%swap3A_450, %swap3A_451], %mul3A_449 {strides = array<i32>} : memref<64x1xf32, #tpu.memory_space<vmem>>, vector<64x1xf32>,
    } else {
    }
    return
  }
  func.func @transform_0(%arg0: i32) -> (i32, i32) {
    %c0_i32 = arith.constant 0 : i32
    %c0_i32_0 = arith.constant 0 : i32
    return %c0_i32, %arg0 : i32, i32
  }
  func.func @transform_1(%arg0: i32) -> (i32, i32) {
    %c0_i32 = arith.constant 0 : i32
    %c0_i32_0 = arith.constant 0 : i32
    %c0_i32_1 = arith.constant 0 : i32
    return %c0_i32, %c0_i32_0 : i32, i32
  }
  func.func @transform_2(%arg0: i32) -> (i32, i32) {
    %c0_i32 = arith.constant 0 : i32
    %c0_i32_0 = arith.constant 0 : i32
    %c0_i32_1 = arith.constant 0 : i32
    return %c0_i32, %c0_i32_0 : i32, i32
  }
  func.func @transform_3(%arg0: i32) -> (i32, i32) {
    %c0_i32 = arith.constant 0 : i32
    %c0_i32_0 = arith.constant 0 : i32
    return %c0_i32, %arg0 : i32, i32
  }
  func.func @transform_4(%arg0: i32) -> (i32, i32) {
    %c0_i32 = arith.constant 0 : i32
    %c0_i32_0 = arith.constant 0 : i32
    %c0_i32_1 = arith.constant 0 : i32
    return %c0_i32, %c0_i32_0 : i32, i32
  }
}

module attributes {stable_mosaic.version = 14 : i64} {
  func.func @_k_var(%arg0: i32, %arg1: memref<64x6400xf32, #tpu.memory_space<vmem>>, %arg2: memref<64x1xf32, #tpu.memory_space<vmem>>, %arg3: memref<64x1xf32, #tpu.memory_space<vmem>>, %arg4: memref<64x128xf32, #tpu.memory_space<vmem>>) attributes {dimension_semantics = [#tpu.dimension_semantics<arbitrary>], iteration_bounds = array<i64: 16>, scalar_prefetch = 0 : i64, scratch_operands = 1 : i64, tpu.core_type = #tpu.core_type<tc>, window_params = [{transform_indices = @transform_0, window_bounds = array<i64: 64, 6400>}, {pipeline_mode = #tpu.pipeline_mode<synchronous>, transform_indices = @transform_1, window_bounds = array<i64: 64, 1>}, {pipeline_mode = #tpu.pipeline_mode<synchronous>, transform_indices = @transform_2, window_bounds = array<i64: 64, 1>}]} {
    %eq3A = arith.constant 0 : i32
    %eq3A_0 = arith.cmpi eq, %arg0, %eq3A : i32
    %convert_element_type3A = arith.extui %eq3A_0 : i1 to i32
    %cond3A = arith.constant 0 : i32
    %cond3A_1 = arith.cmpi ne, %convert_element_type3A, %cond3A : i32
    scf.if %cond3A_1 {
      %broadcast_in_dim3A_416 = arith.constant 0.000000e+00 : f32
      %broadcast_in_dim3A_417 = vector.broadcast %broadcast_in_dim3A_416 : f32 to vector<64x128xf32>
      %swap3A_418 = arith.constant 0 : index
      %swap3A_419 = arith.constant 0 : index
      %swap3A_420 = vector.load %arg4[%swap3A_418, %swap3A_419] : memref<64x128xf32, #tpu.memory_space<vmem>>, vector<64x128xf32>
      tpu.vector_store %arg4[%swap3A_418, %swap3A_419], %broadcast_in_dim3A_417 {strides = array<i32>} : memref<64x128xf32, #tpu.memory_space<vmem>>, vector<64x128xf32>,
    } else {
    }
    %get3A = arith.constant 0 : index
    %get3A_2 = arith.constant 0 : index
    %get3A_3 = vector.load %arg1[%get3A, %get3A_2] : memref<64x6400xf32, #tpu.memory_space<vmem>>, vector<64x6400xf32>
    %get3A_4 = arith.constant 0 : index
    %get3A_5 = arith.constant 0 : index
    %get3A_6 = vector.load %arg2[%get3A_4, %get3A_5] : memref<64x1xf32, #tpu.memory_space<vmem>>, vector<64x1xf32>
    %sub3A = vector.broadcast %get3A_6 : vector<64x1xf32> to vector<64x6400xf32>
    %sub3A_7 = arith.subf %get3A_3, %sub3A : vector<64x6400xf32>
    %mul3A = arith.mulf %sub3A_7, %sub3A_7 : vector<64x6400xf32>
    %mul3A_8 = arith.constant 6400 : i32
    %mul3A_9 = arith.muli %arg0, %mul3A_8 : i32
    %iota3A = tpu.iota {dimensions = array<i32: 1>} : vector<64x6400xi32>
    %add3A = vector.broadcast %mul3A_9 : i32 to vector<64x6400xi32>
    %add3A_10 = arith.addi %add3A, %iota3A : vector<64x6400xi32>
    %lt3A = arith.constant 100000 : i32
    %lt3A_11 = vector.broadcast %lt3A : i32 to vector<64x6400xi32>
    %lt3A_12 = arith.cmpi slt, %add3A_10, %lt3A_11 : vector<64x6400xi32>
    %jit3A = arith.constant 0.000000e+00 : f32
    %broadcast_in_dim3A = vector.broadcast %jit3A : f32 to vector<64x6400xf32>
    %select_n3A = arith.select %lt3A_12, %mul3A, %broadcast_in_dim3A : vector<64x6400xi1>, vector<64x6400xf32>
    %get3A_13 = arith.constant 0 : index
    %get3A_14 = arith.constant 0 : index
    %get3A_15 = vector.load %arg4[%get3A_13, %get3A_14] : memref<64x128xf32, #tpu.memory_space<vmem>>, vector<64x128xf32>
    %slice3A = vector.extract_strided_slice %select_n3A {offsets = [0, 0], sizes = [64, 128], strides = [1, 1]} : vector<64x6400xf32> to vector<64x128xf32>
    %add3A_16 = arith.addf %get3A_15, %slice3A : vector<64x128xf32>
    %swap3A = arith.constant 0 : index
    %swap3A_17 = arith.constant 0 : index
    %swap3A_18 = vector.load %arg4[%swap3A, %swap3A_17] : memref<64x128xf32, #tpu.memory_space<vmem>>, vector<64x128xf32>
    tpu.vector_store %arg4[%swap3A, %swap3A_17], %add3A_16 {strides = array<i32>} : memref<64x128xf32, #tpu.memory_space<vmem>>, vector<64x128xf32>,
    %get3A_19 = arith.constant 0 : index
    %get3A_20 = arith.constant 0 : index
    %get3A_21 = vector.load %arg4[%get3A_19, %get3A_20] : memref<64x128xf32, #tpu.memory_space<vmem>>, vector<64x128xf32>
    %slice3A_22 = vector.extract_strided_slice %select_n3A {offsets = [0, 128], sizes = [64, 128], strides = [1, 1]} : vector<64x6400xf32> to vector<64x128xf32>
    %add3A_23 = arith.addf %get3A_21, %slice3A_22 : vector<64x128xf32>
    %swap3A_24 = arith.constant 0 : index
    %swap3A_25 = arith.constant 0 : index
    %swap3A_26 = vector.load %arg4[%swap3A_24, %swap3A_25] : memref<64x128xf32, #tpu.memory_space<vmem>>, vector<64x128xf32>
    tpu.vector_store %arg4[%swap3A_24, %swap3A_25], %add3A_23 {strides = array<i32>} : memref<64x128xf32, #tpu.memory_space<vmem>>, vector<64x128xf32>,
    %get3A_27 = arith.constant 0 : index
    %get3A_28 = arith.constant 0 : index
    %get3A_29 = vector.load %arg4[%get3A_27, %get3A_28] : memref<64x128xf32, #tpu.memory_space<vmem>>, vector<64x128xf32>
    %slice3A_30 = vector.extract_strided_slice %select_n3A {offsets = [0, 256], sizes = [64, 128], strides = [1, 1]} : vector<64x6400xf32> to vector<64x128xf32>
    %add3A_31 = arith.addf %get3A_29, %slice3A_30 : vector<64x128xf32>
    %swap3A_32 = arith.constant 0 : index
    %swap3A_33 = arith.constant 0 : index
    %swap3A_34 = vector.load %arg4[%swap3A_32, %swap3A_33] : memref<64x128xf32, #tpu.memory_space<vmem>>, vector<64x128xf32>
    tpu.vector_store %arg4[%swap3A_32, %swap3A_33], %add3A_31 {strides = array<i32>} : memref<64x128xf32, #tpu.memory_space<vmem>>, vector<64x128xf32>,
    %get3A_35 = arith.constant 0 : index
    %get3A_36 = arith.constant 0 : index
    %get3A_37 = vector.load %arg4[%get3A_35, %get3A_36] : memref<64x128xf32, #tpu.memory_space<vmem>>, vector<64x128xf32>
    %slice3A_38 = vector.extract_strided_slice %select_n3A {offsets = [0, 384], sizes = [64, 128], strides = [1, 1]} : vector<64x6400xf32> to vector<64x128xf32>
    %add3A_39 = arith.addf %get3A_37, %slice3A_38 : vector<64x128xf32>
    %swap3A_40 = arith.constant 0 : index
    %swap3A_41 = arith.constant 0 : index
    %swap3A_42 = vector.load %arg4[%swap3A_40, %swap3A_41] : memref<64x128xf32, #tpu.memory_space<vmem>>, vector<64x128xf32>
    tpu.vector_store %arg4[%swap3A_40, %swap3A_41], %add3A_39 {strides = array<i32>} : memref<64x128xf32, #tpu.memory_space<vmem>>, vector<64x128xf32>,
    %get3A_43 = arith.constant 0 : index
    %get3A_44 = arith.constant 0 : index
    %get3A_45 = vector.load %arg4[%get3A_43, %get3A_44] : memref<64x128xf32, #tpu.memory_space<vmem>>, vector<64x128xf32>
    %slice3A_46 = vector.extract_strided_slice %select_n3A {offsets = [0, 512], sizes = [64, 128], strides = [1, 1]} : vector<64x6400xf32> to vector<64x128xf32>
    %add3A_47 = arith.addf %get3A_45, %slice3A_46 : vector<64x128xf32>
    %swap3A_48 = arith.constant 0 : index
    %swap3A_49 = arith.constant 0 : index
    %swap3A_50 = vector.load %arg4[%swap3A_48, %swap3A_49] : memref<64x128xf32, #tpu.memory_space<vmem>>, vector<64x128xf32>
    tpu.vector_store %arg4[%swap3A_48, %swap3A_49], %add3A_47 {strides = array<i32>} : memref<64x128xf32, #tpu.memory_space<vmem>>, vector<64x128xf32>,
    %get3A_51 = arith.constant 0 : index
    %get3A_52 = arith.constant 0 : index
    %get3A_53 = vector.load %arg4[%get3A_51, %get3A_52] : memref<64x128xf32, #tpu.memory_space<vmem>>, vector<64x128xf32>
    %slice3A_54 = vector.extract_strided_slice %select_n3A {offsets = [0, 640], sizes = [64, 128], strides = [1, 1]} : vector<64x6400xf32> to vector<64x128xf32>
    %add3A_55 = arith.addf %get3A_53, %slice3A_54 : vector<64x128xf32>
    %swap3A_56 = arith.constant 0 : index
    %swap3A_57 = arith.constant 0 : index
    %swap3A_58 = vector.load %arg4[%swap3A_56, %swap3A_57] : memref<64x128xf32, #tpu.memory_space<vmem>>, vector<64x128xf32>
    tpu.vector_store %arg4[%swap3A_56, %swap3A_57], %add3A_55 {strides = array<i32>} : memref<64x128xf32, #tpu.memory_space<vmem>>, vector<64x128xf32>,
    %get3A_59 = arith.constant 0 : index
    %get3A_60 = arith.constant 0 : index
    %get3A_61 = vector.load %arg4[%get3A_59, %get3A_60] : memref<64x128xf32, #tpu.memory_space<vmem>>, vector<64x128xf32>
    %slice3A_62 = vector.extract_strided_slice %select_n3A {offsets = [0, 768], sizes = [64, 128], strides = [1, 1]} : vector<64x6400xf32> to vector<64x128xf32>
    %add3A_63 = arith.addf %get3A_61, %slice3A_62 : vector<64x128xf32>
    %swap3A_64 = arith.constant 0 : index
    %swap3A_65 = arith.constant 0 : index
    %swap3A_66 = vector.load %arg4[%swap3A_64, %swap3A_65] : memref<64x128xf32, #tpu.memory_space<vmem>>, vector<64x128xf32>
    tpu.vector_store %arg4[%swap3A_64, %swap3A_65], %add3A_63 {strides = array<i32>} : memref<64x128xf32, #tpu.memory_space<vmem>>, vector<64x128xf32>,
    %get3A_67 = arith.constant 0 : index
    %get3A_68 = arith.constant 0 : index
    %get3A_69 = vector.load %arg4[%get3A_67, %get3A_68] : memref<64x128xf32, #tpu.memory_space<vmem>>, vector<64x128xf32>
    %slice3A_70 = vector.extract_strided_slice %select_n3A {offsets = [0, 896], sizes = [64, 128], strides = [1, 1]} : vector<64x6400xf32> to vector<64x128xf32>
    %add3A_71 = arith.addf %get3A_69, %slice3A_70 : vector<64x128xf32>
    %swap3A_72 = arith.constant 0 : index
    %swap3A_73 = arith.constant 0 : index
    %swap3A_74 = vector.load %arg4[%swap3A_72, %swap3A_73] : memref<64x128xf32, #tpu.memory_space<vmem>>, vector<64x128xf32>
    tpu.vector_store %arg4[%swap3A_72, %swap3A_73], %add3A_71 {strides = array<i32>} : memref<64x128xf32, #tpu.memory_space<vmem>>, vector<64x128xf32>,
    %get3A_75 = arith.constant 0 : index
    %get3A_76 = arith.constant 0 : index
    %get3A_77 = vector.load %arg4[%get3A_75, %get3A_76] : memref<64x128xf32, #tpu.memory_space<vmem>>, vector<64x128xf32>
    %slice3A_78 = vector.extract_strided_slice %select_n3A {offsets = [0, 1024], sizes = [64, 128], strides = [1, 1]} : vector<64x6400xf32> to vector<64x128xf32>
    %add3A_79 = arith.addf %get3A_77, %slice3A_78 : vector<64x128xf32>
    %swap3A_80 = arith.constant 0 : index
    %swap3A_81 = arith.constant 0 : index
    %swap3A_82 = vector.load %arg4[%swap3A_80, %swap3A_81] : memref<64x128xf32, #tpu.memory_space<vmem>>, vector<64x128xf32>
    tpu.vector_store %arg4[%swap3A_80, %swap3A_81], %add3A_79 {strides = array<i32>} : memref<64x128xf32, #tpu.memory_space<vmem>>, vector<64x128xf32>,
    %get3A_83 = arith.constant 0 : index
    %get3A_84 = arith.constant 0 : index
    %get3A_85 = vector.load %arg4[%get3A_83, %get3A_84] : memref<64x128xf32, #tpu.memory_space<vmem>>, vector<64x128xf32>
    %slice3A_86 = vector.extract_strided_slice %select_n3A {offsets = [0, 1152], sizes = [64, 128], strides = [1, 1]} : vector<64x6400xf32> to vector<64x128xf32>
    %add3A_87 = arith.addf %get3A_85, %slice3A_86 : vector<64x128xf32>
    %swap3A_88 = arith.constant 0 : index
    %swap3A_89 = arith.constant 0 : index
    %swap3A_90 = vector.load %arg4[%swap3A_88, %swap3A_89] : memref<64x128xf32, #tpu.memory_space<vmem>>, vector<64x128xf32>
    tpu.vector_store %arg4[%swap3A_88, %swap3A_89], %add3A_87 {strides = array<i32>} : memref<64x128xf32, #tpu.memory_space<vmem>>, vector<64x128xf32>,
    %get3A_91 = arith.constant 0 : index
    %get3A_92 = arith.constant 0 : index
    %get3A_93 = vector.load %arg4[%get3A_91, %get3A_92] : memref<64x128xf32, #tpu.memory_space<vmem>>, vector<64x128xf32>
    %slice3A_94 = vector.extract_strided_slice %select_n3A {offsets = [0, 1280], sizes = [64, 128], strides = [1, 1]} : vector<64x6400xf32> to vector<64x128xf32>
    %add3A_95 = arith.addf %get3A_93, %slice3A_94 : vector<64x128xf32>
    %swap3A_96 = arith.constant 0 : index
    %swap3A_97 = arith.constant 0 : index
    %swap3A_98 = vector.load %arg4[%swap3A_96, %swap3A_97] : memref<64x128xf32, #tpu.memory_space<vmem>>, vector<64x128xf32>
    tpu.vector_store %arg4[%swap3A_96, %swap3A_97], %add3A_95 {strides = array<i32>} : memref<64x128xf32, #tpu.memory_space<vmem>>, vector<64x128xf32>,
    %get3A_99 = arith.constant 0 : index
    %get3A_100 = arith.constant 0 : index
    %get3A_101 = vector.load %arg4[%get3A_99, %get3A_100] : memref<64x128xf32, #tpu.memory_space<vmem>>, vector<64x128xf32>
    %slice3A_102 = vector.extract_strided_slice %select_n3A {offsets = [0, 1408], sizes = [64, 128], strides = [1, 1]} : vector<64x6400xf32> to vector<64x128xf32>
    %add3A_103 = arith.addf %get3A_101, %slice3A_102 : vector<64x128xf32>
    %swap3A_104 = arith.constant 0 : index
    %swap3A_105 = arith.constant 0 : index
    %swap3A_106 = vector.load %arg4[%swap3A_104, %swap3A_105] : memref<64x128xf32, #tpu.memory_space<vmem>>, vector<64x128xf32>
    tpu.vector_store %arg4[%swap3A_104, %swap3A_105], %add3A_103 {strides = array<i32>} : memref<64x128xf32, #tpu.memory_space<vmem>>, vector<64x128xf32>,
    %get3A_107 = arith.constant 0 : index
    %get3A_108 = arith.constant 0 : index
    %get3A_109 = vector.load %arg4[%get3A_107, %get3A_108] : memref<64x128xf32, #tpu.memory_space<vmem>>, vector<64x128xf32>
    %slice3A_110 = vector.extract_strided_slice %select_n3A {offsets = [0, 1536], sizes = [64, 128], strides = [1, 1]} : vector<64x6400xf32> to vector<64x128xf32>
    %add3A_111 = arith.addf %get3A_109, %slice3A_110 : vector<64x128xf32>
    %swap3A_112 = arith.constant 0 : index
    %swap3A_113 = arith.constant 0 : index
    %swap3A_114 = vector.load %arg4[%swap3A_112, %swap3A_113] : memref<64x128xf32, #tpu.memory_space<vmem>>, vector<64x128xf32>
    tpu.vector_store %arg4[%swap3A_112, %swap3A_113], %add3A_111 {strides = array<i32>} : memref<64x128xf32, #tpu.memory_space<vmem>>, vector<64x128xf32>,
    %get3A_115 = arith.constant 0 : index
    %get3A_116 = arith.constant 0 : index
    %get3A_117 = vector.load %arg4[%get3A_115, %get3A_116] : memref<64x128xf32, #tpu.memory_space<vmem>>, vector<64x128xf32>
    %slice3A_118 = vector.extract_strided_slice %select_n3A {offsets = [0, 1664], sizes = [64, 128], strides = [1, 1]} : vector<64x6400xf32> to vector<64x128xf32>
    %add3A_119 = arith.addf %get3A_117, %slice3A_118 : vector<64x128xf32>
    %swap3A_120 = arith.constant 0 : index
    %swap3A_121 = arith.constant 0 : index
    %swap3A_122 = vector.load %arg4[%swap3A_120, %swap3A_121] : memref<64x128xf32, #tpu.memory_space<vmem>>, vector<64x128xf32>
    tpu.vector_store %arg4[%swap3A_120, %swap3A_121], %add3A_119 {strides = array<i32>} : memref<64x128xf32, #tpu.memory_space<vmem>>, vector<64x128xf32>,
    %get3A_123 = arith.constant 0 : index
    %get3A_124 = arith.constant 0 : index
    %get3A_125 = vector.load %arg4[%get3A_123, %get3A_124] : memref<64x128xf32, #tpu.memory_space<vmem>>, vector<64x128xf32>
    %slice3A_126 = vector.extract_strided_slice %select_n3A {offsets = [0, 1792], sizes = [64, 128], strides = [1, 1]} : vector<64x6400xf32> to vector<64x128xf32>
    %add3A_127 = arith.addf %get3A_125, %slice3A_126 : vector<64x128xf32>
    %swap3A_128 = arith.constant 0 : index
    %swap3A_129 = arith.constant 0 : index
    %swap3A_130 = vector.load %arg4[%swap3A_128, %swap3A_129] : memref<64x128xf32, #tpu.memory_space<vmem>>, vector<64x128xf32>
    tpu.vector_store %arg4[%swap3A_128, %swap3A_129], %add3A_127 {strides = array<i32>} : memref<64x128xf32, #tpu.memory_space<vmem>>, vector<64x128xf32>,
    %get3A_131 = arith.constant 0 : index
    %get3A_132 = arith.constant 0 : index
    %get3A_133 = vector.load %arg4[%get3A_131, %get3A_132] : memref<64x128xf32, #tpu.memory_space<vmem>>, vector<64x128xf32>
    %slice3A_134 = vector.extract_strided_slice %select_n3A {offsets = [0, 1920], sizes = [64, 128], strides = [1, 1]} : vector<64x6400xf32> to vector<64x128xf32>
    %add3A_135 = arith.addf %get3A_133, %slice3A_134 : vector<64x128xf32>
    %swap3A_136 = arith.constant 0 : index
    %swap3A_137 = arith.constant 0 : index
    %swap3A_138 = vector.load %arg4[%swap3A_136, %swap3A_137] : memref<64x128xf32, #tpu.memory_space<vmem>>, vector<64x128xf32>
    tpu.vector_store %arg4[%swap3A_136, %swap3A_137], %add3A_135 {strides = array<i32>} : memref<64x128xf32, #tpu.memory_space<vmem>>, vector<64x128xf32>,
    %get3A_139 = arith.constant 0 : index
    %get3A_140 = arith.constant 0 : index
    %get3A_141 = vector.load %arg4[%get3A_139, %get3A_140] : memref<64x128xf32, #tpu.memory_space<vmem>>, vector<64x128xf32>
    %slice3A_142 = vector.extract_strided_slice %select_n3A {offsets = [0, 2048], sizes = [64, 128], strides = [1, 1]} : vector<64x6400xf32> to vector<64x128xf32>
    %add3A_143 = arith.addf %get3A_141, %slice3A_142 : vector<64x128xf32>
    %swap3A_144 = arith.constant 0 : index
    %swap3A_145 = arith.constant 0 : index
    %swap3A_146 = vector.load %arg4[%swap3A_144, %swap3A_145] : memref<64x128xf32, #tpu.memory_space<vmem>>, vector<64x128xf32>
    tpu.vector_store %arg4[%swap3A_144, %swap3A_145], %add3A_143 {strides = array<i32>} : memref<64x128xf32, #tpu.memory_space<vmem>>, vector<64x128xf32>,
    %get3A_147 = arith.constant 0 : index
    %get3A_148 = arith.constant 0 : index
    %get3A_149 = vector.load %arg4[%get3A_147, %get3A_148] : memref<64x128xf32, #tpu.memory_space<vmem>>, vector<64x128xf32>
    %slice3A_150 = vector.extract_strided_slice %select_n3A {offsets = [0, 2176], sizes = [64, 128], strides = [1, 1]} : vector<64x6400xf32> to vector<64x128xf32>
    %add3A_151 = arith.addf %get3A_149, %slice3A_150 : vector<64x128xf32>
    %swap3A_152 = arith.constant 0 : index
    %swap3A_153 = arith.constant 0 : index
    %swap3A_154 = vector.load %arg4[%swap3A_152, %swap3A_153] : memref<64x128xf32, #tpu.memory_space<vmem>>, vector<64x128xf32>
    tpu.vector_store %arg4[%swap3A_152, %swap3A_153], %add3A_151 {strides = array<i32>} : memref<64x128xf32, #tpu.memory_space<vmem>>, vector<64x128xf32>,
    %get3A_155 = arith.constant 0 : index
    %get3A_156 = arith.constant 0 : index
    %get3A_157 = vector.load %arg4[%get3A_155, %get3A_156] : memref<64x128xf32, #tpu.memory_space<vmem>>, vector<64x128xf32>
    %slice3A_158 = vector.extract_strided_slice %select_n3A {offsets = [0, 2304], sizes = [64, 128], strides = [1, 1]} : vector<64x6400xf32> to vector<64x128xf32>
    %add3A_159 = arith.addf %get3A_157, %slice3A_158 : vector<64x128xf32>
    %swap3A_160 = arith.constant 0 : index
    %swap3A_161 = arith.constant 0 : index
    %swap3A_162 = vector.load %arg4[%swap3A_160, %swap3A_161] : memref<64x128xf32, #tpu.memory_space<vmem>>, vector<64x128xf32>
    tpu.vector_store %arg4[%swap3A_160, %swap3A_161], %add3A_159 {strides = array<i32>} : memref<64x128xf32, #tpu.memory_space<vmem>>, vector<64x128xf32>,
    %get3A_163 = arith.constant 0 : index
    %get3A_164 = arith.constant 0 : index
    %get3A_165 = vector.load %arg4[%get3A_163, %get3A_164] : memref<64x128xf32, #tpu.memory_space<vmem>>, vector<64x128xf32>
    %slice3A_166 = vector.extract_strided_slice %select_n3A {offsets = [0, 2432], sizes = [64, 128], strides = [1, 1]} : vector<64x6400xf32> to vector<64x128xf32>
    %add3A_167 = arith.addf %get3A_165, %slice3A_166 : vector<64x128xf32>
    %swap3A_168 = arith.constant 0 : index
    %swap3A_169 = arith.constant 0 : index
    %swap3A_170 = vector.load %arg4[%swap3A_168, %swap3A_169] : memref<64x128xf32, #tpu.memory_space<vmem>>, vector<64x128xf32>
    tpu.vector_store %arg4[%swap3A_168, %swap3A_169], %add3A_167 {strides = array<i32>} : memref<64x128xf32, #tpu.memory_space<vmem>>, vector<64x128xf32>,
    %get3A_171 = arith.constant 0 : index
    %get3A_172 = arith.constant 0 : index
    %get3A_173 = vector.load %arg4[%get3A_171, %get3A_172] : memref<64x128xf32, #tpu.memory_space<vmem>>, vector<64x128xf32>
    %slice3A_174 = vector.extract_strided_slice %select_n3A {offsets = [0, 2560], sizes = [64, 128], strides = [1, 1]} : vector<64x6400xf32> to vector<64x128xf32>
    %add3A_175 = arith.addf %get3A_173, %slice3A_174 : vector<64x128xf32>
    %swap3A_176 = arith.constant 0 : index
    %swap3A_177 = arith.constant 0 : index
    %swap3A_178 = vector.load %arg4[%swap3A_176, %swap3A_177] : memref<64x128xf32, #tpu.memory_space<vmem>>, vector<64x128xf32>
    tpu.vector_store %arg4[%swap3A_176, %swap3A_177], %add3A_175 {strides = array<i32>} : memref<64x128xf32, #tpu.memory_space<vmem>>, vector<64x128xf32>,
    %get3A_179 = arith.constant 0 : index
    %get3A_180 = arith.constant 0 : index
    %get3A_181 = vector.load %arg4[%get3A_179, %get3A_180] : memref<64x128xf32, #tpu.memory_space<vmem>>, vector<64x128xf32>
    %slice3A_182 = vector.extract_strided_slice %select_n3A {offsets = [0, 2688], sizes = [64, 128], strides = [1, 1]} : vector<64x6400xf32> to vector<64x128xf32>
    %add3A_183 = arith.addf %get3A_181, %slice3A_182 : vector<64x128xf32>
    %swap3A_184 = arith.constant 0 : index
    %swap3A_185 = arith.constant 0 : index
    %swap3A_186 = vector.load %arg4[%swap3A_184, %swap3A_185] : memref<64x128xf32, #tpu.memory_space<vmem>>, vector<64x128xf32>
    tpu.vector_store %arg4[%swap3A_184, %swap3A_185], %add3A_183 {strides = array<i32>} : memref<64x128xf32, #tpu.memory_space<vmem>>, vector<64x128xf32>,
    %get3A_187 = arith.constant 0 : index
    %get3A_188 = arith.constant 0 : index
    %get3A_189 = vector.load %arg4[%get3A_187, %get3A_188] : memref<64x128xf32, #tpu.memory_space<vmem>>, vector<64x128xf32>
    %slice3A_190 = vector.extract_strided_slice %select_n3A {offsets = [0, 2816], sizes = [64, 128], strides = [1, 1]} : vector<64x6400xf32> to vector<64x128xf32>
    %add3A_191 = arith.addf %get3A_189, %slice3A_190 : vector<64x128xf32>
    %swap3A_192 = arith.constant 0 : index
    %swap3A_193 = arith.constant 0 : index
    %swap3A_194 = vector.load %arg4[%swap3A_192, %swap3A_193] : memref<64x128xf32, #tpu.memory_space<vmem>>, vector<64x128xf32>
    tpu.vector_store %arg4[%swap3A_192, %swap3A_193], %add3A_191 {strides = array<i32>} : memref<64x128xf32, #tpu.memory_space<vmem>>, vector<64x128xf32>,
    %get3A_195 = arith.constant 0 : index
    %get3A_196 = arith.constant 0 : index
    %get3A_197 = vector.load %arg4[%get3A_195, %get3A_196] : memref<64x128xf32, #tpu.memory_space<vmem>>, vector<64x128xf32>
    %slice3A_198 = vector.extract_strided_slice %select_n3A {offsets = [0, 2944], sizes = [64, 128], strides = [1, 1]} : vector<64x6400xf32> to vector<64x128xf32>
    %add3A_199 = arith.addf %get3A_197, %slice3A_198 : vector<64x128xf32>
    %swap3A_200 = arith.constant 0 : index
    %swap3A_201 = arith.constant 0 : index
    %swap3A_202 = vector.load %arg4[%swap3A_200, %swap3A_201] : memref<64x128xf32, #tpu.memory_space<vmem>>, vector<64x128xf32>
    tpu.vector_store %arg4[%swap3A_200, %swap3A_201], %add3A_199 {strides = array<i32>} : memref<64x128xf32, #tpu.memory_space<vmem>>, vector<64x128xf32>,
    %get3A_203 = arith.constant 0 : index
    %get3A_204 = arith.constant 0 : index
    %get3A_205 = vector.load %arg4[%get3A_203, %get3A_204] : memref<64x128xf32, #tpu.memory_space<vmem>>, vector<64x128xf32>
    %slice3A_206 = vector.extract_strided_slice %select_n3A {offsets = [0, 3072], sizes = [64, 128], strides = [1, 1]} : vector<64x6400xf32> to vector<64x128xf32>
    %add3A_207 = arith.addf %get3A_205, %slice3A_206 : vector<64x128xf32>
    %swap3A_208 = arith.constant 0 : index
    %swap3A_209 = arith.constant 0 : index
    %swap3A_210 = vector.load %arg4[%swap3A_208, %swap3A_209] : memref<64x128xf32, #tpu.memory_space<vmem>>, vector<64x128xf32>
    tpu.vector_store %arg4[%swap3A_208, %swap3A_209], %add3A_207 {strides = array<i32>} : memref<64x128xf32, #tpu.memory_space<vmem>>, vector<64x128xf32>,
    %get3A_211 = arith.constant 0 : index
    %get3A_212 = arith.constant 0 : index
    %get3A_213 = vector.load %arg4[%get3A_211, %get3A_212] : memref<64x128xf32, #tpu.memory_space<vmem>>, vector<64x128xf32>
    %slice3A_214 = vector.extract_strided_slice %select_n3A {offsets = [0, 3200], sizes = [64, 128], strides = [1, 1]} : vector<64x6400xf32> to vector<64x128xf32>
    %add3A_215 = arith.addf %get3A_213, %slice3A_214 : vector<64x128xf32>
    %swap3A_216 = arith.constant 0 : index
    %swap3A_217 = arith.constant 0 : index
    %swap3A_218 = vector.load %arg4[%swap3A_216, %swap3A_217] : memref<64x128xf32, #tpu.memory_space<vmem>>, vector<64x128xf32>
    tpu.vector_store %arg4[%swap3A_216, %swap3A_217], %add3A_215 {strides = array<i32>} : memref<64x128xf32, #tpu.memory_space<vmem>>, vector<64x128xf32>,
    %get3A_219 = arith.constant 0 : index
    %get3A_220 = arith.constant 0 : index
    %get3A_221 = vector.load %arg4[%get3A_219, %get3A_220] : memref<64x128xf32, #tpu.memory_space<vmem>>, vector<64x128xf32>
    %slice3A_222 = vector.extract_strided_slice %select_n3A {offsets = [0, 3328], sizes = [64, 128], strides = [1, 1]} : vector<64x6400xf32> to vector<64x128xf32>
    %add3A_223 = arith.addf %get3A_221, %slice3A_222 : vector<64x128xf32>
    %swap3A_224 = arith.constant 0 : index
    %swap3A_225 = arith.constant 0 : index
    %swap3A_226 = vector.load %arg4[%swap3A_224, %swap3A_225] : memref<64x128xf32, #tpu.memory_space<vmem>>, vector<64x128xf32>
    tpu.vector_store %arg4[%swap3A_224, %swap3A_225], %add3A_223 {strides = array<i32>} : memref<64x128xf32, #tpu.memory_space<vmem>>, vector<64x128xf32>,
    %get3A_227 = arith.constant 0 : index
    %get3A_228 = arith.constant 0 : index
    %get3A_229 = vector.load %arg4[%get3A_227, %get3A_228] : memref<64x128xf32, #tpu.memory_space<vmem>>, vector<64x128xf32>
    %slice3A_230 = vector.extract_strided_slice %select_n3A {offsets = [0, 3456], sizes = [64, 128], strides = [1, 1]} : vector<64x6400xf32> to vector<64x128xf32>
    %add3A_231 = arith.addf %get3A_229, %slice3A_230 : vector<64x128xf32>
    %swap3A_232 = arith.constant 0 : index
    %swap3A_233 = arith.constant 0 : index
    %swap3A_234 = vector.load %arg4[%swap3A_232, %swap3A_233] : memref<64x128xf32, #tpu.memory_space<vmem>>, vector<64x128xf32>
    tpu.vector_store %arg4[%swap3A_232, %swap3A_233], %add3A_231 {strides = array<i32>} : memref<64x128xf32, #tpu.memory_space<vmem>>, vector<64x128xf32>,
    %get3A_235 = arith.constant 0 : index
    %get3A_236 = arith.constant 0 : index
    %get3A_237 = vector.load %arg4[%get3A_235, %get3A_236] : memref<64x128xf32, #tpu.memory_space<vmem>>, vector<64x128xf32>
    %slice3A_238 = vector.extract_strided_slice %select_n3A {offsets = [0, 3584], sizes = [64, 128], strides = [1, 1]} : vector<64x6400xf32> to vector<64x128xf32>
    %add3A_239 = arith.addf %get3A_237, %slice3A_238 : vector<64x128xf32>
    %swap3A_240 = arith.constant 0 : index
    %swap3A_241 = arith.constant 0 : index
    %swap3A_242 = vector.load %arg4[%swap3A_240, %swap3A_241] : memref<64x128xf32, #tpu.memory_space<vmem>>, vector<64x128xf32>
    tpu.vector_store %arg4[%swap3A_240, %swap3A_241], %add3A_239 {strides = array<i32>} : memref<64x128xf32, #tpu.memory_space<vmem>>, vector<64x128xf32>,
    %get3A_243 = arith.constant 0 : index
    %get3A_244 = arith.constant 0 : index
    %get3A_245 = vector.load %arg4[%get3A_243, %get3A_244] : memref<64x128xf32, #tpu.memory_space<vmem>>, vector<64x128xf32>
    %slice3A_246 = vector.extract_strided_slice %select_n3A {offsets = [0, 3712], sizes = [64, 128], strides = [1, 1]} : vector<64x6400xf32> to vector<64x128xf32>
    %add3A_247 = arith.addf %get3A_245, %slice3A_246 : vector<64x128xf32>
    %swap3A_248 = arith.constant 0 : index
    %swap3A_249 = arith.constant 0 : index
    %swap3A_250 = vector.load %arg4[%swap3A_248, %swap3A_249] : memref<64x128xf32, #tpu.memory_space<vmem>>, vector<64x128xf32>
    tpu.vector_store %arg4[%swap3A_248, %swap3A_249], %add3A_247 {strides = array<i32>} : memref<64x128xf32, #tpu.memory_space<vmem>>, vector<64x128xf32>,
    %get3A_251 = arith.constant 0 : index
    %get3A_252 = arith.constant 0 : index
    %get3A_253 = vector.load %arg4[%get3A_251, %get3A_252] : memref<64x128xf32, #tpu.memory_space<vmem>>, vector<64x128xf32>
    %slice3A_254 = vector.extract_strided_slice %select_n3A {offsets = [0, 3840], sizes = [64, 128], strides = [1, 1]} : vector<64x6400xf32> to vector<64x128xf32>
    %add3A_255 = arith.addf %get3A_253, %slice3A_254 : vector<64x128xf32>
    %swap3A_256 = arith.constant 0 : index
    %swap3A_257 = arith.constant 0 : index
    %swap3A_258 = vector.load %arg4[%swap3A_256, %swap3A_257] : memref<64x128xf32, #tpu.memory_space<vmem>>, vector<64x128xf32>
    tpu.vector_store %arg4[%swap3A_256, %swap3A_257], %add3A_255 {strides = array<i32>} : memref<64x128xf32, #tpu.memory_space<vmem>>, vector<64x128xf32>,
    %get3A_259 = arith.constant 0 : index
    %get3A_260 = arith.constant 0 : index
    %get3A_261 = vector.load %arg4[%get3A_259, %get3A_260] : memref<64x128xf32, #tpu.memory_space<vmem>>, vector<64x128xf32>
    %slice3A_262 = vector.extract_strided_slice %select_n3A {offsets = [0, 3968], sizes = [64, 128], strides = [1, 1]} : vector<64x6400xf32> to vector<64x128xf32>
    %add3A_263 = arith.addf %get3A_261, %slice3A_262 : vector<64x128xf32>
    %swap3A_264 = arith.constant 0 : index
    %swap3A_265 = arith.constant 0 : index
    %swap3A_266 = vector.load %arg4[%swap3A_264, %swap3A_265] : memref<64x128xf32, #tpu.memory_space<vmem>>, vector<64x128xf32>
    tpu.vector_store %arg4[%swap3A_264, %swap3A_265], %add3A_263 {strides = array<i32>} : memref<64x128xf32, #tpu.memory_space<vmem>>, vector<64x128xf32>,
    %get3A_267 = arith.constant 0 : index
    %get3A_268 = arith.constant 0 : index
    %get3A_269 = vector.load %arg4[%get3A_267, %get3A_268] : memref<64x128xf32, #tpu.memory_space<vmem>>, vector<64x128xf32>
    %slice3A_270 = vector.extract_strided_slice %select_n3A {offsets = [0, 4096], sizes = [64, 128], strides = [1, 1]} : vector<64x6400xf32> to vector<64x128xf32>
    %add3A_271 = arith.addf %get3A_269, %slice3A_270 : vector<64x128xf32>
    %swap3A_272 = arith.constant 0 : index
    %swap3A_273 = arith.constant 0 : index
    %swap3A_274 = vector.load %arg4[%swap3A_272, %swap3A_273] : memref<64x128xf32, #tpu.memory_space<vmem>>, vector<64x128xf32>
    tpu.vector_store %arg4[%swap3A_272, %swap3A_273], %add3A_271 {strides = array<i32>} : memref<64x128xf32, #tpu.memory_space<vmem>>, vector<64x128xf32>,
    %get3A_275 = arith.constant 0 : index
    %get3A_276 = arith.constant 0 : index
    %get3A_277 = vector.load %arg4[%get3A_275, %get3A_276] : memref<64x128xf32, #tpu.memory_space<vmem>>, vector<64x128xf32>
    %slice3A_278 = vector.extract_strided_slice %select_n3A {offsets = [0, 4224], sizes = [64, 128], strides = [1, 1]} : vector<64x6400xf32> to vector<64x128xf32>
    %add3A_279 = arith.addf %get3A_277, %slice3A_278 : vector<64x128xf32>
    %swap3A_280 = arith.constant 0 : index
    %swap3A_281 = arith.constant 0 : index
    %swap3A_282 = vector.load %arg4[%swap3A_280, %swap3A_281] : memref<64x128xf32, #tpu.memory_space<vmem>>, vector<64x128xf32>
    tpu.vector_store %arg4[%swap3A_280, %swap3A_281], %add3A_279 {strides = array<i32>} : memref<64x128xf32, #tpu.memory_space<vmem>>, vector<64x128xf32>,
    %get3A_283 = arith.constant 0 : index
    %get3A_284 = arith.constant 0 : index
    %get3A_285 = vector.load %arg4[%get3A_283, %get3A_284] : memref<64x128xf32, #tpu.memory_space<vmem>>, vector<64x128xf32>
    %slice3A_286 = vector.extract_strided_slice %select_n3A {offsets = [0, 4352], sizes = [64, 128], strides = [1, 1]} : vector<64x6400xf32> to vector<64x128xf32>
    %add3A_287 = arith.addf %get3A_285, %slice3A_286 : vector<64x128xf32>
    %swap3A_288 = arith.constant 0 : index
    %swap3A_289 = arith.constant 0 : index
    %swap3A_290 = vector.load %arg4[%swap3A_288, %swap3A_289] : memref<64x128xf32, #tpu.memory_space<vmem>>, vector<64x128xf32>
    tpu.vector_store %arg4[%swap3A_288, %swap3A_289], %add3A_287 {strides = array<i32>} : memref<64x128xf32, #tpu.memory_space<vmem>>, vector<64x128xf32>,
    %get3A_291 = arith.constant 0 : index
    %get3A_292 = arith.constant 0 : index
    %get3A_293 = vector.load %arg4[%get3A_291, %get3A_292] : memref<64x128xf32, #tpu.memory_space<vmem>>, vector<64x128xf32>
    %slice3A_294 = vector.extract_strided_slice %select_n3A {offsets = [0, 4480], sizes = [64, 128], strides = [1, 1]} : vector<64x6400xf32> to vector<64x128xf32>
    %add3A_295 = arith.addf %get3A_293, %slice3A_294 : vector<64x128xf32>
    %swap3A_296 = arith.constant 0 : index
    %swap3A_297 = arith.constant 0 : index
    %swap3A_298 = vector.load %arg4[%swap3A_296, %swap3A_297] : memref<64x128xf32, #tpu.memory_space<vmem>>, vector<64x128xf32>
    tpu.vector_store %arg4[%swap3A_296, %swap3A_297], %add3A_295 {strides = array<i32>} : memref<64x128xf32, #tpu.memory_space<vmem>>, vector<64x128xf32>,
    %get3A_299 = arith.constant 0 : index
    %get3A_300 = arith.constant 0 : index
    %get3A_301 = vector.load %arg4[%get3A_299, %get3A_300] : memref<64x128xf32, #tpu.memory_space<vmem>>, vector<64x128xf32>
    %slice3A_302 = vector.extract_strided_slice %select_n3A {offsets = [0, 4608], sizes = [64, 128], strides = [1, 1]} : vector<64x6400xf32> to vector<64x128xf32>
    %add3A_303 = arith.addf %get3A_301, %slice3A_302 : vector<64x128xf32>
    %swap3A_304 = arith.constant 0 : index
    %swap3A_305 = arith.constant 0 : index
    %swap3A_306 = vector.load %arg4[%swap3A_304, %swap3A_305] : memref<64x128xf32, #tpu.memory_space<vmem>>, vector<64x128xf32>
    tpu.vector_store %arg4[%swap3A_304, %swap3A_305], %add3A_303 {strides = array<i32>} : memref<64x128xf32, #tpu.memory_space<vmem>>, vector<64x128xf32>,
    %get3A_307 = arith.constant 0 : index
    %get3A_308 = arith.constant 0 : index
    %get3A_309 = vector.load %arg4[%get3A_307, %get3A_308] : memref<64x128xf32, #tpu.memory_space<vmem>>, vector<64x128xf32>
    %slice3A_310 = vector.extract_strided_slice %select_n3A {offsets = [0, 4736], sizes = [64, 128], strides = [1, 1]} : vector<64x6400xf32> to vector<64x128xf32>
    %add3A_311 = arith.addf %get3A_309, %slice3A_310 : vector<64x128xf32>
    %swap3A_312 = arith.constant 0 : index
    %swap3A_313 = arith.constant 0 : index
    %swap3A_314 = vector.load %arg4[%swap3A_312, %swap3A_313] : memref<64x128xf32, #tpu.memory_space<vmem>>, vector<64x128xf32>
    tpu.vector_store %arg4[%swap3A_312, %swap3A_313], %add3A_311 {strides = array<i32>} : memref<64x128xf32, #tpu.memory_space<vmem>>, vector<64x128xf32>,
    %get3A_315 = arith.constant 0 : index
    %get3A_316 = arith.constant 0 : index
    %get3A_317 = vector.load %arg4[%get3A_315, %get3A_316] : memref<64x128xf32, #tpu.memory_space<vmem>>, vector<64x128xf32>
    %slice3A_318 = vector.extract_strided_slice %select_n3A {offsets = [0, 4864], sizes = [64, 128], strides = [1, 1]} : vector<64x6400xf32> to vector<64x128xf32>
    %add3A_319 = arith.addf %get3A_317, %slice3A_318 : vector<64x128xf32>
    %swap3A_320 = arith.constant 0 : index
    %swap3A_321 = arith.constant 0 : index
    %swap3A_322 = vector.load %arg4[%swap3A_320, %swap3A_321] : memref<64x128xf32, #tpu.memory_space<vmem>>, vector<64x128xf32>
    tpu.vector_store %arg4[%swap3A_320, %swap3A_321], %add3A_319 {strides = array<i32>} : memref<64x128xf32, #tpu.memory_space<vmem>>, vector<64x128xf32>,
    %get3A_323 = arith.constant 0 : index
    %get3A_324 = arith.constant 0 : index
    %get3A_325 = vector.load %arg4[%get3A_323, %get3A_324] : memref<64x128xf32, #tpu.memory_space<vmem>>, vector<64x128xf32>
    %slice3A_326 = vector.extract_strided_slice %select_n3A {offsets = [0, 4992], sizes = [64, 128], strides = [1, 1]} : vector<64x6400xf32> to vector<64x128xf32>
    %add3A_327 = arith.addf %get3A_325, %slice3A_326 : vector<64x128xf32>
    %swap3A_328 = arith.constant 0 : index
    %swap3A_329 = arith.constant 0 : index
    %swap3A_330 = vector.load %arg4[%swap3A_328, %swap3A_329] : memref<64x128xf32, #tpu.memory_space<vmem>>, vector<64x128xf32>
    tpu.vector_store %arg4[%swap3A_328, %swap3A_329], %add3A_327 {strides = array<i32>} : memref<64x128xf32, #tpu.memory_space<vmem>>, vector<64x128xf32>,
    %get3A_331 = arith.constant 0 : index
    %get3A_332 = arith.constant 0 : index
    %get3A_333 = vector.load %arg4[%get3A_331, %get3A_332] : memref<64x128xf32, #tpu.memory_space<vmem>>, vector<64x128xf32>
    %slice3A_334 = vector.extract_strided_slice %select_n3A {offsets = [0, 5120], sizes = [64, 128], strides = [1, 1]} : vector<64x6400xf32> to vector<64x128xf32>
    %add3A_335 = arith.addf %get3A_333, %slice3A_334 : vector<64x128xf32>
    %swap3A_336 = arith.constant 0 : index
    %swap3A_337 = arith.constant 0 : index
    %swap3A_338 = vector.load %arg4[%swap3A_336, %swap3A_337] : memref<64x128xf32, #tpu.memory_space<vmem>>, vector<64x128xf32>
    tpu.vector_store %arg4[%swap3A_336, %swap3A_337], %add3A_335 {strides = array<i32>} : memref<64x128xf32, #tpu.memory_space<vmem>>, vector<64x128xf32>,
    %get3A_339 = arith.constant 0 : index
    %get3A_340 = arith.constant 0 : index
    %get3A_341 = vector.load %arg4[%get3A_339, %get3A_340] : memref<64x128xf32, #tpu.memory_space<vmem>>, vector<64x128xf32>
    %slice3A_342 = vector.extract_strided_slice %select_n3A {offsets = [0, 5248], sizes = [64, 128], strides = [1, 1]} : vector<64x6400xf32> to vector<64x128xf32>
    %add3A_343 = arith.addf %get3A_341, %slice3A_342 : vector<64x128xf32>
    %swap3A_344 = arith.constant 0 : index
    %swap3A_345 = arith.constant 0 : index
    %swap3A_346 = vector.load %arg4[%swap3A_344, %swap3A_345] : memref<64x128xf32, #tpu.memory_space<vmem>>, vector<64x128xf32>
    tpu.vector_store %arg4[%swap3A_344, %swap3A_345], %add3A_343 {strides = array<i32>} : memref<64x128xf32, #tpu.memory_space<vmem>>, vector<64x128xf32>,
    %get3A_347 = arith.constant 0 : index
    %get3A_348 = arith.constant 0 : index
    %get3A_349 = vector.load %arg4[%get3A_347, %get3A_348] : memref<64x128xf32, #tpu.memory_space<vmem>>, vector<64x128xf32>
    %slice3A_350 = vector.extract_strided_slice %select_n3A {offsets = [0, 5376], sizes = [64, 128], strides = [1, 1]} : vector<64x6400xf32> to vector<64x128xf32>
    %add3A_351 = arith.addf %get3A_349, %slice3A_350 : vector<64x128xf32>
    %swap3A_352 = arith.constant 0 : index
    %swap3A_353 = arith.constant 0 : index
    %swap3A_354 = vector.load %arg4[%swap3A_352, %swap3A_353] : memref<64x128xf32, #tpu.memory_space<vmem>>, vector<64x128xf32>
    tpu.vector_store %arg4[%swap3A_352, %swap3A_353], %add3A_351 {strides = array<i32>} : memref<64x128xf32, #tpu.memory_space<vmem>>, vector<64x128xf32>,
    %get3A_355 = arith.constant 0 : index
    %get3A_356 = arith.constant 0 : index
    %get3A_357 = vector.load %arg4[%get3A_355, %get3A_356] : memref<64x128xf32, #tpu.memory_space<vmem>>, vector<64x128xf32>
    %slice3A_358 = vector.extract_strided_slice %select_n3A {offsets = [0, 5504], sizes = [64, 128], strides = [1, 1]} : vector<64x6400xf32> to vector<64x128xf32>
    %add3A_359 = arith.addf %get3A_357, %slice3A_358 : vector<64x128xf32>
    %swap3A_360 = arith.constant 0 : index
    %swap3A_361 = arith.constant 0 : index
    %swap3A_362 = vector.load %arg4[%swap3A_360, %swap3A_361] : memref<64x128xf32, #tpu.memory_space<vmem>>, vector<64x128xf32>
    tpu.vector_store %arg4[%swap3A_360, %swap3A_361], %add3A_359 {strides = array<i32>} : memref<64x128xf32, #tpu.memory_space<vmem>>, vector<64x128xf32>,
    %get3A_363 = arith.constant 0 : index
    %get3A_364 = arith.constant 0 : index
    %get3A_365 = vector.load %arg4[%get3A_363, %get3A_364] : memref<64x128xf32, #tpu.memory_space<vmem>>, vector<64x128xf32>
    %slice3A_366 = vector.extract_strided_slice %select_n3A {offsets = [0, 5632], sizes = [64, 128], strides = [1, 1]} : vector<64x6400xf32> to vector<64x128xf32>
    %add3A_367 = arith.addf %get3A_365, %slice3A_366 : vector<64x128xf32>
    %swap3A_368 = arith.constant 0 : index
    %swap3A_369 = arith.constant 0 : index
    %swap3A_370 = vector.load %arg4[%swap3A_368, %swap3A_369] : memref<64x128xf32, #tpu.memory_space<vmem>>, vector<64x128xf32>
    tpu.vector_store %arg4[%swap3A_368, %swap3A_369], %add3A_367 {strides = array<i32>} : memref<64x128xf32, #tpu.memory_space<vmem>>, vector<64x128xf32>,
    %get3A_371 = arith.constant 0 : index
    %get3A_372 = arith.constant 0 : index
    %get3A_373 = vector.load %arg4[%get3A_371, %get3A_372] : memref<64x128xf32, #tpu.memory_space<vmem>>, vector<64x128xf32>
    %slice3A_374 = vector.extract_strided_slice %select_n3A {offsets = [0, 5760], sizes = [64, 128], strides = [1, 1]} : vector<64x6400xf32> to vector<64x128xf32>
    %add3A_375 = arith.addf %get3A_373, %slice3A_374 : vector<64x128xf32>
    %swap3A_376 = arith.constant 0 : index
    %swap3A_377 = arith.constant 0 : index
    %swap3A_378 = vector.load %arg4[%swap3A_376, %swap3A_377] : memref<64x128xf32, #tpu.memory_space<vmem>>, vector<64x128xf32>
    tpu.vector_store %arg4[%swap3A_376, %swap3A_377], %add3A_375 {strides = array<i32>} : memref<64x128xf32, #tpu.memory_space<vmem>>, vector<64x128xf32>,
    %get3A_379 = arith.constant 0 : index
    %get3A_380 = arith.constant 0 : index
    %get3A_381 = vector.load %arg4[%get3A_379, %get3A_380] : memref<64x128xf32, #tpu.memory_space<vmem>>, vector<64x128xf32>
    %slice3A_382 = vector.extract_strided_slice %select_n3A {offsets = [0, 5888], sizes = [64, 128], strides = [1, 1]} : vector<64x6400xf32> to vector<64x128xf32>
    %add3A_383 = arith.addf %get3A_381, %slice3A_382 : vector<64x128xf32>
    %swap3A_384 = arith.constant 0 : index
    %swap3A_385 = arith.constant 0 : index
    %swap3A_386 = vector.load %arg4[%swap3A_384, %swap3A_385] : memref<64x128xf32, #tpu.memory_space<vmem>>, vector<64x128xf32>
    tpu.vector_store %arg4[%swap3A_384, %swap3A_385], %add3A_383 {strides = array<i32>} : memref<64x128xf32, #tpu.memory_space<vmem>>, vector<64x128xf32>,
    %get3A_387 = arith.constant 0 : index
    %get3A_388 = arith.constant 0 : index
    %get3A_389 = vector.load %arg4[%get3A_387, %get3A_388] : memref<64x128xf32, #tpu.memory_space<vmem>>, vector<64x128xf32>
    %slice3A_390 = vector.extract_strided_slice %select_n3A {offsets = [0, 6016], sizes = [64, 128], strides = [1, 1]} : vector<64x6400xf32> to vector<64x128xf32>
    %add3A_391 = arith.addf %get3A_389, %slice3A_390 : vector<64x128xf32>
    %swap3A_392 = arith.constant 0 : index
    %swap3A_393 = arith.constant 0 : index
    %swap3A_394 = vector.load %arg4[%swap3A_392, %swap3A_393] : memref<64x128xf32, #tpu.memory_space<vmem>>, vector<64x128xf32>
    tpu.vector_store %arg4[%swap3A_392, %swap3A_393], %add3A_391 {strides = array<i32>} : memref<64x128xf32, #tpu.memory_space<vmem>>, vector<64x128xf32>,
    %get3A_395 = arith.constant 0 : index
    %get3A_396 = arith.constant 0 : index
    %get3A_397 = vector.load %arg4[%get3A_395, %get3A_396] : memref<64x128xf32, #tpu.memory_space<vmem>>, vector<64x128xf32>
    %slice3A_398 = vector.extract_strided_slice %select_n3A {offsets = [0, 6144], sizes = [64, 128], strides = [1, 1]} : vector<64x6400xf32> to vector<64x128xf32>
    %add3A_399 = arith.addf %get3A_397, %slice3A_398 : vector<64x128xf32>
    %swap3A_400 = arith.constant 0 : index
    %swap3A_401 = arith.constant 0 : index
    %swap3A_402 = vector.load %arg4[%swap3A_400, %swap3A_401] : memref<64x128xf32, #tpu.memory_space<vmem>>, vector<64x128xf32>
    tpu.vector_store %arg4[%swap3A_400, %swap3A_401], %add3A_399 {strides = array<i32>} : memref<64x128xf32, #tpu.memory_space<vmem>>, vector<64x128xf32>,
    %get3A_403 = arith.constant 0 : index
    %get3A_404 = arith.constant 0 : index
    %get3A_405 = vector.load %arg4[%get3A_403, %get3A_404] : memref<64x128xf32, #tpu.memory_space<vmem>>, vector<64x128xf32>
    %slice3A_406 = vector.extract_strided_slice %select_n3A {offsets = [0, 6272], sizes = [64, 128], strides = [1, 1]} : vector<64x6400xf32> to vector<64x128xf32>
    %add3A_407 = arith.addf %get3A_405, %slice3A_406 : vector<64x128xf32>
    %swap3A_408 = arith.constant 0 : index
    %swap3A_409 = arith.constant 0 : index
    %swap3A_410 = vector.load %arg4[%swap3A_408, %swap3A_409] : memref<64x128xf32, #tpu.memory_space<vmem>>, vector<64x128xf32>
    tpu.vector_store %arg4[%swap3A_408, %swap3A_409], %add3A_407 {strides = array<i32>} : memref<64x128xf32, #tpu.memory_space<vmem>>, vector<64x128xf32>,
    %eq3A_411 = arith.constant 15 : i32
    %eq3A_412 = arith.cmpi eq, %arg0, %eq3A_411 : i32
    %convert_element_type3A_413 = arith.extui %eq3A_412 : i1 to i32
    %cond3A_414 = arith.constant 0 : i32
    %cond3A_415 = arith.cmpi ne, %convert_element_type3A_413, %cond3A_414 : i32
    scf.if %cond3A_415 {
      %get3A_416 = arith.constant 0 : index
      %get3A_417 = arith.constant 0 : index
      %get3A_418 = vector.load %arg4[%get3A_416, %get3A_417] : memref<64x128xf32, #tpu.memory_space<vmem>>, vector<64x128xf32>
      %roll3A = arith.constant 64 : i32
      %roll3A_419 = tpu.dynamic_rotate %get3A_418 by %roll3A dim 1 : vector<64x128xf32>, i32 -> vector<64x128xf32>
      %add3A_420 = arith.addf %get3A_418, %roll3A_419 : vector<64x128xf32>
      %roll3A_421 = arith.constant 96 : i32
      %roll3A_422 = tpu.dynamic_rotate %add3A_420 by %roll3A_421 dim 1 : vector<64x128xf32>, i32 -> vector<64x128xf32>
      %add3A_423 = arith.addf %add3A_420, %roll3A_422 : vector<64x128xf32>
      %roll3A_424 = arith.constant 112 : i32
      %roll3A_425 = tpu.dynamic_rotate %add3A_423 by %roll3A_424 dim 1 : vector<64x128xf32>, i32 -> vector<64x128xf32>
      %add3A_426 = arith.addf %add3A_423, %roll3A_425 : vector<64x128xf32>
      %roll3A_427 = arith.constant 120 : i32
      %roll3A_428 = tpu.dynamic_rotate %add3A_426 by %roll3A_427 dim 1 : vector<64x128xf32>, i32 -> vector<64x128xf32>
      %add3A_429 = arith.addf %add3A_426, %roll3A_428 : vector<64x128xf32>
      %roll3A_430 = arith.constant 124 : i32
      %roll3A_431 = tpu.dynamic_rotate %add3A_429 by %roll3A_430 dim 1 : vector<64x128xf32>, i32 -> vector<64x128xf32>
      %add3A_432 = arith.addf %add3A_429, %roll3A_431 : vector<64x128xf32>
      %roll3A_433 = arith.constant 126 : i32
      %roll3A_434 = tpu.dynamic_rotate %add3A_432 by %roll3A_433 dim 1 : vector<64x128xf32>, i32 -> vector<64x128xf32>
      %add3A_435 = arith.addf %add3A_432, %roll3A_434 : vector<64x128xf32>
      %roll3A_436 = arith.constant 127 : i32
      %roll3A_437 = tpu.dynamic_rotate %add3A_435 by %roll3A_436 dim 1 : vector<64x128xf32>, i32 -> vector<64x128xf32>
      %add3A_438 = arith.addf %add3A_435, %roll3A_437 : vector<64x128xf32>
      %slice3A_439 = vector.extract_strided_slice %add3A_438 {offsets = [0, 0], sizes = [64, 1], strides = [1, 1]} : vector<64x128xf32> to vector<64x1xf32>
      %mul3A_440 = arith.constant 9.99999974E-6 : f32
      %mul3A_441 = vector.broadcast %mul3A_440 : f32 to vector<64x1xf32>
      %mul3A_442 = arith.mulf %slice3A_439, %mul3A_441 : vector<64x1xf32>
      %add3A_443 = arith.constant 9.99999974E-6 : f32
      %add3A_444 = vector.broadcast %add3A_443 : f32 to vector<64x1xf32>
      %add3A_445 = arith.addf %mul3A_442, %add3A_444 : vector<64x1xf32>
      %sqrt3A = math.sqrt %add3A_445 : vector<64x1xf32>
      %swap3A_446 = arith.constant 0 : index
      %swap3A_447 = arith.constant 0 : index
      %swap3A_448 = vector.load %arg3[%swap3A_446, %swap3A_447] : memref<64x1xf32, #tpu.memory_space<vmem>>, vector<64x1xf32>
      tpu.vector_store %arg3[%swap3A_446, %swap3A_447], %sqrt3A {strides = array<i32>} : memref<64x1xf32, #tpu.memory_space<vmem>>, vector<64x1xf32>,
    } else {
    }
    return
  }
  func.func @transform_0(%arg0: i32) -> (i32, i32) {
    %c0_i32 = arith.constant 0 : i32
    %c0_i32_0 = arith.constant 0 : i32
    return %c0_i32, %arg0 : i32, i32
  }
  func.func @transform_1(%arg0: i32) -> (i32, i32) {
    %c0_i32 = arith.constant 0 : i32
    %c0_i32_0 = arith.constant 0 : i32
    %c0_i32_1 = arith.constant 0 : i32
    return %c0_i32, %c0_i32_0 : i32, i32
  }
  func.func @transform_2(%arg0: i32) -> (i32, i32) {
    %c0_i32 = arith.constant 0 : i32
    %c0_i32_0 = arith.constant 0 : i32
    %c0_i32_1 = arith.constant 0 : i32
    return %c0_i32, %c0_i32_0 : i32, i32
  }
}

module attributes {stable_mosaic.version = 14 : i64} {
  func.func @_k_mm2(%arg0: i32, %arg1: memref<64x6400xf32, #tpu.memory_space<vmem>>, %arg2: memref<64x1xf32, #tpu.memory_space<vmem>>, %arg3: memref<64x1xf32, #tpu.memory_space<vmem>>, %arg4: memref<64x1xf32, #tpu.memory_space<vmem>>, %arg5: memref<64x1xf32, #tpu.memory_space<vmem>>, %arg6: memref<64x64xf32, #tpu.memory_space<vmem>>, %arg7: memref<64x1xf32, #tpu.memory_space<vmem>>, %arg8: memref<64x6400xf32, #tpu.memory_space<vmem>>, %arg9: memref<64x1xf32, #tpu.memory_space<vmem>>, %arg10: memref<64x128xf32, #tpu.memory_space<vmem>>) attributes {dimension_semantics = [#tpu.dimension_semantics<arbitrary>], iteration_bounds = array<i64: 16>, scalar_prefetch = 0 : i64, scratch_operands = 1 : i64, tpu.core_type = #tpu.core_type<tc>, window_params = [{transform_indices = @transform_0, window_bounds = array<i64: 64, 6400>}, {pipeline_mode = #tpu.pipeline_mode<synchronous>, transform_indices = @transform_1, window_bounds = array<i64: 64, 1>}, {pipeline_mode = #tpu.pipeline_mode<synchronous>, transform_indices = @transform_2, window_bounds = array<i64: 64, 1>}, {pipeline_mode = #tpu.pipeline_mode<synchronous>, transform_indices = @transform_3, window_bounds = array<i64: 64, 1>}, {pipeline_mode = #tpu.pipeline_mode<synchronous>, transform_indices = @transform_4, window_bounds = array<i64: 64, 1>}, {pipeline_mode = #tpu.pipeline_mode<synchronous>, transform_indices = @transform_5, window_bounds = array<i64: 64, 64>}, {pipeline_mode = #tpu.pipeline_mode<synchronous>, transform_indices = @transform_6, window_bounds = array<i64: 64, 1>}, {transform_indices = @transform_7, window_bounds = array<i64: 64, 6400>}, {pipeline_mode = #tpu.pipeline_mode<synchronous>, transform_indices = @transform_8, window_bounds = array<i64: 64, 1>}]} {
    %get3A = arith.constant 0 : index
    %get3A_0 = arith.constant 0 : index
    %get3A_1 = vector.load %arg1[%get3A, %get3A_0] : memref<64x6400xf32, #tpu.memory_space<vmem>>, vector<64x6400xf32>
    %get3A_2 = arith.constant 0 : index
    %get3A_3 = arith.constant 0 : index
    %get3A_4 = vector.load %arg2[%get3A_2, %get3A_3] : memref<64x1xf32, #tpu.memory_space<vmem>>, vector<64x1xf32>
    %sub3A = vector.broadcast %get3A_4 : vector<64x1xf32> to vector<64x6400xf32>
    %sub3A_5 = arith.subf %get3A_1, %sub3A : vector<64x6400xf32>
    %get3A_6 = arith.constant 0 : index
    %get3A_7 = arith.constant 0 : index
    %get3A_8 = vector.load %arg3[%get3A_6, %get3A_7] : memref<64x1xf32, #tpu.memory_space<vmem>>, vector<64x1xf32>
    %div3A = vector.broadcast %get3A_8 : vector<64x1xf32> to vector<64x6400xf32>
    %div3A_9 = arith.divf %sub3A_5, %div3A : vector<64x6400xf32>
    %get3A_10 = arith.constant 0 : index
    %get3A_11 = arith.constant 0 : index
    %get3A_12 = vector.load %arg4[%get3A_10, %get3A_11] : memref<64x1xf32, #tpu.memory_space<vmem>>, vector<64x1xf32>
    %mul3A = vector.broadcast %get3A_12 : vector<64x1xf32> to vector<64x6400xf32>
    %mul3A_13 = arith.mulf %div3A_9, %mul3A : vector<64x6400xf32>
    %get3A_14 = arith.constant 0 : index
    %get3A_15 = arith.constant 0 : index
    %get3A_16 = vector.load %arg5[%get3A_14, %get3A_15] : memref<64x1xf32, #tpu.memory_space<vmem>>, vector<64x1xf32>
    %add3A = vector.broadcast %get3A_16 : vector<64x1xf32> to vector<64x6400xf32>
    %add3A_17 = arith.addf %mul3A_13, %add3A : vector<64x6400xf32>
    %neg3A = arith.constant 0.000000e+00 : f32
    %neg3A_18 = vector.broadcast %neg3A : f32 to vector<64x6400xf32>
    %neg3A_19 = arith.subf %neg3A_18, %add3A_17 : vector<64x6400xf32>
    %mul3A_20 = arith.constant 0.707106769 : f32
    %mul3A_21 = vector.broadcast %mul3A_20 : f32 to vector<64x6400xf32>
    %mul3A_22 = arith.mulf %neg3A_19, %mul3A_21 : vector<64x6400xf32>
    %mul3A_23 = arith.constant 5.000000e-01 : f32
    %mul3A_24 = vector.broadcast %mul3A_23 : f32 to vector<64x6400xf32>
    %mul3A_25 = arith.mulf %add3A_17, %mul3A_24 : vector<64x6400xf32>
    %mul3A_26 = arith.mulf %mul3A_22, %mul3A_22 : vector<64x6400xf32>
    %mul3A_27 = arith.constant 7.85386146E-5 : f32
    %mul3A_28 = vector.broadcast %mul3A_27 : f32 to vector<64x6400xf32>
    %mul3A_29 = arith.mulf %mul3A_26, %mul3A_28 : vector<64x6400xf32>
    %add3A_30 = arith.constant -8.0101937E-4 : f32
    %add3A_31 = vector.broadcast %add3A_30 : f32 to vector<64x6400xf32>
    %add3A_32 = arith.addf %mul3A_29, %add3A_31 : vector<64x6400xf32>
    %mul3A_33 = arith.mulf %add3A_32, %mul3A_26 : vector<64x6400xf32>
    %add3A_34 = arith.constant 0.00518832775 : f32
    %add3A_35 = vector.broadcast %add3A_34 : f32 to vector<64x6400xf32>
    %add3A_36 = arith.addf %mul3A_33, %add3A_35 : vector<64x6400xf32>
    %mul3A_37 = arith.mulf %add3A_36, %mul3A_26 : vector<64x6400xf32>
    %add3A_38 = arith.constant -0.0268538129 : f32
    %add3A_39 = vector.broadcast %add3A_38 : f32 to vector<64x6400xf32>
    %add3A_40 = arith.addf %mul3A_37, %add3A_39 : vector<64x6400xf32>
    %mul3A_41 = arith.mulf %add3A_40, %mul3A_26 : vector<64x6400xf32>
    %add3A_42 = arith.constant 0.112835854 : f32
    %add3A_43 = vector.broadcast %add3A_42 : f32 to vector<64x6400xf32>
    %add3A_44 = arith.addf %mul3A_41, %add3A_43 : vector<64x6400xf32>
    %mul3A_45 = arith.mulf %add3A_44, %mul3A_26 : vector<64x6400xf32>
    %add3A_46 = arith.constant -0.37612626 : f32
    %add3A_47 = vector.broadcast %add3A_46 : f32 to vector<64x6400xf32>
    %add3A_48 = arith.addf %mul3A_45, %add3A_47 : vector<64x6400xf32>
    %mul3A_49 = arith.mulf %add3A_48, %mul3A_26 : vector<64x6400xf32>
    %add3A_50 = arith.constant 1.12837911 : f32
    %add3A_51 = vector.broadcast %add3A_50 : f32 to vector<64x6400xf32>
    %add3A_52 = arith.addf %mul3A_49, %add3A_51 : vector<64x6400xf32>
    %mul3A_53 = arith.mulf %mul3A_22, %add3A_52 : vector<64x6400xf32>
    %sub3A_54 = arith.constant 1.000000e+00 : f32
    %sub3A_55 = vector.broadcast %sub3A_54 : f32 to vector<64x6400xf32>
    %sub3A_56 = arith.subf %sub3A_55, %mul3A_53 : vector<64x6400xf32>
    %abs3A = math.absf %mul3A_22 : vector<64x6400xf32>
    %neg3A_57 = arith.constant 0.000000e+00 : f32
    %neg3A_58 = vector.broadcast %neg3A_57 : f32 to vector<64x6400xf32>
    %neg3A_59 = arith.subf %neg3A_58, %mul3A_26 : vector<64x6400xf32>
    %exp3A = math.exp %neg3A_59 : vector<64x6400xf32>
    %div3A_60 = arith.constant 1.000000e+00 : f32
    %div3A_61 = vector.broadcast %div3A_60 : f32 to vector<64x6400xf32>
    %div3A_62 = arith.divf %div3A_61, %abs3A : vector<64x6400xf32>
    %mul3A_63 = arith.mulf %exp3A, %div3A_62 : vector<64x6400xf32>
    %div3A_64 = arith.constant 1.000000e+00 : f32
    %div3A_65 = vector.broadcast %div3A_64 : f32 to vector<64x6400xf32>
    %div3A_66 = arith.divf %div3A_65, %mul3A_26 : vector<64x6400xf32>
    %mul3A_67 = arith.constant 2.326820e-02 : f32
    %mul3A_68 = vector.broadcast %mul3A_67 : f32 to vector<64x6400xf32>
    %mul3A_69 = arith.mulf %div3A_66, %mul3A_68 : vector<64x6400xf32>
    %add3A_70 = arith.constant -0.138703942 : f32
    %add3A_71 = vector.broadcast %add3A_70 : f32 to vector<64x6400xf32>
    %add3A_72 = arith.addf %mul3A_69, %add3A_71 : vector<64x6400xf32>
    %mul3A_73 = arith.mulf %add3A_72, %div3A_66 : vector<64x6400xf32>
    %add3A_74 = arith.constant 0.368742466 : f32
    %add3A_75 = vector.broadcast %add3A_74 : f32 to vector<64x6400xf32>
    %add3A_76 = arith.addf %mul3A_73, %add3A_75 : vector<64x6400xf32>
    %mul3A_77 = arith.mulf %add3A_76, %div3A_66 : vector<64x6400xf32>
    %add3A_78 = arith.constant -0.582473278 : f32
    %add3A_79 = vector.broadcast %add3A_78 : f32 to vector<64x6400xf32>
    %add3A_80 = arith.addf %mul3A_77, %add3A_79 : vector<64x6400xf32>
    %mul3A_81 = arith.mulf %add3A_80, %div3A_66 : vector<64x6400xf32>
    %add3A_82 = arith.constant 0.621000468 : f32
    %add3A_83 = vector.broadcast %add3A_82 : f32 to vector<64x6400xf32>
    %add3A_84 = arith.addf %mul3A_81, %add3A_83 : vector<64x6400xf32>
    %mul3A_85 = arith.mulf %add3A_84, %div3A_66 : vector<64x6400xf32>
    %add3A_86 = arith.constant -0.494451523 : f32
    %add3A_87 = vector.broadcast %add3A_86 : f32 to vector<64x6400xf32>
    %add3A_88 = arith.addf %mul3A_85, %add3A_87 : vector<64x6400xf32>
    %mul3A_89 = arith.mulf %add3A_88, %div3A_66 : vector<64x6400xf32>
    %add3A_90 = arith.constant 3.404880e-01 : f32
    %add3A_91 = vector.broadcast %add3A_90 : f32 to vector<64x6400xf32>
    %add3A_92 = arith.addf %mul3A_89, %add3A_91 : vector<64x6400xf32>
    %mul3A_93 = arith.mulf %add3A_92, %div3A_66 : vector<64x6400xf32>
    %add3A_94 = arith.constant -0.274112701 : f32
    %add3A_95 = vector.broadcast %add3A_94 : f32 to vector<64x6400xf32>
    %add3A_96 = arith.addf %mul3A_93, %add3A_95 : vector<64x6400xf32>
    %mul3A_97 = arith.mulf %add3A_96, %div3A_66 : vector<64x6400xf32>
    %add3A_98 = arith.constant 0.563825965 : f32
    %add3A_99 = vector.broadcast %add3A_98 : f32 to vector<64x6400xf32>
    %add3A_100 = arith.addf %mul3A_97, %add3A_99 : vector<64x6400xf32>
    %mul3A_101 = arith.constant -10.477664 : f32
    %mul3A_102 = vector.broadcast %mul3A_101 : f32 to vector<64x6400xf32>
    %mul3A_103 = arith.mulf %div3A_66, %mul3A_102 : vector<64x6400xf32>
    %add3A_104 = arith.constant 1.297720e+01 : f32
    %add3A_105 = vector.broadcast %add3A_104 : f32 to vector<64x6400xf32>
    %add3A_106 = arith.addf %mul3A_103, %add3A_105 : vector<64x6400xf32>
    %mul3A_107 = arith.mulf %add3A_106, %div3A_66 : vector<64x6400xf32>
    %add3A_108 = arith.constant -7.49551868 : f32
    %add3A_109 = vector.broadcast %add3A_108 : f32 to vector<64x6400xf32>
    %add3A_110 = arith.addf %mul3A_107, %add3A_109 : vector<64x6400xf32>
    %mul3A_111 = arith.mulf %add3A_110, %div3A_66 : vector<64x6400xf32>
    %add3A_112 = arith.constant 2.92101908 : f32
    %add3A_113 = vector.broadcast %add3A_112 : f32 to vector<64x6400xf32>
    %add3A_114 = arith.addf %mul3A_111, %add3A_113 : vector<64x6400xf32>
    %mul3A_115 = arith.mulf %add3A_114, %div3A_66 : vector<64x6400xf32>
    %add3A_116 = arith.constant -1.01526523 : f32
    %add3A_117 = vector.broadcast %add3A_116 : f32 to vector<64x6400xf32>
    %add3A_118 = arith.addf %mul3A_115, %add3A_117 : vector<64x6400xf32>
    %mul3A_119 = arith.mulf %add3A_118, %div3A_66 : vector<64x6400xf32>
    %add3A_120 = arith.constant 0.42184633 : f32
    %add3A_121 = vector.broadcast %add3A_120 : f32 to vector<64x6400xf32>
    %add3A_122 = arith.addf %mul3A_119, %add3A_121 : vector<64x6400xf32>
    %mul3A_123 = arith.mulf %add3A_122, %div3A_66 : vector<64x6400xf32>
    %add3A_124 = arith.constant -0.282076746 : f32
    %add3A_125 = vector.broadcast %add3A_124 : f32 to vector<64x6400xf32>
    %add3A_126 = arith.addf %mul3A_123, %add3A_125 : vector<64x6400xf32>
    %mul3A_127 = arith.mulf %add3A_126, %div3A_66 : vector<64x6400xf32>
    %add3A_128 = arith.constant 0.564189494 : f32
    %add3A_129 = vector.broadcast %add3A_128 : f32 to vector<64x6400xf32>
    %add3A_130 = arith.addf %mul3A_127, %add3A_129 : vector<64x6400xf32>
    %lt3A = arith.constant 2.000000e+00 : f32
    %lt3A_131 = vector.broadcast %lt3A : f32 to vector<64x6400xf32>
    %lt3A_132 = arith.cmpf olt, %abs3A, %lt3A_131 : vector<64x6400xf32>
    %select_n3A = arith.select %lt3A_132, %add3A_100, %add3A_130 : vector<64x6400xi1>, vector<64x6400xf32>
    %mul3A_133 = arith.mulf %mul3A_63, %select_n3A : vector<64x6400xf32>
    %lt3A_134 = arith.constant -88.7228394 : f32
    %lt3A_135 = vector.broadcast %lt3A_134 : f32 to vector<64x6400xf32>
    %lt3A_136 = arith.cmpf olt, %neg3A_59, %lt3A_135 : vector<64x6400xf32>
    %jit3A = arith.constant 0.000000e+00 : f32
    %broadcast_in_dim3A = vector.broadcast %jit3A : f32 to vector<64x6400xf32>
    %select_n3A_137 = arith.select %lt3A_136, %broadcast_in_dim3A, %mul3A_133 : vector<64x6400xi1>, vector<64x6400xf32>
    %lt3A_138 = arith.constant 0.000000e+00 : f32
    %lt3A_139 = vector.broadcast %lt3A_138 : f32 to vector<64x6400xf32>
    %lt3A_140 = arith.cmpf olt, %mul3A_22, %lt3A_139 : vector<64x6400xf32>
    %sub3A_141 = arith.constant 2.000000e+00 : f32
    %sub3A_142 = vector.broadcast %sub3A_141 : f32 to vector<64x6400xf32>
    %sub3A_143 = arith.subf %sub3A_142, %select_n3A_137 : vector<64x6400xf32>
    %select_n3A_144 = arith.select %lt3A_140, %sub3A_143, %select_n3A_137 : vector<64x6400xi1>, vector<64x6400xf32>
    %lt3A_145 = arith.constant 1.000000e+00 : f32
    %lt3A_146 = vector.broadcast %lt3A_145 : f32 to vector<64x6400xf32>
    %lt3A_147 = arith.cmpf olt, %abs3A, %lt3A_146 : vector<64x6400xf32>
    %select_n3A_148 = arith.select %lt3A_147, %sub3A_56, %select_n3A_144 : vector<64x6400xi1>, vector<64x6400xf32>
    %mul3A_149 = arith.mulf %mul3A_25, %select_n3A_148 : vector<64x6400xf32>
    %get3A_150 = arith.constant 0 : index
    %get3A_151 = arith.constant 0 : index
    %get3A_152 = vector.load %arg6[%get3A_150, %get3A_151] : memref<64x64xf32, #tpu.memory_space<vmem>>, vector<64x64xf32>
    %dot_general3A = arith.constant dense<0.000000e+00> : vector<64x6400xf32>
    %dot_general3A_153 = tpu.matmul %get3A_152, %mul3A_149, %dot_general3A {dimension_numbers = #tpu.dot_dimension_numbers<[1], [0], [0], [1], [0, 0, 1, 1], [], []>, transpose_lhs_hint = false} : vector<64x64xf32>, vector<64x6400xf32>, vector<64x6400xf32> -> vector<64x6400xf32>
    %get3A_154 = arith.constant 0 : index
    %get3A_155 = arith.constant 0 : index
    %get3A_156 = vector.load %arg7[%get3A_154, %get3A_155] : memref<64x1xf32, #tpu.memory_space<vmem>>, vector<64x1xf32>
    %add3A_157 = vector.broadcast %get3A_156 : vector<64x1xf32> to vector<64x6400xf32>
    %add3A_158 = arith.addf %dot_general3A_153, %add3A_157 : vector<64x6400xf32>
    %swap3A = arith.constant 0 : index
    %swap3A_159 = arith.constant 0 : index
    %swap3A_160 = vector.load %arg8[%swap3A, %swap3A_159] : memref<64x6400xf32, #tpu.memory_space<vmem>>, vector<64x6400xf32>
    tpu.vector_store %arg8[%swap3A, %swap3A_159], %add3A_158 {strides = array<i32>} : memref<64x6400xf32, #tpu.memory_space<vmem>>, vector<64x6400xf32>,
    %eq3A = arith.constant 0 : i32
    %eq3A_161 = arith.cmpi eq, %arg0, %eq3A : i32
    %convert_element_type3A = arith.extui %eq3A_161 : i1 to i32
    %cond3A = arith.constant 0 : i32
    %cond3A_162 = arith.cmpi ne, %convert_element_type3A, %cond3A : i32
    scf.if %cond3A_162 {
      %broadcast_in_dim3A_577 = arith.constant 0.000000e+00 : f32
      %broadcast_in_dim3A_578 = vector.broadcast %broadcast_in_dim3A_577 : f32 to vector<64x128xf32>
      %swap3A_579 = arith.constant 0 : index
      %swap3A_580 = arith.constant 0 : index
      %swap3A_581 = vector.load %arg10[%swap3A_579, %swap3A_580] : memref<64x128xf32, #tpu.memory_space<vmem>>, vector<64x128xf32>
      tpu.vector_store %arg10[%swap3A_579, %swap3A_580], %broadcast_in_dim3A_578 {strides = array<i32>} : memref<64x128xf32, #tpu.memory_space<vmem>>, vector<64x128xf32>,
    } else {
    }
    %mul3A_163 = arith.constant 6400 : i32
    %mul3A_164 = arith.muli %arg0, %mul3A_163 : i32
    %iota3A = tpu.iota {dimensions = array<i32: 1>} : vector<64x6400xi32>
    %add3A_165 = vector.broadcast %mul3A_164 : i32 to vector<64x6400xi32>
    %add3A_166 = arith.addi %add3A_165, %iota3A : vector<64x6400xi32>
    %lt3A_167 = arith.constant 100000 : i32
    %lt3A_168 = vector.broadcast %lt3A_167 : i32 to vector<64x6400xi32>
    %lt3A_169 = arith.cmpi slt, %add3A_166, %lt3A_168 : vector<64x6400xi32>
    %jit3A_170 = arith.constant 0.000000e+00 : f32
    %broadcast_in_dim3A_171 = vector.broadcast %jit3A_170 : f32 to vector<64x6400xf32>
    %select_n3A_172 = arith.select %lt3A_169, %add3A_158, %broadcast_in_dim3A_171 : vector<64x6400xi1>, vector<64x6400xf32>
    %get3A_173 = arith.constant 0 : index
    %get3A_174 = arith.constant 0 : index
    %get3A_175 = vector.load %arg10[%get3A_173, %get3A_174] : memref<64x128xf32, #tpu.memory_space<vmem>>, vector<64x128xf32>
    %slice3A = vector.extract_strided_slice %select_n3A_172 {offsets = [0, 0], sizes = [64, 128], strides = [1, 1]} : vector<64x6400xf32> to vector<64x128xf32>
    %add3A_176 = arith.addf %get3A_175, %slice3A : vector<64x128xf32>
    %swap3A_177 = arith.constant 0 : index
    %swap3A_178 = arith.constant 0 : index
    %swap3A_179 = vector.load %arg10[%swap3A_177, %swap3A_178] : memref<64x128xf32, #tpu.memory_space<vmem>>, vector<64x128xf32>
    tpu.vector_store %arg10[%swap3A_177, %swap3A_178], %add3A_176 {strides = array<i32>} : memref<64x128xf32, #tpu.memory_space<vmem>>, vector<64x128xf32>,
    %get3A_180 = arith.constant 0 : index
    %get3A_181 = arith.constant 0 : index
    %get3A_182 = vector.load %arg10[%get3A_180, %get3A_181] : memref<64x128xf32, #tpu.memory_space<vmem>>, vector<64x128xf32>
    %slice3A_183 = vector.extract_strided_slice %select_n3A_172 {offsets = [0, 128], sizes = [64, 128], strides = [1, 1]} : vector<64x6400xf32> to vector<64x128xf32>
    %add3A_184 = arith.addf %get3A_182, %slice3A_183 : vector<64x128xf32>
    %swap3A_185 = arith.constant 0 : index
    %swap3A_186 = arith.constant 0 : index
    %swap3A_187 = vector.load %arg10[%swap3A_185, %swap3A_186] : memref<64x128xf32, #tpu.memory_space<vmem>>, vector<64x128xf32>
    tpu.vector_store %arg10[%swap3A_185, %swap3A_186], %add3A_184 {strides = array<i32>} : memref<64x128xf32, #tpu.memory_space<vmem>>, vector<64x128xf32>,
    %get3A_188 = arith.constant 0 : index
    %get3A_189 = arith.constant 0 : index
    %get3A_190 = vector.load %arg10[%get3A_188, %get3A_189] : memref<64x128xf32, #tpu.memory_space<vmem>>, vector<64x128xf32>
    %slice3A_191 = vector.extract_strided_slice %select_n3A_172 {offsets = [0, 256], sizes = [64, 128], strides = [1, 1]} : vector<64x6400xf32> to vector<64x128xf32>
    %add3A_192 = arith.addf %get3A_190, %slice3A_191 : vector<64x128xf32>
    %swap3A_193 = arith.constant 0 : index
    %swap3A_194 = arith.constant 0 : index
    %swap3A_195 = vector.load %arg10[%swap3A_193, %swap3A_194] : memref<64x128xf32, #tpu.memory_space<vmem>>, vector<64x128xf32>
    tpu.vector_store %arg10[%swap3A_193, %swap3A_194], %add3A_192 {strides = array<i32>} : memref<64x128xf32, #tpu.memory_space<vmem>>, vector<64x128xf32>,
    %get3A_196 = arith.constant 0 : index
    %get3A_197 = arith.constant 0 : index
    %get3A_198 = vector.load %arg10[%get3A_196, %get3A_197] : memref<64x128xf32, #tpu.memory_space<vmem>>, vector<64x128xf32>
    %slice3A_199 = vector.extract_strided_slice %select_n3A_172 {offsets = [0, 384], sizes = [64, 128], strides = [1, 1]} : vector<64x6400xf32> to vector<64x128xf32>
    %add3A_200 = arith.addf %get3A_198, %slice3A_199 : vector<64x128xf32>
    %swap3A_201 = arith.constant 0 : index
    %swap3A_202 = arith.constant 0 : index
    %swap3A_203 = vector.load %arg10[%swap3A_201, %swap3A_202] : memref<64x128xf32, #tpu.memory_space<vmem>>, vector<64x128xf32>
    tpu.vector_store %arg10[%swap3A_201, %swap3A_202], %add3A_200 {strides = array<i32>} : memref<64x128xf32, #tpu.memory_space<vmem>>, vector<64x128xf32>,
    %get3A_204 = arith.constant 0 : index
    %get3A_205 = arith.constant 0 : index
    %get3A_206 = vector.load %arg10[%get3A_204, %get3A_205] : memref<64x128xf32, #tpu.memory_space<vmem>>, vector<64x128xf32>
    %slice3A_207 = vector.extract_strided_slice %select_n3A_172 {offsets = [0, 512], sizes = [64, 128], strides = [1, 1]} : vector<64x6400xf32> to vector<64x128xf32>
    %add3A_208 = arith.addf %get3A_206, %slice3A_207 : vector<64x128xf32>
    %swap3A_209 = arith.constant 0 : index
    %swap3A_210 = arith.constant 0 : index
    %swap3A_211 = vector.load %arg10[%swap3A_209, %swap3A_210] : memref<64x128xf32, #tpu.memory_space<vmem>>, vector<64x128xf32>
    tpu.vector_store %arg10[%swap3A_209, %swap3A_210], %add3A_208 {strides = array<i32>} : memref<64x128xf32, #tpu.memory_space<vmem>>, vector<64x128xf32>,
    %get3A_212 = arith.constant 0 : index
    %get3A_213 = arith.constant 0 : index
    %get3A_214 = vector.load %arg10[%get3A_212, %get3A_213] : memref<64x128xf32, #tpu.memory_space<vmem>>, vector<64x128xf32>
    %slice3A_215 = vector.extract_strided_slice %select_n3A_172 {offsets = [0, 640], sizes = [64, 128], strides = [1, 1]} : vector<64x6400xf32> to vector<64x128xf32>
    %add3A_216 = arith.addf %get3A_214, %slice3A_215 : vector<64x128xf32>
    %swap3A_217 = arith.constant 0 : index
    %swap3A_218 = arith.constant 0 : index
    %swap3A_219 = vector.load %arg10[%swap3A_217, %swap3A_218] : memref<64x128xf32, #tpu.memory_space<vmem>>, vector<64x128xf32>
    tpu.vector_store %arg10[%swap3A_217, %swap3A_218], %add3A_216 {strides = array<i32>} : memref<64x128xf32, #tpu.memory_space<vmem>>, vector<64x128xf32>,
    %get3A_220 = arith.constant 0 : index
    %get3A_221 = arith.constant 0 : index
    %get3A_222 = vector.load %arg10[%get3A_220, %get3A_221] : memref<64x128xf32, #tpu.memory_space<vmem>>, vector<64x128xf32>
    %slice3A_223 = vector.extract_strided_slice %select_n3A_172 {offsets = [0, 768], sizes = [64, 128], strides = [1, 1]} : vector<64x6400xf32> to vector<64x128xf32>
    %add3A_224 = arith.addf %get3A_222, %slice3A_223 : vector<64x128xf32>
    %swap3A_225 = arith.constant 0 : index
    %swap3A_226 = arith.constant 0 : index
    %swap3A_227 = vector.load %arg10[%swap3A_225, %swap3A_226] : memref<64x128xf32, #tpu.memory_space<vmem>>, vector<64x128xf32>
    tpu.vector_store %arg10[%swap3A_225, %swap3A_226], %add3A_224 {strides = array<i32>} : memref<64x128xf32, #tpu.memory_space<vmem>>, vector<64x128xf32>,
    %get3A_228 = arith.constant 0 : index
    %get3A_229 = arith.constant 0 : index
    %get3A_230 = vector.load %arg10[%get3A_228, %get3A_229] : memref<64x128xf32, #tpu.memory_space<vmem>>, vector<64x128xf32>
    %slice3A_231 = vector.extract_strided_slice %select_n3A_172 {offsets = [0, 896], sizes = [64, 128], strides = [1, 1]} : vector<64x6400xf32> to vector<64x128xf32>
    %add3A_232 = arith.addf %get3A_230, %slice3A_231 : vector<64x128xf32>
    %swap3A_233 = arith.constant 0 : index
    %swap3A_234 = arith.constant 0 : index
    %swap3A_235 = vector.load %arg10[%swap3A_233, %swap3A_234] : memref<64x128xf32, #tpu.memory_space<vmem>>, vector<64x128xf32>
    tpu.vector_store %arg10[%swap3A_233, %swap3A_234], %add3A_232 {strides = array<i32>} : memref<64x128xf32, #tpu.memory_space<vmem>>, vector<64x128xf32>,
    %get3A_236 = arith.constant 0 : index
    %get3A_237 = arith.constant 0 : index
    %get3A_238 = vector.load %arg10[%get3A_236, %get3A_237] : memref<64x128xf32, #tpu.memory_space<vmem>>, vector<64x128xf32>
    %slice3A_239 = vector.extract_strided_slice %select_n3A_172 {offsets = [0, 1024], sizes = [64, 128], strides = [1, 1]} : vector<64x6400xf32> to vector<64x128xf32>
    %add3A_240 = arith.addf %get3A_238, %slice3A_239 : vector<64x128xf32>
    %swap3A_241 = arith.constant 0 : index
    %swap3A_242 = arith.constant 0 : index
    %swap3A_243 = vector.load %arg10[%swap3A_241, %swap3A_242] : memref<64x128xf32, #tpu.memory_space<vmem>>, vector<64x128xf32>
    tpu.vector_store %arg10[%swap3A_241, %swap3A_242], %add3A_240 {strides = array<i32>} : memref<64x128xf32, #tpu.memory_space<vmem>>, vector<64x128xf32>,
    %get3A_244 = arith.constant 0 : index
    %get3A_245 = arith.constant 0 : index
    %get3A_246 = vector.load %arg10[%get3A_244, %get3A_245] : memref<64x128xf32, #tpu.memory_space<vmem>>, vector<64x128xf32>
    %slice3A_247 = vector.extract_strided_slice %select_n3A_172 {offsets = [0, 1152], sizes = [64, 128], strides = [1, 1]} : vector<64x6400xf32> to vector<64x128xf32>
    %add3A_248 = arith.addf %get3A_246, %slice3A_247 : vector<64x128xf32>
    %swap3A_249 = arith.constant 0 : index
    %swap3A_250 = arith.constant 0 : index
    %swap3A_251 = vector.load %arg10[%swap3A_249, %swap3A_250] : memref<64x128xf32, #tpu.memory_space<vmem>>, vector<64x128xf32>
    tpu.vector_store %arg10[%swap3A_249, %swap3A_250], %add3A_248 {strides = array<i32>} : memref<64x128xf32, #tpu.memory_space<vmem>>, vector<64x128xf32>,
    %get3A_252 = arith.constant 0 : index
    %get3A_253 = arith.constant 0 : index
    %get3A_254 = vector.load %arg10[%get3A_252, %get3A_253] : memref<64x128xf32, #tpu.memory_space<vmem>>, vector<64x128xf32>
    %slice3A_255 = vector.extract_strided_slice %select_n3A_172 {offsets = [0, 1280], sizes = [64, 128], strides = [1, 1]} : vector<64x6400xf32> to vector<64x128xf32>
    %add3A_256 = arith.addf %get3A_254, %slice3A_255 : vector<64x128xf32>
    %swap3A_257 = arith.constant 0 : index
    %swap3A_258 = arith.constant 0 : index
    %swap3A_259 = vector.load %arg10[%swap3A_257, %swap3A_258] : memref<64x128xf32, #tpu.memory_space<vmem>>, vector<64x128xf32>
    tpu.vector_store %arg10[%swap3A_257, %swap3A_258], %add3A_256 {strides = array<i32>} : memref<64x128xf32, #tpu.memory_space<vmem>>, vector<64x128xf32>,
    %get3A_260 = arith.constant 0 : index
    %get3A_261 = arith.constant 0 : index
    %get3A_262 = vector.load %arg10[%get3A_260, %get3A_261] : memref<64x128xf32, #tpu.memory_space<vmem>>, vector<64x128xf32>
    %slice3A_263 = vector.extract_strided_slice %select_n3A_172 {offsets = [0, 1408], sizes = [64, 128], strides = [1, 1]} : vector<64x6400xf32> to vector<64x128xf32>
    %add3A_264 = arith.addf %get3A_262, %slice3A_263 : vector<64x128xf32>
    %swap3A_265 = arith.constant 0 : index
    %swap3A_266 = arith.constant 0 : index
    %swap3A_267 = vector.load %arg10[%swap3A_265, %swap3A_266] : memref<64x128xf32, #tpu.memory_space<vmem>>, vector<64x128xf32>
    tpu.vector_store %arg10[%swap3A_265, %swap3A_266], %add3A_264 {strides = array<i32>} : memref<64x128xf32, #tpu.memory_space<vmem>>, vector<64x128xf32>,
    %get3A_268 = arith.constant 0 : index
    %get3A_269 = arith.constant 0 : index
    %get3A_270 = vector.load %arg10[%get3A_268, %get3A_269] : memref<64x128xf32, #tpu.memory_space<vmem>>, vector<64x128xf32>
    %slice3A_271 = vector.extract_strided_slice %select_n3A_172 {offsets = [0, 1536], sizes = [64, 128], strides = [1, 1]} : vector<64x6400xf32> to vector<64x128xf32>
    %add3A_272 = arith.addf %get3A_270, %slice3A_271 : vector<64x128xf32>
    %swap3A_273 = arith.constant 0 : index
    %swap3A_274 = arith.constant 0 : index
    %swap3A_275 = vector.load %arg10[%swap3A_273, %swap3A_274] : memref<64x128xf32, #tpu.memory_space<vmem>>, vector<64x128xf32>
    tpu.vector_store %arg10[%swap3A_273, %swap3A_274], %add3A_272 {strides = array<i32>} : memref<64x128xf32, #tpu.memory_space<vmem>>, vector<64x128xf32>,
    %get3A_276 = arith.constant 0 : index
    %get3A_277 = arith.constant 0 : index
    %get3A_278 = vector.load %arg10[%get3A_276, %get3A_277] : memref<64x128xf32, #tpu.memory_space<vmem>>, vector<64x128xf32>
    %slice3A_279 = vector.extract_strided_slice %select_n3A_172 {offsets = [0, 1664], sizes = [64, 128], strides = [1, 1]} : vector<64x6400xf32> to vector<64x128xf32>
    %add3A_280 = arith.addf %get3A_278, %slice3A_279 : vector<64x128xf32>
    %swap3A_281 = arith.constant 0 : index
    %swap3A_282 = arith.constant 0 : index
    %swap3A_283 = vector.load %arg10[%swap3A_281, %swap3A_282] : memref<64x128xf32, #tpu.memory_space<vmem>>, vector<64x128xf32>
    tpu.vector_store %arg10[%swap3A_281, %swap3A_282], %add3A_280 {strides = array<i32>} : memref<64x128xf32, #tpu.memory_space<vmem>>, vector<64x128xf32>,
    %get3A_284 = arith.constant 0 : index
    %get3A_285 = arith.constant 0 : index
    %get3A_286 = vector.load %arg10[%get3A_284, %get3A_285] : memref<64x128xf32, #tpu.memory_space<vmem>>, vector<64x128xf32>
    %slice3A_287 = vector.extract_strided_slice %select_n3A_172 {offsets = [0, 1792], sizes = [64, 128], strides = [1, 1]} : vector<64x6400xf32> to vector<64x128xf32>
    %add3A_288 = arith.addf %get3A_286, %slice3A_287 : vector<64x128xf32>
    %swap3A_289 = arith.constant 0 : index
    %swap3A_290 = arith.constant 0 : index
    %swap3A_291 = vector.load %arg10[%swap3A_289, %swap3A_290] : memref<64x128xf32, #tpu.memory_space<vmem>>, vector<64x128xf32>
    tpu.vector_store %arg10[%swap3A_289, %swap3A_290], %add3A_288 {strides = array<i32>} : memref<64x128xf32, #tpu.memory_space<vmem>>, vector<64x128xf32>,
    %get3A_292 = arith.constant 0 : index
    %get3A_293 = arith.constant 0 : index
    %get3A_294 = vector.load %arg10[%get3A_292, %get3A_293] : memref<64x128xf32, #tpu.memory_space<vmem>>, vector<64x128xf32>
    %slice3A_295 = vector.extract_strided_slice %select_n3A_172 {offsets = [0, 1920], sizes = [64, 128], strides = [1, 1]} : vector<64x6400xf32> to vector<64x128xf32>
    %add3A_296 = arith.addf %get3A_294, %slice3A_295 : vector<64x128xf32>
    %swap3A_297 = arith.constant 0 : index
    %swap3A_298 = arith.constant 0 : index
    %swap3A_299 = vector.load %arg10[%swap3A_297, %swap3A_298] : memref<64x128xf32, #tpu.memory_space<vmem>>, vector<64x128xf32>
    tpu.vector_store %arg10[%swap3A_297, %swap3A_298], %add3A_296 {strides = array<i32>} : memref<64x128xf32, #tpu.memory_space<vmem>>, vector<64x128xf32>,
    %get3A_300 = arith.constant 0 : index
    %get3A_301 = arith.constant 0 : index
    %get3A_302 = vector.load %arg10[%get3A_300, %get3A_301] : memref<64x128xf32, #tpu.memory_space<vmem>>, vector<64x128xf32>
    %slice3A_303 = vector.extract_strided_slice %select_n3A_172 {offsets = [0, 2048], sizes = [64, 128], strides = [1, 1]} : vector<64x6400xf32> to vector<64x128xf32>
    %add3A_304 = arith.addf %get3A_302, %slice3A_303 : vector<64x128xf32>
    %swap3A_305 = arith.constant 0 : index
    %swap3A_306 = arith.constant 0 : index
    %swap3A_307 = vector.load %arg10[%swap3A_305, %swap3A_306] : memref<64x128xf32, #tpu.memory_space<vmem>>, vector<64x128xf32>
    tpu.vector_store %arg10[%swap3A_305, %swap3A_306], %add3A_304 {strides = array<i32>} : memref<64x128xf32, #tpu.memory_space<vmem>>, vector<64x128xf32>,
    %get3A_308 = arith.constant 0 : index
    %get3A_309 = arith.constant 0 : index
    %get3A_310 = vector.load %arg10[%get3A_308, %get3A_309] : memref<64x128xf32, #tpu.memory_space<vmem>>, vector<64x128xf32>
    %slice3A_311 = vector.extract_strided_slice %select_n3A_172 {offsets = [0, 2176], sizes = [64, 128], strides = [1, 1]} : vector<64x6400xf32> to vector<64x128xf32>
    %add3A_312 = arith.addf %get3A_310, %slice3A_311 : vector<64x128xf32>
    %swap3A_313 = arith.constant 0 : index
    %swap3A_314 = arith.constant 0 : index
    %swap3A_315 = vector.load %arg10[%swap3A_313, %swap3A_314] : memref<64x128xf32, #tpu.memory_space<vmem>>, vector<64x128xf32>
    tpu.vector_store %arg10[%swap3A_313, %swap3A_314], %add3A_312 {strides = array<i32>} : memref<64x128xf32, #tpu.memory_space<vmem>>, vector<64x128xf32>,
    %get3A_316 = arith.constant 0 : index
    %get3A_317 = arith.constant 0 : index
    %get3A_318 = vector.load %arg10[%get3A_316, %get3A_317] : memref<64x128xf32, #tpu.memory_space<vmem>>, vector<64x128xf32>
    %slice3A_319 = vector.extract_strided_slice %select_n3A_172 {offsets = [0, 2304], sizes = [64, 128], strides = [1, 1]} : vector<64x6400xf32> to vector<64x128xf32>
    %add3A_320 = arith.addf %get3A_318, %slice3A_319 : vector<64x128xf32>
    %swap3A_321 = arith.constant 0 : index
    %swap3A_322 = arith.constant 0 : index
    %swap3A_323 = vector.load %arg10[%swap3A_321, %swap3A_322] : memref<64x128xf32, #tpu.memory_space<vmem>>, vector<64x128xf32>
    tpu.vector_store %arg10[%swap3A_321, %swap3A_322], %add3A_320 {strides = array<i32>} : memref<64x128xf32, #tpu.memory_space<vmem>>, vector<64x128xf32>,
    %get3A_324 = arith.constant 0 : index
    %get3A_325 = arith.constant 0 : index
    %get3A_326 = vector.load %arg10[%get3A_324, %get3A_325] : memref<64x128xf32, #tpu.memory_space<vmem>>, vector<64x128xf32>
    %slice3A_327 = vector.extract_strided_slice %select_n3A_172 {offsets = [0, 2432], sizes = [64, 128], strides = [1, 1]} : vector<64x6400xf32> to vector<64x128xf32>
    %add3A_328 = arith.addf %get3A_326, %slice3A_327 : vector<64x128xf32>
    %swap3A_329 = arith.constant 0 : index
    %swap3A_330 = arith.constant 0 : index
    %swap3A_331 = vector.load %arg10[%swap3A_329, %swap3A_330] : memref<64x128xf32, #tpu.memory_space<vmem>>, vector<64x128xf32>
    tpu.vector_store %arg10[%swap3A_329, %swap3A_330], %add3A_328 {strides = array<i32>} : memref<64x128xf32, #tpu.memory_space<vmem>>, vector<64x128xf32>,
    %get3A_332 = arith.constant 0 : index
    %get3A_333 = arith.constant 0 : index
    %get3A_334 = vector.load %arg10[%get3A_332, %get3A_333] : memref<64x128xf32, #tpu.memory_space<vmem>>, vector<64x128xf32>
    %slice3A_335 = vector.extract_strided_slice %select_n3A_172 {offsets = [0, 2560], sizes = [64, 128], strides = [1, 1]} : vector<64x6400xf32> to vector<64x128xf32>
    %add3A_336 = arith.addf %get3A_334, %slice3A_335 : vector<64x128xf32>
    %swap3A_337 = arith.constant 0 : index
    %swap3A_338 = arith.constant 0 : index
    %swap3A_339 = vector.load %arg10[%swap3A_337, %swap3A_338] : memref<64x128xf32, #tpu.memory_space<vmem>>, vector<64x128xf32>
    tpu.vector_store %arg10[%swap3A_337, %swap3A_338], %add3A_336 {strides = array<i32>} : memref<64x128xf32, #tpu.memory_space<vmem>>, vector<64x128xf32>,
    %get3A_340 = arith.constant 0 : index
    %get3A_341 = arith.constant 0 : index
    %get3A_342 = vector.load %arg10[%get3A_340, %get3A_341] : memref<64x128xf32, #tpu.memory_space<vmem>>, vector<64x128xf32>
    %slice3A_343 = vector.extract_strided_slice %select_n3A_172 {offsets = [0, 2688], sizes = [64, 128], strides = [1, 1]} : vector<64x6400xf32> to vector<64x128xf32>
    %add3A_344 = arith.addf %get3A_342, %slice3A_343 : vector<64x128xf32>
    %swap3A_345 = arith.constant 0 : index
    %swap3A_346 = arith.constant 0 : index
    %swap3A_347 = vector.load %arg10[%swap3A_345, %swap3A_346] : memref<64x128xf32, #tpu.memory_space<vmem>>, vector<64x128xf32>
    tpu.vector_store %arg10[%swap3A_345, %swap3A_346], %add3A_344 {strides = array<i32>} : memref<64x128xf32, #tpu.memory_space<vmem>>, vector<64x128xf32>,
    %get3A_348 = arith.constant 0 : index
    %get3A_349 = arith.constant 0 : index
    %get3A_350 = vector.load %arg10[%get3A_348, %get3A_349] : memref<64x128xf32, #tpu.memory_space<vmem>>, vector<64x128xf32>
    %slice3A_351 = vector.extract_strided_slice %select_n3A_172 {offsets = [0, 2816], sizes = [64, 128], strides = [1, 1]} : vector<64x6400xf32> to vector<64x128xf32>
    %add3A_352 = arith.addf %get3A_350, %slice3A_351 : vector<64x128xf32>
    %swap3A_353 = arith.constant 0 : index
    %swap3A_354 = arith.constant 0 : index
    %swap3A_355 = vector.load %arg10[%swap3A_353, %swap3A_354] : memref<64x128xf32, #tpu.memory_space<vmem>>, vector<64x128xf32>
    tpu.vector_store %arg10[%swap3A_353, %swap3A_354], %add3A_352 {strides = array<i32>} : memref<64x128xf32, #tpu.memory_space<vmem>>, vector<64x128xf32>,
    %get3A_356 = arith.constant 0 : index
    %get3A_357 = arith.constant 0 : index
    %get3A_358 = vector.load %arg10[%get3A_356, %get3A_357] : memref<64x128xf32, #tpu.memory_space<vmem>>, vector<64x128xf32>
    %slice3A_359 = vector.extract_strided_slice %select_n3A_172 {offsets = [0, 2944], sizes = [64, 128], strides = [1, 1]} : vector<64x6400xf32> to vector<64x128xf32>
    %add3A_360 = arith.addf %get3A_358, %slice3A_359 : vector<64x128xf32>
    %swap3A_361 = arith.constant 0 : index
    %swap3A_362 = arith.constant 0 : index
    %swap3A_363 = vector.load %arg10[%swap3A_361, %swap3A_362] : memref<64x128xf32, #tpu.memory_space<vmem>>, vector<64x128xf32>
    tpu.vector_store %arg10[%swap3A_361, %swap3A_362], %add3A_360 {strides = array<i32>} : memref<64x128xf32, #tpu.memory_space<vmem>>, vector<64x128xf32>,
    %get3A_364 = arith.constant 0 : index
    %get3A_365 = arith.constant 0 : index
    %get3A_366 = vector.load %arg10[%get3A_364, %get3A_365] : memref<64x128xf32, #tpu.memory_space<vmem>>, vector<64x128xf32>
    %slice3A_367 = vector.extract_strided_slice %select_n3A_172 {offsets = [0, 3072], sizes = [64, 128], strides = [1, 1]} : vector<64x6400xf32> to vector<64x128xf32>
    %add3A_368 = arith.addf %get3A_366, %slice3A_367 : vector<64x128xf32>
    %swap3A_369 = arith.constant 0 : index
    %swap3A_370 = arith.constant 0 : index
    %swap3A_371 = vector.load %arg10[%swap3A_369, %swap3A_370] : memref<64x128xf32, #tpu.memory_space<vmem>>, vector<64x128xf32>
    tpu.vector_store %arg10[%swap3A_369, %swap3A_370], %add3A_368 {strides = array<i32>} : memref<64x128xf32, #tpu.memory_space<vmem>>, vector<64x128xf32>,
    %get3A_372 = arith.constant 0 : index
    %get3A_373 = arith.constant 0 : index
    %get3A_374 = vector.load %arg10[%get3A_372, %get3A_373] : memref<64x128xf32, #tpu.memory_space<vmem>>, vector<64x128xf32>
    %slice3A_375 = vector.extract_strided_slice %select_n3A_172 {offsets = [0, 3200], sizes = [64, 128], strides = [1, 1]} : vector<64x6400xf32> to vector<64x128xf32>
    %add3A_376 = arith.addf %get3A_374, %slice3A_375 : vector<64x128xf32>
    %swap3A_377 = arith.constant 0 : index
    %swap3A_378 = arith.constant 0 : index
    %swap3A_379 = vector.load %arg10[%swap3A_377, %swap3A_378] : memref<64x128xf32, #tpu.memory_space<vmem>>, vector<64x128xf32>
    tpu.vector_store %arg10[%swap3A_377, %swap3A_378], %add3A_376 {strides = array<i32>} : memref<64x128xf32, #tpu.memory_space<vmem>>, vector<64x128xf32>,
    %get3A_380 = arith.constant 0 : index
    %get3A_381 = arith.constant 0 : index
    %get3A_382 = vector.load %arg10[%get3A_380, %get3A_381] : memref<64x128xf32, #tpu.memory_space<vmem>>, vector<64x128xf32>
    %slice3A_383 = vector.extract_strided_slice %select_n3A_172 {offsets = [0, 3328], sizes = [64, 128], strides = [1, 1]} : vector<64x6400xf32> to vector<64x128xf32>
    %add3A_384 = arith.addf %get3A_382, %slice3A_383 : vector<64x128xf32>
    %swap3A_385 = arith.constant 0 : index
    %swap3A_386 = arith.constant 0 : index
    %swap3A_387 = vector.load %arg10[%swap3A_385, %swap3A_386] : memref<64x128xf32, #tpu.memory_space<vmem>>, vector<64x128xf32>
    tpu.vector_store %arg10[%swap3A_385, %swap3A_386], %add3A_384 {strides = array<i32>} : memref<64x128xf32, #tpu.memory_space<vmem>>, vector<64x128xf32>,
    %get3A_388 = arith.constant 0 : index
    %get3A_389 = arith.constant 0 : index
    %get3A_390 = vector.load %arg10[%get3A_388, %get3A_389] : memref<64x128xf32, #tpu.memory_space<vmem>>, vector<64x128xf32>
    %slice3A_391 = vector.extract_strided_slice %select_n3A_172 {offsets = [0, 3456], sizes = [64, 128], strides = [1, 1]} : vector<64x6400xf32> to vector<64x128xf32>
    %add3A_392 = arith.addf %get3A_390, %slice3A_391 : vector<64x128xf32>
    %swap3A_393 = arith.constant 0 : index
    %swap3A_394 = arith.constant 0 : index
    %swap3A_395 = vector.load %arg10[%swap3A_393, %swap3A_394] : memref<64x128xf32, #tpu.memory_space<vmem>>, vector<64x128xf32>
    tpu.vector_store %arg10[%swap3A_393, %swap3A_394], %add3A_392 {strides = array<i32>} : memref<64x128xf32, #tpu.memory_space<vmem>>, vector<64x128xf32>,
    %get3A_396 = arith.constant 0 : index
    %get3A_397 = arith.constant 0 : index
    %get3A_398 = vector.load %arg10[%get3A_396, %get3A_397] : memref<64x128xf32, #tpu.memory_space<vmem>>, vector<64x128xf32>
    %slice3A_399 = vector.extract_strided_slice %select_n3A_172 {offsets = [0, 3584], sizes = [64, 128], strides = [1, 1]} : vector<64x6400xf32> to vector<64x128xf32>
    %add3A_400 = arith.addf %get3A_398, %slice3A_399 : vector<64x128xf32>
    %swap3A_401 = arith.constant 0 : index
    %swap3A_402 = arith.constant 0 : index
    %swap3A_403 = vector.load %arg10[%swap3A_401, %swap3A_402] : memref<64x128xf32, #tpu.memory_space<vmem>>, vector<64x128xf32>
    tpu.vector_store %arg10[%swap3A_401, %swap3A_402], %add3A_400 {strides = array<i32>} : memref<64x128xf32, #tpu.memory_space<vmem>>, vector<64x128xf32>,
    %get3A_404 = arith.constant 0 : index
    %get3A_405 = arith.constant 0 : index
    %get3A_406 = vector.load %arg10[%get3A_404, %get3A_405] : memref<64x128xf32, #tpu.memory_space<vmem>>, vector<64x128xf32>
    %slice3A_407 = vector.extract_strided_slice %select_n3A_172 {offsets = [0, 3712], sizes = [64, 128], strides = [1, 1]} : vector<64x6400xf32> to vector<64x128xf32>
    %add3A_408 = arith.addf %get3A_406, %slice3A_407 : vector<64x128xf32>
    %swap3A_409 = arith.constant 0 : index
    %swap3A_410 = arith.constant 0 : index
    %swap3A_411 = vector.load %arg10[%swap3A_409, %swap3A_410] : memref<64x128xf32, #tpu.memory_space<vmem>>, vector<64x128xf32>
    tpu.vector_store %arg10[%swap3A_409, %swap3A_410], %add3A_408 {strides = array<i32>} : memref<64x128xf32, #tpu.memory_space<vmem>>, vector<64x128xf32>,
    %get3A_412 = arith.constant 0 : index
    %get3A_413 = arith.constant 0 : index
    %get3A_414 = vector.load %arg10[%get3A_412, %get3A_413] : memref<64x128xf32, #tpu.memory_space<vmem>>, vector<64x128xf32>
    %slice3A_415 = vector.extract_strided_slice %select_n3A_172 {offsets = [0, 3840], sizes = [64, 128], strides = [1, 1]} : vector<64x6400xf32> to vector<64x128xf32>
    %add3A_416 = arith.addf %get3A_414, %slice3A_415 : vector<64x128xf32>
    %swap3A_417 = arith.constant 0 : index
    %swap3A_418 = arith.constant 0 : index
    %swap3A_419 = vector.load %arg10[%swap3A_417, %swap3A_418] : memref<64x128xf32, #tpu.memory_space<vmem>>, vector<64x128xf32>
    tpu.vector_store %arg10[%swap3A_417, %swap3A_418], %add3A_416 {strides = array<i32>} : memref<64x128xf32, #tpu.memory_space<vmem>>, vector<64x128xf32>,
    %get3A_420 = arith.constant 0 : index
    %get3A_421 = arith.constant 0 : index
    %get3A_422 = vector.load %arg10[%get3A_420, %get3A_421] : memref<64x128xf32, #tpu.memory_space<vmem>>, vector<64x128xf32>
    %slice3A_423 = vector.extract_strided_slice %select_n3A_172 {offsets = [0, 3968], sizes = [64, 128], strides = [1, 1]} : vector<64x6400xf32> to vector<64x128xf32>
    %add3A_424 = arith.addf %get3A_422, %slice3A_423 : vector<64x128xf32>
    %swap3A_425 = arith.constant 0 : index
    %swap3A_426 = arith.constant 0 : index
    %swap3A_427 = vector.load %arg10[%swap3A_425, %swap3A_426] : memref<64x128xf32, #tpu.memory_space<vmem>>, vector<64x128xf32>
    tpu.vector_store %arg10[%swap3A_425, %swap3A_426], %add3A_424 {strides = array<i32>} : memref<64x128xf32, #tpu.memory_space<vmem>>, vector<64x128xf32>,
    %get3A_428 = arith.constant 0 : index
    %get3A_429 = arith.constant 0 : index
    %get3A_430 = vector.load %arg10[%get3A_428, %get3A_429] : memref<64x128xf32, #tpu.memory_space<vmem>>, vector<64x128xf32>
    %slice3A_431 = vector.extract_strided_slice %select_n3A_172 {offsets = [0, 4096], sizes = [64, 128], strides = [1, 1]} : vector<64x6400xf32> to vector<64x128xf32>
    %add3A_432 = arith.addf %get3A_430, %slice3A_431 : vector<64x128xf32>
    %swap3A_433 = arith.constant 0 : index
    %swap3A_434 = arith.constant 0 : index
    %swap3A_435 = vector.load %arg10[%swap3A_433, %swap3A_434] : memref<64x128xf32, #tpu.memory_space<vmem>>, vector<64x128xf32>
    tpu.vector_store %arg10[%swap3A_433, %swap3A_434], %add3A_432 {strides = array<i32>} : memref<64x128xf32, #tpu.memory_space<vmem>>, vector<64x128xf32>,
    %get3A_436 = arith.constant 0 : index
    %get3A_437 = arith.constant 0 : index
    %get3A_438 = vector.load %arg10[%get3A_436, %get3A_437] : memref<64x128xf32, #tpu.memory_space<vmem>>, vector<64x128xf32>
    %slice3A_439 = vector.extract_strided_slice %select_n3A_172 {offsets = [0, 4224], sizes = [64, 128], strides = [1, 1]} : vector<64x6400xf32> to vector<64x128xf32>
    %add3A_440 = arith.addf %get3A_438, %slice3A_439 : vector<64x128xf32>
    %swap3A_441 = arith.constant 0 : index
    %swap3A_442 = arith.constant 0 : index
    %swap3A_443 = vector.load %arg10[%swap3A_441, %swap3A_442] : memref<64x128xf32, #tpu.memory_space<vmem>>, vector<64x128xf32>
    tpu.vector_store %arg10[%swap3A_441, %swap3A_442], %add3A_440 {strides = array<i32>} : memref<64x128xf32, #tpu.memory_space<vmem>>, vector<64x128xf32>,
    %get3A_444 = arith.constant 0 : index
    %get3A_445 = arith.constant 0 : index
    %get3A_446 = vector.load %arg10[%get3A_444, %get3A_445] : memref<64x128xf32, #tpu.memory_space<vmem>>, vector<64x128xf32>
    %slice3A_447 = vector.extract_strided_slice %select_n3A_172 {offsets = [0, 4352], sizes = [64, 128], strides = [1, 1]} : vector<64x6400xf32> to vector<64x128xf32>
    %add3A_448 = arith.addf %get3A_446, %slice3A_447 : vector<64x128xf32>
    %swap3A_449 = arith.constant 0 : index
    %swap3A_450 = arith.constant 0 : index
    %swap3A_451 = vector.load %arg10[%swap3A_449, %swap3A_450] : memref<64x128xf32, #tpu.memory_space<vmem>>, vector<64x128xf32>
    tpu.vector_store %arg10[%swap3A_449, %swap3A_450], %add3A_448 {strides = array<i32>} : memref<64x128xf32, #tpu.memory_space<vmem>>, vector<64x128xf32>,
    %get3A_452 = arith.constant 0 : index
    %get3A_453 = arith.constant 0 : index
    %get3A_454 = vector.load %arg10[%get3A_452, %get3A_453] : memref<64x128xf32, #tpu.memory_space<vmem>>, vector<64x128xf32>
    %slice3A_455 = vector.extract_strided_slice %select_n3A_172 {offsets = [0, 4480], sizes = [64, 128], strides = [1, 1]} : vector<64x6400xf32> to vector<64x128xf32>
    %add3A_456 = arith.addf %get3A_454, %slice3A_455 : vector<64x128xf32>
    %swap3A_457 = arith.constant 0 : index
    %swap3A_458 = arith.constant 0 : index
    %swap3A_459 = vector.load %arg10[%swap3A_457, %swap3A_458] : memref<64x128xf32, #tpu.memory_space<vmem>>, vector<64x128xf32>
    tpu.vector_store %arg10[%swap3A_457, %swap3A_458], %add3A_456 {strides = array<i32>} : memref<64x128xf32, #tpu.memory_space<vmem>>, vector<64x128xf32>,
    %get3A_460 = arith.constant 0 : index
    %get3A_461 = arith.constant 0 : index
    %get3A_462 = vector.load %arg10[%get3A_460, %get3A_461] : memref<64x128xf32, #tpu.memory_space<vmem>>, vector<64x128xf32>
    %slice3A_463 = vector.extract_strided_slice %select_n3A_172 {offsets = [0, 4608], sizes = [64, 128], strides = [1, 1]} : vector<64x6400xf32> to vector<64x128xf32>
    %add3A_464 = arith.addf %get3A_462, %slice3A_463 : vector<64x128xf32>
    %swap3A_465 = arith.constant 0 : index
    %swap3A_466 = arith.constant 0 : index
    %swap3A_467 = vector.load %arg10[%swap3A_465, %swap3A_466] : memref<64x128xf32, #tpu.memory_space<vmem>>, vector<64x128xf32>
    tpu.vector_store %arg10[%swap3A_465, %swap3A_466], %add3A_464 {strides = array<i32>} : memref<64x128xf32, #tpu.memory_space<vmem>>, vector<64x128xf32>,
    %get3A_468 = arith.constant 0 : index
    %get3A_469 = arith.constant 0 : index
    %get3A_470 = vector.load %arg10[%get3A_468, %get3A_469] : memref<64x128xf32, #tpu.memory_space<vmem>>, vector<64x128xf32>
    %slice3A_471 = vector.extract_strided_slice %select_n3A_172 {offsets = [0, 4736], sizes = [64, 128], strides = [1, 1]} : vector<64x6400xf32> to vector<64x128xf32>
    %add3A_472 = arith.addf %get3A_470, %slice3A_471 : vector<64x128xf32>
    %swap3A_473 = arith.constant 0 : index
    %swap3A_474 = arith.constant 0 : index
    %swap3A_475 = vector.load %arg10[%swap3A_473, %swap3A_474] : memref<64x128xf32, #tpu.memory_space<vmem>>, vector<64x128xf32>
    tpu.vector_store %arg10[%swap3A_473, %swap3A_474], %add3A_472 {strides = array<i32>} : memref<64x128xf32, #tpu.memory_space<vmem>>, vector<64x128xf32>,
    %get3A_476 = arith.constant 0 : index
    %get3A_477 = arith.constant 0 : index
    %get3A_478 = vector.load %arg10[%get3A_476, %get3A_477] : memref<64x128xf32, #tpu.memory_space<vmem>>, vector<64x128xf32>
    %slice3A_479 = vector.extract_strided_slice %select_n3A_172 {offsets = [0, 4864], sizes = [64, 128], strides = [1, 1]} : vector<64x6400xf32> to vector<64x128xf32>
    %add3A_480 = arith.addf %get3A_478, %slice3A_479 : vector<64x128xf32>
    %swap3A_481 = arith.constant 0 : index
    %swap3A_482 = arith.constant 0 : index
    %swap3A_483 = vector.load %arg10[%swap3A_481, %swap3A_482] : memref<64x128xf32, #tpu.memory_space<vmem>>, vector<64x128xf32>
    tpu.vector_store %arg10[%swap3A_481, %swap3A_482], %add3A_480 {strides = array<i32>} : memref<64x128xf32, #tpu.memory_space<vmem>>, vector<64x128xf32>,
    %get3A_484 = arith.constant 0 : index
    %get3A_485 = arith.constant 0 : index
    %get3A_486 = vector.load %arg10[%get3A_484, %get3A_485] : memref<64x128xf32, #tpu.memory_space<vmem>>, vector<64x128xf32>
    %slice3A_487 = vector.extract_strided_slice %select_n3A_172 {offsets = [0, 4992], sizes = [64, 128], strides = [1, 1]} : vector<64x6400xf32> to vector<64x128xf32>
    %add3A_488 = arith.addf %get3A_486, %slice3A_487 : vector<64x128xf32>
    %swap3A_489 = arith.constant 0 : index
    %swap3A_490 = arith.constant 0 : index
    %swap3A_491 = vector.load %arg10[%swap3A_489, %swap3A_490] : memref<64x128xf32, #tpu.memory_space<vmem>>, vector<64x128xf32>
    tpu.vector_store %arg10[%swap3A_489, %swap3A_490], %add3A_488 {strides = array<i32>} : memref<64x128xf32, #tpu.memory_space<vmem>>, vector<64x128xf32>,
    %get3A_492 = arith.constant 0 : index
    %get3A_493 = arith.constant 0 : index
    %get3A_494 = vector.load %arg10[%get3A_492, %get3A_493] : memref<64x128xf32, #tpu.memory_space<vmem>>, vector<64x128xf32>
    %slice3A_495 = vector.extract_strided_slice %select_n3A_172 {offsets = [0, 5120], sizes = [64, 128], strides = [1, 1]} : vector<64x6400xf32> to vector<64x128xf32>
    %add3A_496 = arith.addf %get3A_494, %slice3A_495 : vector<64x128xf32>
    %swap3A_497 = arith.constant 0 : index
    %swap3A_498 = arith.constant 0 : index
    %swap3A_499 = vector.load %arg10[%swap3A_497, %swap3A_498] : memref<64x128xf32, #tpu.memory_space<vmem>>, vector<64x128xf32>
    tpu.vector_store %arg10[%swap3A_497, %swap3A_498], %add3A_496 {strides = array<i32>} : memref<64x128xf32, #tpu.memory_space<vmem>>, vector<64x128xf32>,
    %get3A_500 = arith.constant 0 : index
    %get3A_501 = arith.constant 0 : index
    %get3A_502 = vector.load %arg10[%get3A_500, %get3A_501] : memref<64x128xf32, #tpu.memory_space<vmem>>, vector<64x128xf32>
    %slice3A_503 = vector.extract_strided_slice %select_n3A_172 {offsets = [0, 5248], sizes = [64, 128], strides = [1, 1]} : vector<64x6400xf32> to vector<64x128xf32>
    %add3A_504 = arith.addf %get3A_502, %slice3A_503 : vector<64x128xf32>
    %swap3A_505 = arith.constant 0 : index
    %swap3A_506 = arith.constant 0 : index
    %swap3A_507 = vector.load %arg10[%swap3A_505, %swap3A_506] : memref<64x128xf32, #tpu.memory_space<vmem>>, vector<64x128xf32>
    tpu.vector_store %arg10[%swap3A_505, %swap3A_506], %add3A_504 {strides = array<i32>} : memref<64x128xf32, #tpu.memory_space<vmem>>, vector<64x128xf32>,
    %get3A_508 = arith.constant 0 : index
    %get3A_509 = arith.constant 0 : index
    %get3A_510 = vector.load %arg10[%get3A_508, %get3A_509] : memref<64x128xf32, #tpu.memory_space<vmem>>, vector<64x128xf32>
    %slice3A_511 = vector.extract_strided_slice %select_n3A_172 {offsets = [0, 5376], sizes = [64, 128], strides = [1, 1]} : vector<64x6400xf32> to vector<64x128xf32>
    %add3A_512 = arith.addf %get3A_510, %slice3A_511 : vector<64x128xf32>
    %swap3A_513 = arith.constant 0 : index
    %swap3A_514 = arith.constant 0 : index
    %swap3A_515 = vector.load %arg10[%swap3A_513, %swap3A_514] : memref<64x128xf32, #tpu.memory_space<vmem>>, vector<64x128xf32>
    tpu.vector_store %arg10[%swap3A_513, %swap3A_514], %add3A_512 {strides = array<i32>} : memref<64x128xf32, #tpu.memory_space<vmem>>, vector<64x128xf32>,
    %get3A_516 = arith.constant 0 : index
    %get3A_517 = arith.constant 0 : index
    %get3A_518 = vector.load %arg10[%get3A_516, %get3A_517] : memref<64x128xf32, #tpu.memory_space<vmem>>, vector<64x128xf32>
    %slice3A_519 = vector.extract_strided_slice %select_n3A_172 {offsets = [0, 5504], sizes = [64, 128], strides = [1, 1]} : vector<64x6400xf32> to vector<64x128xf32>
    %add3A_520 = arith.addf %get3A_518, %slice3A_519 : vector<64x128xf32>
    %swap3A_521 = arith.constant 0 : index
    %swap3A_522 = arith.constant 0 : index
    %swap3A_523 = vector.load %arg10[%swap3A_521, %swap3A_522] : memref<64x128xf32, #tpu.memory_space<vmem>>, vector<64x128xf32>
    tpu.vector_store %arg10[%swap3A_521, %swap3A_522], %add3A_520 {strides = array<i32>} : memref<64x128xf32, #tpu.memory_space<vmem>>, vector<64x128xf32>,
    %get3A_524 = arith.constant 0 : index
    %get3A_525 = arith.constant 0 : index
    %get3A_526 = vector.load %arg10[%get3A_524, %get3A_525] : memref<64x128xf32, #tpu.memory_space<vmem>>, vector<64x128xf32>
    %slice3A_527 = vector.extract_strided_slice %select_n3A_172 {offsets = [0, 5632], sizes = [64, 128], strides = [1, 1]} : vector<64x6400xf32> to vector<64x128xf32>
    %add3A_528 = arith.addf %get3A_526, %slice3A_527 : vector<64x128xf32>
    %swap3A_529 = arith.constant 0 : index
    %swap3A_530 = arith.constant 0 : index
    %swap3A_531 = vector.load %arg10[%swap3A_529, %swap3A_530] : memref<64x128xf32, #tpu.memory_space<vmem>>, vector<64x128xf32>
    tpu.vector_store %arg10[%swap3A_529, %swap3A_530], %add3A_528 {strides = array<i32>} : memref<64x128xf32, #tpu.memory_space<vmem>>, vector<64x128xf32>,
    %get3A_532 = arith.constant 0 : index
    %get3A_533 = arith.constant 0 : index
    %get3A_534 = vector.load %arg10[%get3A_532, %get3A_533] : memref<64x128xf32, #tpu.memory_space<vmem>>, vector<64x128xf32>
    %slice3A_535 = vector.extract_strided_slice %select_n3A_172 {offsets = [0, 5760], sizes = [64, 128], strides = [1, 1]} : vector<64x6400xf32> to vector<64x128xf32>
    %add3A_536 = arith.addf %get3A_534, %slice3A_535 : vector<64x128xf32>
    %swap3A_537 = arith.constant 0 : index
    %swap3A_538 = arith.constant 0 : index
    %swap3A_539 = vector.load %arg10[%swap3A_537, %swap3A_538] : memref<64x128xf32, #tpu.memory_space<vmem>>, vector<64x128xf32>
    tpu.vector_store %arg10[%swap3A_537, %swap3A_538], %add3A_536 {strides = array<i32>} : memref<64x128xf32, #tpu.memory_space<vmem>>, vector<64x128xf32>,
    %get3A_540 = arith.constant 0 : index
    %get3A_541 = arith.constant 0 : index
    %get3A_542 = vector.load %arg10[%get3A_540, %get3A_541] : memref<64x128xf32, #tpu.memory_space<vmem>>, vector<64x128xf32>
    %slice3A_543 = vector.extract_strided_slice %select_n3A_172 {offsets = [0, 5888], sizes = [64, 128], strides = [1, 1]} : vector<64x6400xf32> to vector<64x128xf32>
    %add3A_544 = arith.addf %get3A_542, %slice3A_543 : vector<64x128xf32>
    %swap3A_545 = arith.constant 0 : index
    %swap3A_546 = arith.constant 0 : index
    %swap3A_547 = vector.load %arg10[%swap3A_545, %swap3A_546] : memref<64x128xf32, #tpu.memory_space<vmem>>, vector<64x128xf32>
    tpu.vector_store %arg10[%swap3A_545, %swap3A_546], %add3A_544 {strides = array<i32>} : memref<64x128xf32, #tpu.memory_space<vmem>>, vector<64x128xf32>,
    %get3A_548 = arith.constant 0 : index
    %get3A_549 = arith.constant 0 : index
    %get3A_550 = vector.load %arg10[%get3A_548, %get3A_549] : memref<64x128xf32, #tpu.memory_space<vmem>>, vector<64x128xf32>
    %slice3A_551 = vector.extract_strided_slice %select_n3A_172 {offsets = [0, 6016], sizes = [64, 128], strides = [1, 1]} : vector<64x6400xf32> to vector<64x128xf32>
    %add3A_552 = arith.addf %get3A_550, %slice3A_551 : vector<64x128xf32>
    %swap3A_553 = arith.constant 0 : index
    %swap3A_554 = arith.constant 0 : index
    %swap3A_555 = vector.load %arg10[%swap3A_553, %swap3A_554] : memref<64x128xf32, #tpu.memory_space<vmem>>, vector<64x128xf32>
    tpu.vector_store %arg10[%swap3A_553, %swap3A_554], %add3A_552 {strides = array<i32>} : memref<64x128xf32, #tpu.memory_space<vmem>>, vector<64x128xf32>,
    %get3A_556 = arith.constant 0 : index
    %get3A_557 = arith.constant 0 : index
    %get3A_558 = vector.load %arg10[%get3A_556, %get3A_557] : memref<64x128xf32, #tpu.memory_space<vmem>>, vector<64x128xf32>
    %slice3A_559 = vector.extract_strided_slice %select_n3A_172 {offsets = [0, 6144], sizes = [64, 128], strides = [1, 1]} : vector<64x6400xf32> to vector<64x128xf32>
    %add3A_560 = arith.addf %get3A_558, %slice3A_559 : vector<64x128xf32>
    %swap3A_561 = arith.constant 0 : index
    %swap3A_562 = arith.constant 0 : index
    %swap3A_563 = vector.load %arg10[%swap3A_561, %swap3A_562] : memref<64x128xf32, #tpu.memory_space<vmem>>, vector<64x128xf32>
    tpu.vector_store %arg10[%swap3A_561, %swap3A_562], %add3A_560 {strides = array<i32>} : memref<64x128xf32, #tpu.memory_space<vmem>>, vector<64x128xf32>,
    %get3A_564 = arith.constant 0 : index
    %get3A_565 = arith.constant 0 : index
    %get3A_566 = vector.load %arg10[%get3A_564, %get3A_565] : memref<64x128xf32, #tpu.memory_space<vmem>>, vector<64x128xf32>
    %slice3A_567 = vector.extract_strided_slice %select_n3A_172 {offsets = [0, 6272], sizes = [64, 128], strides = [1, 1]} : vector<64x6400xf32> to vector<64x128xf32>
    %add3A_568 = arith.addf %get3A_566, %slice3A_567 : vector<64x128xf32>
    %swap3A_569 = arith.constant 0 : index
    %swap3A_570 = arith.constant 0 : index
    %swap3A_571 = vector.load %arg10[%swap3A_569, %swap3A_570] : memref<64x128xf32, #tpu.memory_space<vmem>>, vector<64x128xf32>
    tpu.vector_store %arg10[%swap3A_569, %swap3A_570], %add3A_568 {strides = array<i32>} : memref<64x128xf32, #tpu.memory_space<vmem>>, vector<64x128xf32>,
    %eq3A_572 = arith.constant 15 : i32
    %eq3A_573 = arith.cmpi eq, %arg0, %eq3A_572 : i32
    %convert_element_type3A_574 = arith.extui %eq3A_573 : i1 to i32
    %cond3A_575 = arith.constant 0 : i32
    %cond3A_576 = arith.cmpi ne, %convert_element_type3A_574, %cond3A_575 : i32
    scf.if %cond3A_576 {
      %get3A_577 = arith.constant 0 : index
      %get3A_578 = arith.constant 0 : index
      %get3A_579 = vector.load %arg10[%get3A_577, %get3A_578] : memref<64x128xf32, #tpu.memory_space<vmem>>, vector<64x128xf32>
      %roll3A = arith.constant 64 : i32
      %roll3A_580 = tpu.dynamic_rotate %get3A_579 by %roll3A dim 1 : vector<64x128xf32>, i32 -> vector<64x128xf32>
      %add3A_581 = arith.addf %get3A_579, %roll3A_580 : vector<64x128xf32>
      %roll3A_582 = arith.constant 96 : i32
      %roll3A_583 = tpu.dynamic_rotate %add3A_581 by %roll3A_582 dim 1 : vector<64x128xf32>, i32 -> vector<64x128xf32>
      %add3A_584 = arith.addf %add3A_581, %roll3A_583 : vector<64x128xf32>
      %roll3A_585 = arith.constant 112 : i32
      %roll3A_586 = tpu.dynamic_rotate %add3A_584 by %roll3A_585 dim 1 : vector<64x128xf32>, i32 -> vector<64x128xf32>
      %add3A_587 = arith.addf %add3A_584, %roll3A_586 : vector<64x128xf32>
      %roll3A_588 = arith.constant 120 : i32
      %roll3A_589 = tpu.dynamic_rotate %add3A_587 by %roll3A_588 dim 1 : vector<64x128xf32>, i32 -> vector<64x128xf32>
      %add3A_590 = arith.addf %add3A_587, %roll3A_589 : vector<64x128xf32>
      %roll3A_591 = arith.constant 124 : i32
      %roll3A_592 = tpu.dynamic_rotate %add3A_590 by %roll3A_591 dim 1 : vector<64x128xf32>, i32 -> vector<64x128xf32>
      %add3A_593 = arith.addf %add3A_590, %roll3A_592 : vector<64x128xf32>
      %roll3A_594 = arith.constant 126 : i32
      %roll3A_595 = tpu.dynamic_rotate %add3A_593 by %roll3A_594 dim 1 : vector<64x128xf32>, i32 -> vector<64x128xf32>
      %add3A_596 = arith.addf %add3A_593, %roll3A_595 : vector<64x128xf32>
      %roll3A_597 = arith.constant 127 : i32
      %roll3A_598 = tpu.dynamic_rotate %add3A_596 by %roll3A_597 dim 1 : vector<64x128xf32>, i32 -> vector<64x128xf32>
      %add3A_599 = arith.addf %add3A_596, %roll3A_598 : vector<64x128xf32>
      %slice3A_600 = vector.extract_strided_slice %add3A_599 {offsets = [0, 0], sizes = [64, 1], strides = [1, 1]} : vector<64x128xf32> to vector<64x1xf32>
      %mul3A_601 = arith.constant 9.99999974E-6 : f32
      %mul3A_602 = vector.broadcast %mul3A_601 : f32 to vector<64x1xf32>
      %mul3A_603 = arith.mulf %slice3A_600, %mul3A_602 : vector<64x1xf32>
      %swap3A_604 = arith.constant 0 : index
      %swap3A_605 = arith.constant 0 : index
      %swap3A_606 = vector.load %arg9[%swap3A_604, %swap3A_605] : memref<64x1xf32, #tpu.memory_space<vmem>>, vector<64x1xf32>
      tpu.vector_store %arg9[%swap3A_604, %swap3A_605], %mul3A_603 {strides = array<i32>} : memref<64x1xf32, #tpu.memory_space<vmem>>, vector<64x1xf32>,
    } else {
    }
    return
  }
  func.func @transform_0(%arg0: i32) -> (i32, i32) {
    %c0_i32 = arith.constant 0 : i32
    %c0_i32_0 = arith.constant 0 : i32
    return %c0_i32, %arg0 : i32, i32
  }
  func.func @transform_1(%arg0: i32) -> (i32, i32) {
    %c0_i32 = arith.constant 0 : i32
    %c0_i32_0 = arith.constant 0 : i32
    %c0_i32_1 = arith.constant 0 : i32
    return %c0_i32, %c0_i32_0 : i32, i32
  }
  func.func @transform_2(%arg0: i32) -> (i32, i32) {
    %c0_i32 = arith.constant 0 : i32
    %c0_i32_0 = arith.constant 0 : i32
    %c0_i32_1 = arith.constant 0 : i32
    return %c0_i32, %c0_i32_0 : i32, i32
  }
  func.func @transform_3(%arg0: i32) -> (i32, i32) {
    %c0_i32 = arith.constant 0 : i32
    %c0_i32_0 = arith.constant 0 : i32
    %c0_i32_1 = arith.constant 0 : i32
    return %c0_i32, %c0_i32_0 : i32, i32
  }
  func.func @transform_4(%arg0: i32) -> (i32, i32) {
    %c0_i32 = arith.constant 0 : i32
    %c0_i32_0 = arith.constant 0 : i32
    %c0_i32_1 = arith.constant 0 : i32
    return %c0_i32, %c0_i32_0 : i32, i32
  }
  func.func @transform_5(%arg0: i32) -> (i32, i32) {
    %c0_i32 = arith.constant 0 : i32
    %c0_i32_0 = arith.constant 0 : i32
    %c0_i32_1 = arith.constant 0 : i32
    return %c0_i32, %c0_i32_0 : i32, i32
  }
  func.func @transform_6(%arg0: i32) -> (i32, i32) {
    %c0_i32 = arith.constant 0 : i32
    %c0_i32_0 = arith.constant 0 : i32
    %c0_i32_1 = arith.constant 0 : i32
    return %c0_i32, %c0_i32_0 : i32, i32
  }
  func.func @transform_7(%arg0: i32) -> (i32, i32) {
    %c0_i32 = arith.constant 0 : i32
    %c0_i32_0 = arith.constant 0 : i32
    return %c0_i32, %arg0 : i32, i32
  }
  func.func @transform_8(%arg0: i32) -> (i32, i32) {
    %c0_i32 = arith.constant 0 : i32
    %c0_i32_0 = arith.constant 0 : i32
    %c0_i32_1 = arith.constant 0 : i32
    return %c0_i32, %c0_i32_0 : i32, i32
  }
}

module attributes {stable_mosaic.version = 14 : i64} {
  func.func @_k_scores(%arg0: i32, %arg1: memref<64x6400xf32, #tpu.memory_space<vmem>>, %arg2: memref<64x1xf32, #tpu.memory_space<vmem>>, %arg3: memref<64x1xf32, #tpu.memory_space<vmem>>, %arg4: memref<64x1xf32, #tpu.memory_space<vmem>>, %arg5: memref<64x1xf32, #tpu.memory_space<vmem>>, %arg6: memref<1x64xf32, #tpu.memory_space<vmem>>, %arg7: memref<1x1xf32, #tpu.memory_space<vmem>>, %arg8: memref<1x6400xf32, #tpu.memory_space<vmem>>, %arg9: memref<1x1xf32, #tpu.memory_space<vmem>>, %arg10: memref<1x128xf32, #tpu.memory_space<vmem>>) attributes {dimension_semantics = [#tpu.dimension_semantics<arbitrary>], iteration_bounds = array<i64: 16>, scalar_prefetch = 0 : i64, scratch_operands = 1 : i64, tpu.core_type = #tpu.core_type<tc>, window_params = [{transform_indices = @transform_0, window_bounds = array<i64: 64, 6400>}, {pipeline_mode = #tpu.pipeline_mode<synchronous>, transform_indices = @transform_1, window_bounds = array<i64: 64, 1>}, {pipeline_mode = #tpu.pipeline_mode<synchronous>, transform_indices = @transform_2, window_bounds = array<i64: 64, 1>}, {pipeline_mode = #tpu.pipeline_mode<synchronous>, transform_indices = @transform_3, window_bounds = array<i64: 64, 1>}, {pipeline_mode = #tpu.pipeline_mode<synchronous>, transform_indices = @transform_4, window_bounds = array<i64: 64, 1>}, {pipeline_mode = #tpu.pipeline_mode<synchronous>, transform_indices = @transform_5, window_bounds = array<i64: 1, 64>}, {pipeline_mode = #tpu.pipeline_mode<synchronous>, transform_indices = @transform_6, window_bounds = array<i64: 1, 1>}, {transform_indices = @transform_7, window_bounds = array<i64: 1, 6400>}, {pipeline_mode = #tpu.pipeline_mode<synchronous>, transform_indices = @transform_8, window_bounds = array<i64: 1, 1>}]} {
    %get3A = arith.constant 0 : index
    %get3A_0 = arith.constant 0 : index
    %get3A_1 = vector.load %arg1[%get3A, %get3A_0] : memref<64x6400xf32, #tpu.memory_space<vmem>>, vector<64x6400xf32>
    %get3A_2 = arith.constant 0 : index
    %get3A_3 = arith.constant 0 : index
    %get3A_4 = vector.load %arg2[%get3A_2, %get3A_3] : memref<64x1xf32, #tpu.memory_space<vmem>>, vector<64x1xf32>
    %sub3A = vector.broadcast %get3A_4 : vector<64x1xf32> to vector<64x6400xf32>
    %sub3A_5 = arith.subf %get3A_1, %sub3A : vector<64x6400xf32>
    %get3A_6 = arith.constant 0 : index
    %get3A_7 = arith.constant 0 : index
    %get3A_8 = vector.load %arg3[%get3A_6, %get3A_7] : memref<64x1xf32, #tpu.memory_space<vmem>>, vector<64x1xf32>
    %div3A = vector.broadcast %get3A_8 : vector<64x1xf32> to vector<64x6400xf32>
    %div3A_9 = arith.divf %sub3A_5, %div3A : vector<64x6400xf32>
    %get3A_10 = arith.constant 0 : index
    %get3A_11 = arith.constant 0 : index
    %get3A_12 = vector.load %arg4[%get3A_10, %get3A_11] : memref<64x1xf32, #tpu.memory_space<vmem>>, vector<64x1xf32>
    %mul3A = vector.broadcast %get3A_12 : vector<64x1xf32> to vector<64x6400xf32>
    %mul3A_13 = arith.mulf %div3A_9, %mul3A : vector<64x6400xf32>
    %get3A_14 = arith.constant 0 : index
    %get3A_15 = arith.constant 0 : index
    %get3A_16 = vector.load %arg5[%get3A_14, %get3A_15] : memref<64x1xf32, #tpu.memory_space<vmem>>, vector<64x1xf32>
    %add3A = vector.broadcast %get3A_16 : vector<64x1xf32> to vector<64x6400xf32>
    %add3A_17 = arith.addf %mul3A_13, %add3A : vector<64x6400xf32>
    %neg3A = arith.constant 0.000000e+00 : f32
    %neg3A_18 = vector.broadcast %neg3A : f32 to vector<64x6400xf32>
    %neg3A_19 = arith.subf %neg3A_18, %add3A_17 : vector<64x6400xf32>
    %mul3A_20 = arith.constant 0.707106769 : f32
    %mul3A_21 = vector.broadcast %mul3A_20 : f32 to vector<64x6400xf32>
    %mul3A_22 = arith.mulf %neg3A_19, %mul3A_21 : vector<64x6400xf32>
    %mul3A_23 = arith.constant 5.000000e-01 : f32
    %mul3A_24 = vector.broadcast %mul3A_23 : f32 to vector<64x6400xf32>
    %mul3A_25 = arith.mulf %add3A_17, %mul3A_24 : vector<64x6400xf32>
    %mul3A_26 = arith.mulf %mul3A_22, %mul3A_22 : vector<64x6400xf32>
    %mul3A_27 = arith.constant 7.85386146E-5 : f32
    %mul3A_28 = vector.broadcast %mul3A_27 : f32 to vector<64x6400xf32>
    %mul3A_29 = arith.mulf %mul3A_26, %mul3A_28 : vector<64x6400xf32>
    %add3A_30 = arith.constant -8.0101937E-4 : f32
    %add3A_31 = vector.broadcast %add3A_30 : f32 to vector<64x6400xf32>
    %add3A_32 = arith.addf %mul3A_29, %add3A_31 : vector<64x6400xf32>
    %mul3A_33 = arith.mulf %add3A_32, %mul3A_26 : vector<64x6400xf32>
    %add3A_34 = arith.constant 0.00518832775 : f32
    %add3A_35 = vector.broadcast %add3A_34 : f32 to vector<64x6400xf32>
    %add3A_36 = arith.addf %mul3A_33, %add3A_35 : vector<64x6400xf32>
    %mul3A_37 = arith.mulf %add3A_36, %mul3A_26 : vector<64x6400xf32>
    %add3A_38 = arith.constant -0.0268538129 : f32
    %add3A_39 = vector.broadcast %add3A_38 : f32 to vector<64x6400xf32>
    %add3A_40 = arith.addf %mul3A_37, %add3A_39 : vector<64x6400xf32>
    %mul3A_41 = arith.mulf %add3A_40, %mul3A_26 : vector<64x6400xf32>
    %add3A_42 = arith.constant 0.112835854 : f32
    %add3A_43 = vector.broadcast %add3A_42 : f32 to vector<64x6400xf32>
    %add3A_44 = arith.addf %mul3A_41, %add3A_43 : vector<64x6400xf32>
    %mul3A_45 = arith.mulf %add3A_44, %mul3A_26 : vector<64x6400xf32>
    %add3A_46 = arith.constant -0.37612626 : f32
    %add3A_47 = vector.broadcast %add3A_46 : f32 to vector<64x6400xf32>
    %add3A_48 = arith.addf %mul3A_45, %add3A_47 : vector<64x6400xf32>
    %mul3A_49 = arith.mulf %add3A_48, %mul3A_26 : vector<64x6400xf32>
    %add3A_50 = arith.constant 1.12837911 : f32
    %add3A_51 = vector.broadcast %add3A_50 : f32 to vector<64x6400xf32>
    %add3A_52 = arith.addf %mul3A_49, %add3A_51 : vector<64x6400xf32>
    %mul3A_53 = arith.mulf %mul3A_22, %add3A_52 : vector<64x6400xf32>
    %sub3A_54 = arith.constant 1.000000e+00 : f32
    %sub3A_55 = vector.broadcast %sub3A_54 : f32 to vector<64x6400xf32>
    %sub3A_56 = arith.subf %sub3A_55, %mul3A_53 : vector<64x6400xf32>
    %abs3A = math.absf %mul3A_22 : vector<64x6400xf32>
    %neg3A_57 = arith.constant 0.000000e+00 : f32
    %neg3A_58 = vector.broadcast %neg3A_57 : f32 to vector<64x6400xf32>
    %neg3A_59 = arith.subf %neg3A_58, %mul3A_26 : vector<64x6400xf32>
    %exp3A = math.exp %neg3A_59 : vector<64x6400xf32>
    %div3A_60 = arith.constant 1.000000e+00 : f32
    %div3A_61 = vector.broadcast %div3A_60 : f32 to vector<64x6400xf32>
    %div3A_62 = arith.divf %div3A_61, %abs3A : vector<64x6400xf32>
    %mul3A_63 = arith.mulf %exp3A, %div3A_62 : vector<64x6400xf32>
    %div3A_64 = arith.constant 1.000000e+00 : f32
    %div3A_65 = vector.broadcast %div3A_64 : f32 to vector<64x6400xf32>
    %div3A_66 = arith.divf %div3A_65, %mul3A_26 : vector<64x6400xf32>
    %mul3A_67 = arith.constant 2.326820e-02 : f32
    %mul3A_68 = vector.broadcast %mul3A_67 : f32 to vector<64x6400xf32>
    %mul3A_69 = arith.mulf %div3A_66, %mul3A_68 : vector<64x6400xf32>
    %add3A_70 = arith.constant -0.138703942 : f32
    %add3A_71 = vector.broadcast %add3A_70 : f32 to vector<64x6400xf32>
    %add3A_72 = arith.addf %mul3A_69, %add3A_71 : vector<64x6400xf32>
    %mul3A_73 = arith.mulf %add3A_72, %div3A_66 : vector<64x6400xf32>
    %add3A_74 = arith.constant 0.368742466 : f32
    %add3A_75 = vector.broadcast %add3A_74 : f32 to vector<64x6400xf32>
    %add3A_76 = arith.addf %mul3A_73, %add3A_75 : vector<64x6400xf32>
    %mul3A_77 = arith.mulf %add3A_76, %div3A_66 : vector<64x6400xf32>
    %add3A_78 = arith.constant -0.582473278 : f32
    %add3A_79 = vector.broadcast %add3A_78 : f32 to vector<64x6400xf32>
    %add3A_80 = arith.addf %mul3A_77, %add3A_79 : vector<64x6400xf32>
    %mul3A_81 = arith.mulf %add3A_80, %div3A_66 : vector<64x6400xf32>
    %add3A_82 = arith.constant 0.621000468 : f32
    %add3A_83 = vector.broadcast %add3A_82 : f32 to vector<64x6400xf32>
    %add3A_84 = arith.addf %mul3A_81, %add3A_83 : vector<64x6400xf32>
    %mul3A_85 = arith.mulf %add3A_84, %div3A_66 : vector<64x6400xf32>
    %add3A_86 = arith.constant -0.494451523 : f32
    %add3A_87 = vector.broadcast %add3A_86 : f32 to vector<64x6400xf32>
    %add3A_88 = arith.addf %mul3A_85, %add3A_87 : vector<64x6400xf32>
    %mul3A_89 = arith.mulf %add3A_88, %div3A_66 : vector<64x6400xf32>
    %add3A_90 = arith.constant 3.404880e-01 : f32
    %add3A_91 = vector.broadcast %add3A_90 : f32 to vector<64x6400xf32>
    %add3A_92 = arith.addf %mul3A_89, %add3A_91 : vector<64x6400xf32>
    %mul3A_93 = arith.mulf %add3A_92, %div3A_66 : vector<64x6400xf32>
    %add3A_94 = arith.constant -0.274112701 : f32
    %add3A_95 = vector.broadcast %add3A_94 : f32 to vector<64x6400xf32>
    %add3A_96 = arith.addf %mul3A_93, %add3A_95 : vector<64x6400xf32>
    %mul3A_97 = arith.mulf %add3A_96, %div3A_66 : vector<64x6400xf32>
    %add3A_98 = arith.constant 0.563825965 : f32
    %add3A_99 = vector.broadcast %add3A_98 : f32 to vector<64x6400xf32>
    %add3A_100 = arith.addf %mul3A_97, %add3A_99 : vector<64x6400xf32>
    %mul3A_101 = arith.constant -10.477664 : f32
    %mul3A_102 = vector.broadcast %mul3A_101 : f32 to vector<64x6400xf32>
    %mul3A_103 = arith.mulf %div3A_66, %mul3A_102 : vector<64x6400xf32>
    %add3A_104 = arith.constant 1.297720e+01 : f32
    %add3A_105 = vector.broadcast %add3A_104 : f32 to vector<64x6400xf32>
    %add3A_106 = arith.addf %mul3A_103, %add3A_105 : vector<64x6400xf32>
    %mul3A_107 = arith.mulf %add3A_106, %div3A_66 : vector<64x6400xf32>
    %add3A_108 = arith.constant -7.49551868 : f32
    %add3A_109 = vector.broadcast %add3A_108 : f32 to vector<64x6400xf32>
    %add3A_110 = arith.addf %mul3A_107, %add3A_109 : vector<64x6400xf32>
    %mul3A_111 = arith.mulf %add3A_110, %div3A_66 : vector<64x6400xf32>
    %add3A_112 = arith.constant 2.92101908 : f32
    %add3A_113 = vector.broadcast %add3A_112 : f32 to vector<64x6400xf32>
    %add3A_114 = arith.addf %mul3A_111, %add3A_113 : vector<64x6400xf32>
    %mul3A_115 = arith.mulf %add3A_114, %div3A_66 : vector<64x6400xf32>
    %add3A_116 = arith.constant -1.01526523 : f32
    %add3A_117 = vector.broadcast %add3A_116 : f32 to vector<64x6400xf32>
    %add3A_118 = arith.addf %mul3A_115, %add3A_117 : vector<64x6400xf32>
    %mul3A_119 = arith.mulf %add3A_118, %div3A_66 : vector<64x6400xf32>
    %add3A_120 = arith.constant 0.42184633 : f32
    %add3A_121 = vector.broadcast %add3A_120 : f32 to vector<64x6400xf32>
    %add3A_122 = arith.addf %mul3A_119, %add3A_121 : vector<64x6400xf32>
    %mul3A_123 = arith.mulf %add3A_122, %div3A_66 : vector<64x6400xf32>
    %add3A_124 = arith.constant -0.282076746 : f32
    %add3A_125 = vector.broadcast %add3A_124 : f32 to vector<64x6400xf32>
    %add3A_126 = arith.addf %mul3A_123, %add3A_125 : vector<64x6400xf32>
    %mul3A_127 = arith.mulf %add3A_126, %div3A_66 : vector<64x6400xf32>
    %add3A_128 = arith.constant 0.564189494 : f32
    %add3A_129 = vector.broadcast %add3A_128 : f32 to vector<64x6400xf32>
    %add3A_130 = arith.addf %mul3A_127, %add3A_129 : vector<64x6400xf32>
    %lt3A = arith.constant 2.000000e+00 : f32
    %lt3A_131 = vector.broadcast %lt3A : f32 to vector<64x6400xf32>
    %lt3A_132 = arith.cmpf olt, %abs3A, %lt3A_131 : vector<64x6400xf32>
    %select_n3A = arith.select %lt3A_132, %add3A_100, %add3A_130 : vector<64x6400xi1>, vector<64x6400xf32>
    %mul3A_133 = arith.mulf %mul3A_63, %select_n3A : vector<64x6400xf32>
    %lt3A_134 = arith.constant -88.7228394 : f32
    %lt3A_135 = vector.broadcast %lt3A_134 : f32 to vector<64x6400xf32>
    %lt3A_136 = arith.cmpf olt, %neg3A_59, %lt3A_135 : vector<64x6400xf32>
    %jit3A = arith.constant 0.000000e+00 : f32
    %broadcast_in_dim3A = vector.broadcast %jit3A : f32 to vector<64x6400xf32>
    %select_n3A_137 = arith.select %lt3A_136, %broadcast_in_dim3A, %mul3A_133 : vector<64x6400xi1>, vector<64x6400xf32>
    %lt3A_138 = arith.constant 0.000000e+00 : f32
    %lt3A_139 = vector.broadcast %lt3A_138 : f32 to vector<64x6400xf32>
    %lt3A_140 = arith.cmpf olt, %mul3A_22, %lt3A_139 : vector<64x6400xf32>
    %sub3A_141 = arith.constant 2.000000e+00 : f32
    %sub3A_142 = vector.broadcast %sub3A_141 : f32 to vector<64x6400xf32>
    %sub3A_143 = arith.subf %sub3A_142, %select_n3A_137 : vector<64x6400xf32>
    %select_n3A_144 = arith.select %lt3A_140, %sub3A_143, %select_n3A_137 : vector<64x6400xi1>, vector<64x6400xf32>
    %lt3A_145 = arith.constant 1.000000e+00 : f32
    %lt3A_146 = vector.broadcast %lt3A_145 : f32 to vector<64x6400xf32>
    %lt3A_147 = arith.cmpf olt, %abs3A, %lt3A_146 : vector<64x6400xf32>
    %select_n3A_148 = arith.select %lt3A_147, %sub3A_56, %select_n3A_144 : vector<64x6400xi1>, vector<64x6400xf32>
    %mul3A_149 = arith.mulf %mul3A_25, %select_n3A_148 : vector<64x6400xf32>
    %get3A_150 = arith.constant 0 : index
    %get3A_151 = arith.constant 0 : index
    %get3A_152 = vector.load %arg6[%get3A_150, %get3A_151] : memref<1x64xf32, #tpu.memory_space<vmem>>, vector<1x64xf32>
    %dot_general3A = arith.constant dense<0.000000e+00> : vector<1x6400xf32>
    %dot_general3A_153 = tpu.matmul %get3A_152, %mul3A_149, %dot_general3A {dimension_numbers = #tpu.dot_dimension_numbers<[1], [0], [0], [1], [0, 0, 1, 1], [], []>, transpose_lhs_hint = false} : vector<1x64xf32>, vector<64x6400xf32>, vector<1x6400xf32> -> vector<1x6400xf32>
    %get3A_154 = arith.constant 0 : index
    %get3A_155 = arith.constant 0 : index
    %get3A_156 = vector.load %arg7[%get3A_154, %get3A_155] : memref<1x1xf32, #tpu.memory_space<vmem>>, vector<1x1xf32>
    %add3A_157 = vector.broadcast %get3A_156 : vector<1x1xf32> to vector<1x6400xf32>
    %add3A_158 = arith.addf %dot_general3A_153, %add3A_157 : vector<1x6400xf32>
    %neg3A_159 = arith.constant 0.000000e+00 : f32
    %neg3A_160 = vector.broadcast %neg3A_159 : f32 to vector<1x6400xf32>
    %neg3A_161 = arith.subf %neg3A_160, %add3A_158 : vector<1x6400xf32>
    %exp3A_162 = math.exp %neg3A_161 : vector<1x6400xf32>
    %add3A_163 = arith.constant 1.000000e+00 : f32
    %add3A_164 = vector.broadcast %add3A_163 : f32 to vector<1x6400xf32>
    %add3A_165 = arith.addf %exp3A_162, %add3A_164 : vector<1x6400xf32>
    %div3A_166 = arith.constant 1.000000e+00 : f32
    %div3A_167 = vector.broadcast %div3A_166 : f32 to vector<1x6400xf32>
    %div3A_168 = arith.divf %div3A_167, %add3A_165 : vector<1x6400xf32>
    %swap3A = arith.constant 0 : index
    %swap3A_169 = arith.constant 0 : index
    %swap3A_170 = vector.load %arg8[%swap3A, %swap3A_169] : memref<1x6400xf32, #tpu.memory_space<vmem>>, vector<1x6400xf32>
    tpu.vector_store %arg8[%swap3A, %swap3A_169], %div3A_168 {strides = array<i32>} : memref<1x6400xf32, #tpu.memory_space<vmem>>, vector<1x6400xf32>,
    %eq3A = arith.constant 0 : i32
    %eq3A_171 = arith.cmpi eq, %arg0, %eq3A : i32
    %convert_element_type3A = arith.extui %eq3A_171 : i1 to i32
    %cond3A = arith.constant 0 : i32
    %cond3A_172 = arith.cmpi ne, %convert_element_type3A, %cond3A : i32
    scf.if %cond3A_172 {
      %broadcast_in_dim3A_586 = arith.constant 0xFF800000 : f32
      %broadcast_in_dim3A_587 = vector.broadcast %broadcast_in_dim3A_586 : f32 to vector<1x128xf32>
      %swap3A_588 = arith.constant 0 : index
      %swap3A_589 = arith.constant 0 : index
      %swap3A_590 = vector.load %arg10[%swap3A_588, %swap3A_589] : memref<1x128xf32, #tpu.memory_space<vmem>>, vector<1x128xf32>
      tpu.vector_store %arg10[%swap3A_588, %swap3A_589], %broadcast_in_dim3A_587 {strides = array<i32>} : memref<1x128xf32, #tpu.memory_space<vmem>>, vector<1x128xf32>,
    } else {
    }
    %mul3A_173 = arith.constant 6400 : i32
    %mul3A_174 = arith.muli %arg0, %mul3A_173 : i32
    %iota3A = tpu.iota {dimensions = array<i32: 1>} : vector<1x6400xi32>
    %add3A_175 = vector.broadcast %mul3A_174 : i32 to vector<1x6400xi32>
    %add3A_176 = arith.addi %add3A_175, %iota3A : vector<1x6400xi32>
    %lt3A_177 = arith.constant 100000 : i32
    %lt3A_178 = vector.broadcast %lt3A_177 : i32 to vector<1x6400xi32>
    %lt3A_179 = arith.cmpi slt, %add3A_176, %lt3A_178 : vector<1x6400xi32>
    %jit3A_180 = arith.constant 0xFF800000 : f32
    %broadcast_in_dim3A_181 = vector.broadcast %jit3A_180 : f32 to vector<1x6400xf32>
    %select_n3A_182 = arith.select %lt3A_179, %div3A_168, %broadcast_in_dim3A_181 : vector<1x6400xi1>, vector<1x6400xf32>
    %get3A_183 = arith.constant 0 : index
    %get3A_184 = arith.constant 0 : index
    %get3A_185 = vector.load %arg10[%get3A_183, %get3A_184] : memref<1x128xf32, #tpu.memory_space<vmem>>, vector<1x128xf32>
    %slice3A = vector.extract_strided_slice %select_n3A_182 {offsets = [0, 0], sizes = [1, 128], strides = [1, 1]} : vector<1x6400xf32> to vector<1x128xf32>
    %max3A = arith.maximumf %get3A_185, %slice3A : vector<1x128xf32>
    %swap3A_186 = arith.constant 0 : index
    %swap3A_187 = arith.constant 0 : index
    %swap3A_188 = vector.load %arg10[%swap3A_186, %swap3A_187] : memref<1x128xf32, #tpu.memory_space<vmem>>, vector<1x128xf32>
    tpu.vector_store %arg10[%swap3A_186, %swap3A_187], %max3A {strides = array<i32>} : memref<1x128xf32, #tpu.memory_space<vmem>>, vector<1x128xf32>,
    %get3A_189 = arith.constant 0 : index
    %get3A_190 = arith.constant 0 : index
    %get3A_191 = vector.load %arg10[%get3A_189, %get3A_190] : memref<1x128xf32, #tpu.memory_space<vmem>>, vector<1x128xf32>
    %slice3A_192 = vector.extract_strided_slice %select_n3A_182 {offsets = [0, 128], sizes = [1, 128], strides = [1, 1]} : vector<1x6400xf32> to vector<1x128xf32>
    %max3A_193 = arith.maximumf %get3A_191, %slice3A_192 : vector<1x128xf32>
    %swap3A_194 = arith.constant 0 : index
    %swap3A_195 = arith.constant 0 : index
    %swap3A_196 = vector.load %arg10[%swap3A_194, %swap3A_195] : memref<1x128xf32, #tpu.memory_space<vmem>>, vector<1x128xf32>
    tpu.vector_store %arg10[%swap3A_194, %swap3A_195], %max3A_193 {strides = array<i32>} : memref<1x128xf32, #tpu.memory_space<vmem>>, vector<1x128xf32>,
    %get3A_197 = arith.constant 0 : index
    %get3A_198 = arith.constant 0 : index
    %get3A_199 = vector.load %arg10[%get3A_197, %get3A_198] : memref<1x128xf32, #tpu.memory_space<vmem>>, vector<1x128xf32>
    %slice3A_200 = vector.extract_strided_slice %select_n3A_182 {offsets = [0, 256], sizes = [1, 128], strides = [1, 1]} : vector<1x6400xf32> to vector<1x128xf32>
    %max3A_201 = arith.maximumf %get3A_199, %slice3A_200 : vector<1x128xf32>
    %swap3A_202 = arith.constant 0 : index
    %swap3A_203 = arith.constant 0 : index
    %swap3A_204 = vector.load %arg10[%swap3A_202, %swap3A_203] : memref<1x128xf32, #tpu.memory_space<vmem>>, vector<1x128xf32>
    tpu.vector_store %arg10[%swap3A_202, %swap3A_203], %max3A_201 {strides = array<i32>} : memref<1x128xf32, #tpu.memory_space<vmem>>, vector<1x128xf32>,
    %get3A_205 = arith.constant 0 : index
    %get3A_206 = arith.constant 0 : index
    %get3A_207 = vector.load %arg10[%get3A_205, %get3A_206] : memref<1x128xf32, #tpu.memory_space<vmem>>, vector<1x128xf32>
    %slice3A_208 = vector.extract_strided_slice %select_n3A_182 {offsets = [0, 384], sizes = [1, 128], strides = [1, 1]} : vector<1x6400xf32> to vector<1x128xf32>
    %max3A_209 = arith.maximumf %get3A_207, %slice3A_208 : vector<1x128xf32>
    %swap3A_210 = arith.constant 0 : index
    %swap3A_211 = arith.constant 0 : index
    %swap3A_212 = vector.load %arg10[%swap3A_210, %swap3A_211] : memref<1x128xf32, #tpu.memory_space<vmem>>, vector<1x128xf32>
    tpu.vector_store %arg10[%swap3A_210, %swap3A_211], %max3A_209 {strides = array<i32>} : memref<1x128xf32, #tpu.memory_space<vmem>>, vector<1x128xf32>,
    %get3A_213 = arith.constant 0 : index
    %get3A_214 = arith.constant 0 : index
    %get3A_215 = vector.load %arg10[%get3A_213, %get3A_214] : memref<1x128xf32, #tpu.memory_space<vmem>>, vector<1x128xf32>
    %slice3A_216 = vector.extract_strided_slice %select_n3A_182 {offsets = [0, 512], sizes = [1, 128], strides = [1, 1]} : vector<1x6400xf32> to vector<1x128xf32>
    %max3A_217 = arith.maximumf %get3A_215, %slice3A_216 : vector<1x128xf32>
    %swap3A_218 = arith.constant 0 : index
    %swap3A_219 = arith.constant 0 : index
    %swap3A_220 = vector.load %arg10[%swap3A_218, %swap3A_219] : memref<1x128xf32, #tpu.memory_space<vmem>>, vector<1x128xf32>
    tpu.vector_store %arg10[%swap3A_218, %swap3A_219], %max3A_217 {strides = array<i32>} : memref<1x128xf32, #tpu.memory_space<vmem>>, vector<1x128xf32>,
    %get3A_221 = arith.constant 0 : index
    %get3A_222 = arith.constant 0 : index
    %get3A_223 = vector.load %arg10[%get3A_221, %get3A_222] : memref<1x128xf32, #tpu.memory_space<vmem>>, vector<1x128xf32>
    %slice3A_224 = vector.extract_strided_slice %select_n3A_182 {offsets = [0, 640], sizes = [1, 128], strides = [1, 1]} : vector<1x6400xf32> to vector<1x128xf32>
    %max3A_225 = arith.maximumf %get3A_223, %slice3A_224 : vector<1x128xf32>
    %swap3A_226 = arith.constant 0 : index
    %swap3A_227 = arith.constant 0 : index
    %swap3A_228 = vector.load %arg10[%swap3A_226, %swap3A_227] : memref<1x128xf32, #tpu.memory_space<vmem>>, vector<1x128xf32>
    tpu.vector_store %arg10[%swap3A_226, %swap3A_227], %max3A_225 {strides = array<i32>} : memref<1x128xf32, #tpu.memory_space<vmem>>, vector<1x128xf32>,
    %get3A_229 = arith.constant 0 : index
    %get3A_230 = arith.constant 0 : index
    %get3A_231 = vector.load %arg10[%get3A_229, %get3A_230] : memref<1x128xf32, #tpu.memory_space<vmem>>, vector<1x128xf32>
    %slice3A_232 = vector.extract_strided_slice %select_n3A_182 {offsets = [0, 768], sizes = [1, 128], strides = [1, 1]} : vector<1x6400xf32> to vector<1x128xf32>
    %max3A_233 = arith.maximumf %get3A_231, %slice3A_232 : vector<1x128xf32>
    %swap3A_234 = arith.constant 0 : index
    %swap3A_235 = arith.constant 0 : index
    %swap3A_236 = vector.load %arg10[%swap3A_234, %swap3A_235] : memref<1x128xf32, #tpu.memory_space<vmem>>, vector<1x128xf32>
    tpu.vector_store %arg10[%swap3A_234, %swap3A_235], %max3A_233 {strides = array<i32>} : memref<1x128xf32, #tpu.memory_space<vmem>>, vector<1x128xf32>,
    %get3A_237 = arith.constant 0 : index
    %get3A_238 = arith.constant 0 : index
    %get3A_239 = vector.load %arg10[%get3A_237, %get3A_238] : memref<1x128xf32, #tpu.memory_space<vmem>>, vector<1x128xf32>
    %slice3A_240 = vector.extract_strided_slice %select_n3A_182 {offsets = [0, 896], sizes = [1, 128], strides = [1, 1]} : vector<1x6400xf32> to vector<1x128xf32>
    %max3A_241 = arith.maximumf %get3A_239, %slice3A_240 : vector<1x128xf32>
    %swap3A_242 = arith.constant 0 : index
    %swap3A_243 = arith.constant 0 : index
    %swap3A_244 = vector.load %arg10[%swap3A_242, %swap3A_243] : memref<1x128xf32, #tpu.memory_space<vmem>>, vector<1x128xf32>
    tpu.vector_store %arg10[%swap3A_242, %swap3A_243], %max3A_241 {strides = array<i32>} : memref<1x128xf32, #tpu.memory_space<vmem>>, vector<1x128xf32>,
    %get3A_245 = arith.constant 0 : index
    %get3A_246 = arith.constant 0 : index
    %get3A_247 = vector.load %arg10[%get3A_245, %get3A_246] : memref<1x128xf32, #tpu.memory_space<vmem>>, vector<1x128xf32>
    %slice3A_248 = vector.extract_strided_slice %select_n3A_182 {offsets = [0, 1024], sizes = [1, 128], strides = [1, 1]} : vector<1x6400xf32> to vector<1x128xf32>
    %max3A_249 = arith.maximumf %get3A_247, %slice3A_248 : vector<1x128xf32>
    %swap3A_250 = arith.constant 0 : index
    %swap3A_251 = arith.constant 0 : index
    %swap3A_252 = vector.load %arg10[%swap3A_250, %swap3A_251] : memref<1x128xf32, #tpu.memory_space<vmem>>, vector<1x128xf32>
    tpu.vector_store %arg10[%swap3A_250, %swap3A_251], %max3A_249 {strides = array<i32>} : memref<1x128xf32, #tpu.memory_space<vmem>>, vector<1x128xf32>,
    %get3A_253 = arith.constant 0 : index
    %get3A_254 = arith.constant 0 : index
    %get3A_255 = vector.load %arg10[%get3A_253, %get3A_254] : memref<1x128xf32, #tpu.memory_space<vmem>>, vector<1x128xf32>
    %slice3A_256 = vector.extract_strided_slice %select_n3A_182 {offsets = [0, 1152], sizes = [1, 128], strides = [1, 1]} : vector<1x6400xf32> to vector<1x128xf32>
    %max3A_257 = arith.maximumf %get3A_255, %slice3A_256 : vector<1x128xf32>
    %swap3A_258 = arith.constant 0 : index
    %swap3A_259 = arith.constant 0 : index
    %swap3A_260 = vector.load %arg10[%swap3A_258, %swap3A_259] : memref<1x128xf32, #tpu.memory_space<vmem>>, vector<1x128xf32>
    tpu.vector_store %arg10[%swap3A_258, %swap3A_259], %max3A_257 {strides = array<i32>} : memref<1x128xf32, #tpu.memory_space<vmem>>, vector<1x128xf32>,
    %get3A_261 = arith.constant 0 : index
    %get3A_262 = arith.constant 0 : index
    %get3A_263 = vector.load %arg10[%get3A_261, %get3A_262] : memref<1x128xf32, #tpu.memory_space<vmem>>, vector<1x128xf32>
    %slice3A_264 = vector.extract_strided_slice %select_n3A_182 {offsets = [0, 1280], sizes = [1, 128], strides = [1, 1]} : vector<1x6400xf32> to vector<1x128xf32>
    %max3A_265 = arith.maximumf %get3A_263, %slice3A_264 : vector<1x128xf32>
    %swap3A_266 = arith.constant 0 : index
    %swap3A_267 = arith.constant 0 : index
    %swap3A_268 = vector.load %arg10[%swap3A_266, %swap3A_267] : memref<1x128xf32, #tpu.memory_space<vmem>>, vector<1x128xf32>
    tpu.vector_store %arg10[%swap3A_266, %swap3A_267], %max3A_265 {strides = array<i32>} : memref<1x128xf32, #tpu.memory_space<vmem>>, vector<1x128xf32>,
    %get3A_269 = arith.constant 0 : index
    %get3A_270 = arith.constant 0 : index
    %get3A_271 = vector.load %arg10[%get3A_269, %get3A_270] : memref<1x128xf32, #tpu.memory_space<vmem>>, vector<1x128xf32>
    %slice3A_272 = vector.extract_strided_slice %select_n3A_182 {offsets = [0, 1408], sizes = [1, 128], strides = [1, 1]} : vector<1x6400xf32> to vector<1x128xf32>
    %max3A_273 = arith.maximumf %get3A_271, %slice3A_272 : vector<1x128xf32>
    %swap3A_274 = arith.constant 0 : index
    %swap3A_275 = arith.constant 0 : index
    %swap3A_276 = vector.load %arg10[%swap3A_274, %swap3A_275] : memref<1x128xf32, #tpu.memory_space<vmem>>, vector<1x128xf32>
    tpu.vector_store %arg10[%swap3A_274, %swap3A_275], %max3A_273 {strides = array<i32>} : memref<1x128xf32, #tpu.memory_space<vmem>>, vector<1x128xf32>,
    %get3A_277 = arith.constant 0 : index
    %get3A_278 = arith.constant 0 : index
    %get3A_279 = vector.load %arg10[%get3A_277, %get3A_278] : memref<1x128xf32, #tpu.memory_space<vmem>>, vector<1x128xf32>
    %slice3A_280 = vector.extract_strided_slice %select_n3A_182 {offsets = [0, 1536], sizes = [1, 128], strides = [1, 1]} : vector<1x6400xf32> to vector<1x128xf32>
    %max3A_281 = arith.maximumf %get3A_279, %slice3A_280 : vector<1x128xf32>
    %swap3A_282 = arith.constant 0 : index
    %swap3A_283 = arith.constant 0 : index
    %swap3A_284 = vector.load %arg10[%swap3A_282, %swap3A_283] : memref<1x128xf32, #tpu.memory_space<vmem>>, vector<1x128xf32>
    tpu.vector_store %arg10[%swap3A_282, %swap3A_283], %max3A_281 {strides = array<i32>} : memref<1x128xf32, #tpu.memory_space<vmem>>, vector<1x128xf32>,
    %get3A_285 = arith.constant 0 : index
    %get3A_286 = arith.constant 0 : index
    %get3A_287 = vector.load %arg10[%get3A_285, %get3A_286] : memref<1x128xf32, #tpu.memory_space<vmem>>, vector<1x128xf32>
    %slice3A_288 = vector.extract_strided_slice %select_n3A_182 {offsets = [0, 1664], sizes = [1, 128], strides = [1, 1]} : vector<1x6400xf32> to vector<1x128xf32>
    %max3A_289 = arith.maximumf %get3A_287, %slice3A_288 : vector<1x128xf32>
    %swap3A_290 = arith.constant 0 : index
    %swap3A_291 = arith.constant 0 : index
    %swap3A_292 = vector.load %arg10[%swap3A_290, %swap3A_291] : memref<1x128xf32, #tpu.memory_space<vmem>>, vector<1x128xf32>
    tpu.vector_store %arg10[%swap3A_290, %swap3A_291], %max3A_289 {strides = array<i32>} : memref<1x128xf32, #tpu.memory_space<vmem>>, vector<1x128xf32>,
    %get3A_293 = arith.constant 0 : index
    %get3A_294 = arith.constant 0 : index
    %get3A_295 = vector.load %arg10[%get3A_293, %get3A_294] : memref<1x128xf32, #tpu.memory_space<vmem>>, vector<1x128xf32>
    %slice3A_296 = vector.extract_strided_slice %select_n3A_182 {offsets = [0, 1792], sizes = [1, 128], strides = [1, 1]} : vector<1x6400xf32> to vector<1x128xf32>
    %max3A_297 = arith.maximumf %get3A_295, %slice3A_296 : vector<1x128xf32>
    %swap3A_298 = arith.constant 0 : index
    %swap3A_299 = arith.constant 0 : index
    %swap3A_300 = vector.load %arg10[%swap3A_298, %swap3A_299] : memref<1x128xf32, #tpu.memory_space<vmem>>, vector<1x128xf32>
    tpu.vector_store %arg10[%swap3A_298, %swap3A_299], %max3A_297 {strides = array<i32>} : memref<1x128xf32, #tpu.memory_space<vmem>>, vector<1x128xf32>,
    %get3A_301 = arith.constant 0 : index
    %get3A_302 = arith.constant 0 : index
    %get3A_303 = vector.load %arg10[%get3A_301, %get3A_302] : memref<1x128xf32, #tpu.memory_space<vmem>>, vector<1x128xf32>
    %slice3A_304 = vector.extract_strided_slice %select_n3A_182 {offsets = [0, 1920], sizes = [1, 128], strides = [1, 1]} : vector<1x6400xf32> to vector<1x128xf32>
    %max3A_305 = arith.maximumf %get3A_303, %slice3A_304 : vector<1x128xf32>
    %swap3A_306 = arith.constant 0 : index
    %swap3A_307 = arith.constant 0 : index
    %swap3A_308 = vector.load %arg10[%swap3A_306, %swap3A_307] : memref<1x128xf32, #tpu.memory_space<vmem>>, vector<1x128xf32>
    tpu.vector_store %arg10[%swap3A_306, %swap3A_307], %max3A_305 {strides = array<i32>} : memref<1x128xf32, #tpu.memory_space<vmem>>, vector<1x128xf32>,
    %get3A_309 = arith.constant 0 : index
    %get3A_310 = arith.constant 0 : index
    %get3A_311 = vector.load %arg10[%get3A_309, %get3A_310] : memref<1x128xf32, #tpu.memory_space<vmem>>, vector<1x128xf32>
    %slice3A_312 = vector.extract_strided_slice %select_n3A_182 {offsets = [0, 2048], sizes = [1, 128], strides = [1, 1]} : vector<1x6400xf32> to vector<1x128xf32>
    %max3A_313 = arith.maximumf %get3A_311, %slice3A_312 : vector<1x128xf32>
    %swap3A_314 = arith.constant 0 : index
    %swap3A_315 = arith.constant 0 : index
    %swap3A_316 = vector.load %arg10[%swap3A_314, %swap3A_315] : memref<1x128xf32, #tpu.memory_space<vmem>>, vector<1x128xf32>
    tpu.vector_store %arg10[%swap3A_314, %swap3A_315], %max3A_313 {strides = array<i32>} : memref<1x128xf32, #tpu.memory_space<vmem>>, vector<1x128xf32>,
    %get3A_317 = arith.constant 0 : index
    %get3A_318 = arith.constant 0 : index
    %get3A_319 = vector.load %arg10[%get3A_317, %get3A_318] : memref<1x128xf32, #tpu.memory_space<vmem>>, vector<1x128xf32>
    %slice3A_320 = vector.extract_strided_slice %select_n3A_182 {offsets = [0, 2176], sizes = [1, 128], strides = [1, 1]} : vector<1x6400xf32> to vector<1x128xf32>
    %max3A_321 = arith.maximumf %get3A_319, %slice3A_320 : vector<1x128xf32>
    %swap3A_322 = arith.constant 0 : index
    %swap3A_323 = arith.constant 0 : index
    %swap3A_324 = vector.load %arg10[%swap3A_322, %swap3A_323] : memref<1x128xf32, #tpu.memory_space<vmem>>, vector<1x128xf32>
    tpu.vector_store %arg10[%swap3A_322, %swap3A_323], %max3A_321 {strides = array<i32>} : memref<1x128xf32, #tpu.memory_space<vmem>>, vector<1x128xf32>,
    %get3A_325 = arith.constant 0 : index
    %get3A_326 = arith.constant 0 : index
    %get3A_327 = vector.load %arg10[%get3A_325, %get3A_326] : memref<1x128xf32, #tpu.memory_space<vmem>>, vector<1x128xf32>
    %slice3A_328 = vector.extract_strided_slice %select_n3A_182 {offsets = [0, 2304], sizes = [1, 128], strides = [1, 1]} : vector<1x6400xf32> to vector<1x128xf32>
    %max3A_329 = arith.maximumf %get3A_327, %slice3A_328 : vector<1x128xf32>
    %swap3A_330 = arith.constant 0 : index
    %swap3A_331 = arith.constant 0 : index
    %swap3A_332 = vector.load %arg10[%swap3A_330, %swap3A_331] : memref<1x128xf32, #tpu.memory_space<vmem>>, vector<1x128xf32>
    tpu.vector_store %arg10[%swap3A_330, %swap3A_331], %max3A_329 {strides = array<i32>} : memref<1x128xf32, #tpu.memory_space<vmem>>, vector<1x128xf32>,
    %get3A_333 = arith.constant 0 : index
    %get3A_334 = arith.constant 0 : index
    %get3A_335 = vector.load %arg10[%get3A_333, %get3A_334] : memref<1x128xf32, #tpu.memory_space<vmem>>, vector<1x128xf32>
    %slice3A_336 = vector.extract_strided_slice %select_n3A_182 {offsets = [0, 2432], sizes = [1, 128], strides = [1, 1]} : vector<1x6400xf32> to vector<1x128xf32>
    %max3A_337 = arith.maximumf %get3A_335, %slice3A_336 : vector<1x128xf32>
    %swap3A_338 = arith.constant 0 : index
    %swap3A_339 = arith.constant 0 : index
    %swap3A_340 = vector.load %arg10[%swap3A_338, %swap3A_339] : memref<1x128xf32, #tpu.memory_space<vmem>>, vector<1x128xf32>
    tpu.vector_store %arg10[%swap3A_338, %swap3A_339], %max3A_337 {strides = array<i32>} : memref<1x128xf32, #tpu.memory_space<vmem>>, vector<1x128xf32>,
    %get3A_341 = arith.constant 0 : index
    %get3A_342 = arith.constant 0 : index
    %get3A_343 = vector.load %arg10[%get3A_341, %get3A_342] : memref<1x128xf32, #tpu.memory_space<vmem>>, vector<1x128xf32>
    %slice3A_344 = vector.extract_strided_slice %select_n3A_182 {offsets = [0, 2560], sizes = [1, 128], strides = [1, 1]} : vector<1x6400xf32> to vector<1x128xf32>
    %max3A_345 = arith.maximumf %get3A_343, %slice3A_344 : vector<1x128xf32>
    %swap3A_346 = arith.constant 0 : index
    %swap3A_347 = arith.constant 0 : index
    %swap3A_348 = vector.load %arg10[%swap3A_346, %swap3A_347] : memref<1x128xf32, #tpu.memory_space<vmem>>, vector<1x128xf32>
    tpu.vector_store %arg10[%swap3A_346, %swap3A_347], %max3A_345 {strides = array<i32>} : memref<1x128xf32, #tpu.memory_space<vmem>>, vector<1x128xf32>,
    %get3A_349 = arith.constant 0 : index
    %get3A_350 = arith.constant 0 : index
    %get3A_351 = vector.load %arg10[%get3A_349, %get3A_350] : memref<1x128xf32, #tpu.memory_space<vmem>>, vector<1x128xf32>
    %slice3A_352 = vector.extract_strided_slice %select_n3A_182 {offsets = [0, 2688], sizes = [1, 128], strides = [1, 1]} : vector<1x6400xf32> to vector<1x128xf32>
    %max3A_353 = arith.maximumf %get3A_351, %slice3A_352 : vector<1x128xf32>
    %swap3A_354 = arith.constant 0 : index
    %swap3A_355 = arith.constant 0 : index
    %swap3A_356 = vector.load %arg10[%swap3A_354, %swap3A_355] : memref<1x128xf32, #tpu.memory_space<vmem>>, vector<1x128xf32>
    tpu.vector_store %arg10[%swap3A_354, %swap3A_355], %max3A_353 {strides = array<i32>} : memref<1x128xf32, #tpu.memory_space<vmem>>, vector<1x128xf32>,
    %get3A_357 = arith.constant 0 : index
    %get3A_358 = arith.constant 0 : index
    %get3A_359 = vector.load %arg10[%get3A_357, %get3A_358] : memref<1x128xf32, #tpu.memory_space<vmem>>, vector<1x128xf32>
    %slice3A_360 = vector.extract_strided_slice %select_n3A_182 {offsets = [0, 2816], sizes = [1, 128], strides = [1, 1]} : vector<1x6400xf32> to vector<1x128xf32>
    %max3A_361 = arith.maximumf %get3A_359, %slice3A_360 : vector<1x128xf32>
    %swap3A_362 = arith.constant 0 : index
    %swap3A_363 = arith.constant 0 : index
    %swap3A_364 = vector.load %arg10[%swap3A_362, %swap3A_363] : memref<1x128xf32, #tpu.memory_space<vmem>>, vector<1x128xf32>
    tpu.vector_store %arg10[%swap3A_362, %swap3A_363], %max3A_361 {strides = array<i32>} : memref<1x128xf32, #tpu.memory_space<vmem>>, vector<1x128xf32>,
    %get3A_365 = arith.constant 0 : index
    %get3A_366 = arith.constant 0 : index
    %get3A_367 = vector.load %arg10[%get3A_365, %get3A_366] : memref<1x128xf32, #tpu.memory_space<vmem>>, vector<1x128xf32>
    %slice3A_368 = vector.extract_strided_slice %select_n3A_182 {offsets = [0, 2944], sizes = [1, 128], strides = [1, 1]} : vector<1x6400xf32> to vector<1x128xf32>
    %max3A_369 = arith.maximumf %get3A_367, %slice3A_368 : vector<1x128xf32>
    %swap3A_370 = arith.constant 0 : index
    %swap3A_371 = arith.constant 0 : index
    %swap3A_372 = vector.load %arg10[%swap3A_370, %swap3A_371] : memref<1x128xf32, #tpu.memory_space<vmem>>, vector<1x128xf32>
    tpu.vector_store %arg10[%swap3A_370, %swap3A_371], %max3A_369 {strides = array<i32>} : memref<1x128xf32, #tpu.memory_space<vmem>>, vector<1x128xf32>,
    %get3A_373 = arith.constant 0 : index
    %get3A_374 = arith.constant 0 : index
    %get3A_375 = vector.load %arg10[%get3A_373, %get3A_374] : memref<1x128xf32, #tpu.memory_space<vmem>>, vector<1x128xf32>
    %slice3A_376 = vector.extract_strided_slice %select_n3A_182 {offsets = [0, 3072], sizes = [1, 128], strides = [1, 1]} : vector<1x6400xf32> to vector<1x128xf32>
    %max3A_377 = arith.maximumf %get3A_375, %slice3A_376 : vector<1x128xf32>
    %swap3A_378 = arith.constant 0 : index
    %swap3A_379 = arith.constant 0 : index
    %swap3A_380 = vector.load %arg10[%swap3A_378, %swap3A_379] : memref<1x128xf32, #tpu.memory_space<vmem>>, vector<1x128xf32>
    tpu.vector_store %arg10[%swap3A_378, %swap3A_379], %max3A_377 {strides = array<i32>} : memref<1x128xf32, #tpu.memory_space<vmem>>, vector<1x128xf32>,
    %get3A_381 = arith.constant 0 : index
    %get3A_382 = arith.constant 0 : index
    %get3A_383 = vector.load %arg10[%get3A_381, %get3A_382] : memref<1x128xf32, #tpu.memory_space<vmem>>, vector<1x128xf32>
    %slice3A_384 = vector.extract_strided_slice %select_n3A_182 {offsets = [0, 3200], sizes = [1, 128], strides = [1, 1]} : vector<1x6400xf32> to vector<1x128xf32>
    %max3A_385 = arith.maximumf %get3A_383, %slice3A_384 : vector<1x128xf32>
    %swap3A_386 = arith.constant 0 : index
    %swap3A_387 = arith.constant 0 : index
    %swap3A_388 = vector.load %arg10[%swap3A_386, %swap3A_387] : memref<1x128xf32, #tpu.memory_space<vmem>>, vector<1x128xf32>
    tpu.vector_store %arg10[%swap3A_386, %swap3A_387], %max3A_385 {strides = array<i32>} : memref<1x128xf32, #tpu.memory_space<vmem>>, vector<1x128xf32>,
    %get3A_389 = arith.constant 0 : index
    %get3A_390 = arith.constant 0 : index
    %get3A_391 = vector.load %arg10[%get3A_389, %get3A_390] : memref<1x128xf32, #tpu.memory_space<vmem>>, vector<1x128xf32>
    %slice3A_392 = vector.extract_strided_slice %select_n3A_182 {offsets = [0, 3328], sizes = [1, 128], strides = [1, 1]} : vector<1x6400xf32> to vector<1x128xf32>
    %max3A_393 = arith.maximumf %get3A_391, %slice3A_392 : vector<1x128xf32>
    %swap3A_394 = arith.constant 0 : index
    %swap3A_395 = arith.constant 0 : index
    %swap3A_396 = vector.load %arg10[%swap3A_394, %swap3A_395] : memref<1x128xf32, #tpu.memory_space<vmem>>, vector<1x128xf32>
    tpu.vector_store %arg10[%swap3A_394, %swap3A_395], %max3A_393 {strides = array<i32>} : memref<1x128xf32, #tpu.memory_space<vmem>>, vector<1x128xf32>,
    %get3A_397 = arith.constant 0 : index
    %get3A_398 = arith.constant 0 : index
    %get3A_399 = vector.load %arg10[%get3A_397, %get3A_398] : memref<1x128xf32, #tpu.memory_space<vmem>>, vector<1x128xf32>
    %slice3A_400 = vector.extract_strided_slice %select_n3A_182 {offsets = [0, 3456], sizes = [1, 128], strides = [1, 1]} : vector<1x6400xf32> to vector<1x128xf32>
    %max3A_401 = arith.maximumf %get3A_399, %slice3A_400 : vector<1x128xf32>
    %swap3A_402 = arith.constant 0 : index
    %swap3A_403 = arith.constant 0 : index
    %swap3A_404 = vector.load %arg10[%swap3A_402, %swap3A_403] : memref<1x128xf32, #tpu.memory_space<vmem>>, vector<1x128xf32>
    tpu.vector_store %arg10[%swap3A_402, %swap3A_403], %max3A_401 {strides = array<i32>} : memref<1x128xf32, #tpu.memory_space<vmem>>, vector<1x128xf32>,
    %get3A_405 = arith.constant 0 : index
    %get3A_406 = arith.constant 0 : index
    %get3A_407 = vector.load %arg10[%get3A_405, %get3A_406] : memref<1x128xf32, #tpu.memory_space<vmem>>, vector<1x128xf32>
    %slice3A_408 = vector.extract_strided_slice %select_n3A_182 {offsets = [0, 3584], sizes = [1, 128], strides = [1, 1]} : vector<1x6400xf32> to vector<1x128xf32>
    %max3A_409 = arith.maximumf %get3A_407, %slice3A_408 : vector<1x128xf32>
    %swap3A_410 = arith.constant 0 : index
    %swap3A_411 = arith.constant 0 : index
    %swap3A_412 = vector.load %arg10[%swap3A_410, %swap3A_411] : memref<1x128xf32, #tpu.memory_space<vmem>>, vector<1x128xf32>
    tpu.vector_store %arg10[%swap3A_410, %swap3A_411], %max3A_409 {strides = array<i32>} : memref<1x128xf32, #tpu.memory_space<vmem>>, vector<1x128xf32>,
    %get3A_413 = arith.constant 0 : index
    %get3A_414 = arith.constant 0 : index
    %get3A_415 = vector.load %arg10[%get3A_413, %get3A_414] : memref<1x128xf32, #tpu.memory_space<vmem>>, vector<1x128xf32>
    %slice3A_416 = vector.extract_strided_slice %select_n3A_182 {offsets = [0, 3712], sizes = [1, 128], strides = [1, 1]} : vector<1x6400xf32> to vector<1x128xf32>
    %max3A_417 = arith.maximumf %get3A_415, %slice3A_416 : vector<1x128xf32>
    %swap3A_418 = arith.constant 0 : index
    %swap3A_419 = arith.constant 0 : index
    %swap3A_420 = vector.load %arg10[%swap3A_418, %swap3A_419] : memref<1x128xf32, #tpu.memory_space<vmem>>, vector<1x128xf32>
    tpu.vector_store %arg10[%swap3A_418, %swap3A_419], %max3A_417 {strides = array<i32>} : memref<1x128xf32, #tpu.memory_space<vmem>>, vector<1x128xf32>,
    %get3A_421 = arith.constant 0 : index
    %get3A_422 = arith.constant 0 : index
    %get3A_423 = vector.load %arg10[%get3A_421, %get3A_422] : memref<1x128xf32, #tpu.memory_space<vmem>>, vector<1x128xf32>
    %slice3A_424 = vector.extract_strided_slice %select_n3A_182 {offsets = [0, 3840], sizes = [1, 128], strides = [1, 1]} : vector<1x6400xf32> to vector<1x128xf32>
    %max3A_425 = arith.maximumf %get3A_423, %slice3A_424 : vector<1x128xf32>
    %swap3A_426 = arith.constant 0 : index
    %swap3A_427 = arith.constant 0 : index
    %swap3A_428 = vector.load %arg10[%swap3A_426, %swap3A_427] : memref<1x128xf32, #tpu.memory_space<vmem>>, vector<1x128xf32>
    tpu.vector_store %arg10[%swap3A_426, %swap3A_427], %max3A_425 {strides = array<i32>} : memref<1x128xf32, #tpu.memory_space<vmem>>, vector<1x128xf32>,
    %get3A_429 = arith.constant 0 : index
    %get3A_430 = arith.constant 0 : index
    %get3A_431 = vector.load %arg10[%get3A_429, %get3A_430] : memref<1x128xf32, #tpu.memory_space<vmem>>, vector<1x128xf32>
    %slice3A_432 = vector.extract_strided_slice %select_n3A_182 {offsets = [0, 3968], sizes = [1, 128], strides = [1, 1]} : vector<1x6400xf32> to vector<1x128xf32>
    %max3A_433 = arith.maximumf %get3A_431, %slice3A_432 : vector<1x128xf32>
    %swap3A_434 = arith.constant 0 : index
    %swap3A_435 = arith.constant 0 : index
    %swap3A_436 = vector.load %arg10[%swap3A_434, %swap3A_435] : memref<1x128xf32, #tpu.memory_space<vmem>>, vector<1x128xf32>
    tpu.vector_store %arg10[%swap3A_434, %swap3A_435], %max3A_433 {strides = array<i32>} : memref<1x128xf32, #tpu.memory_space<vmem>>, vector<1x128xf32>,
    %get3A_437 = arith.constant 0 : index
    %get3A_438 = arith.constant 0 : index
    %get3A_439 = vector.load %arg10[%get3A_437, %get3A_438] : memref<1x128xf32, #tpu.memory_space<vmem>>, vector<1x128xf32>
    %slice3A_440 = vector.extract_strided_slice %select_n3A_182 {offsets = [0, 4096], sizes = [1, 128], strides = [1, 1]} : vector<1x6400xf32> to vector<1x128xf32>
    %max3A_441 = arith.maximumf %get3A_439, %slice3A_440 : vector<1x128xf32>
    %swap3A_442 = arith.constant 0 : index
    %swap3A_443 = arith.constant 0 : index
    %swap3A_444 = vector.load %arg10[%swap3A_442, %swap3A_443] : memref<1x128xf32, #tpu.memory_space<vmem>>, vector<1x128xf32>
    tpu.vector_store %arg10[%swap3A_442, %swap3A_443], %max3A_441 {strides = array<i32>} : memref<1x128xf32, #tpu.memory_space<vmem>>, vector<1x128xf32>,
    %get3A_445 = arith.constant 0 : index
    %get3A_446 = arith.constant 0 : index
    %get3A_447 = vector.load %arg10[%get3A_445, %get3A_446] : memref<1x128xf32, #tpu.memory_space<vmem>>, vector<1x128xf32>
    %slice3A_448 = vector.extract_strided_slice %select_n3A_182 {offsets = [0, 4224], sizes = [1, 128], strides = [1, 1]} : vector<1x6400xf32> to vector<1x128xf32>
    %max3A_449 = arith.maximumf %get3A_447, %slice3A_448 : vector<1x128xf32>
    %swap3A_450 = arith.constant 0 : index
    %swap3A_451 = arith.constant 0 : index
    %swap3A_452 = vector.load %arg10[%swap3A_450, %swap3A_451] : memref<1x128xf32, #tpu.memory_space<vmem>>, vector<1x128xf32>
    tpu.vector_store %arg10[%swap3A_450, %swap3A_451], %max3A_449 {strides = array<i32>} : memref<1x128xf32, #tpu.memory_space<vmem>>, vector<1x128xf32>,
    %get3A_453 = arith.constant 0 : index
    %get3A_454 = arith.constant 0 : index
    %get3A_455 = vector.load %arg10[%get3A_453, %get3A_454] : memref<1x128xf32, #tpu.memory_space<vmem>>, vector<1x128xf32>
    %slice3A_456 = vector.extract_strided_slice %select_n3A_182 {offsets = [0, 4352], sizes = [1, 128], strides = [1, 1]} : vector<1x6400xf32> to vector<1x128xf32>
    %max3A_457 = arith.maximumf %get3A_455, %slice3A_456 : vector<1x128xf32>
    %swap3A_458 = arith.constant 0 : index
    %swap3A_459 = arith.constant 0 : index
    %swap3A_460 = vector.load %arg10[%swap3A_458, %swap3A_459] : memref<1x128xf32, #tpu.memory_space<vmem>>, vector<1x128xf32>
    tpu.vector_store %arg10[%swap3A_458, %swap3A_459], %max3A_457 {strides = array<i32>} : memref<1x128xf32, #tpu.memory_space<vmem>>, vector<1x128xf32>,
    %get3A_461 = arith.constant 0 : index
    %get3A_462 = arith.constant 0 : index
    %get3A_463 = vector.load %arg10[%get3A_461, %get3A_462] : memref<1x128xf32, #tpu.memory_space<vmem>>, vector<1x128xf32>
    %slice3A_464 = vector.extract_strided_slice %select_n3A_182 {offsets = [0, 4480], sizes = [1, 128], strides = [1, 1]} : vector<1x6400xf32> to vector<1x128xf32>
    %max3A_465 = arith.maximumf %get3A_463, %slice3A_464 : vector<1x128xf32>
    %swap3A_466 = arith.constant 0 : index
    %swap3A_467 = arith.constant 0 : index
    %swap3A_468 = vector.load %arg10[%swap3A_466, %swap3A_467] : memref<1x128xf32, #tpu.memory_space<vmem>>, vector<1x128xf32>
    tpu.vector_store %arg10[%swap3A_466, %swap3A_467], %max3A_465 {strides = array<i32>} : memref<1x128xf32, #tpu.memory_space<vmem>>, vector<1x128xf32>,
    %get3A_469 = arith.constant 0 : index
    %get3A_470 = arith.constant 0 : index
    %get3A_471 = vector.load %arg10[%get3A_469, %get3A_470] : memref<1x128xf32, #tpu.memory_space<vmem>>, vector<1x128xf32>
    %slice3A_472 = vector.extract_strided_slice %select_n3A_182 {offsets = [0, 4608], sizes = [1, 128], strides = [1, 1]} : vector<1x6400xf32> to vector<1x128xf32>
    %max3A_473 = arith.maximumf %get3A_471, %slice3A_472 : vector<1x128xf32>
    %swap3A_474 = arith.constant 0 : index
    %swap3A_475 = arith.constant 0 : index
    %swap3A_476 = vector.load %arg10[%swap3A_474, %swap3A_475] : memref<1x128xf32, #tpu.memory_space<vmem>>, vector<1x128xf32>
    tpu.vector_store %arg10[%swap3A_474, %swap3A_475], %max3A_473 {strides = array<i32>} : memref<1x128xf32, #tpu.memory_space<vmem>>, vector<1x128xf32>,
    %get3A_477 = arith.constant 0 : index
    %get3A_478 = arith.constant 0 : index
    %get3A_479 = vector.load %arg10[%get3A_477, %get3A_478] : memref<1x128xf32, #tpu.memory_space<vmem>>, vector<1x128xf32>
    %slice3A_480 = vector.extract_strided_slice %select_n3A_182 {offsets = [0, 4736], sizes = [1, 128], strides = [1, 1]} : vector<1x6400xf32> to vector<1x128xf32>
    %max3A_481 = arith.maximumf %get3A_479, %slice3A_480 : vector<1x128xf32>
    %swap3A_482 = arith.constant 0 : index
    %swap3A_483 = arith.constant 0 : index
    %swap3A_484 = vector.load %arg10[%swap3A_482, %swap3A_483] : memref<1x128xf32, #tpu.memory_space<vmem>>, vector<1x128xf32>
    tpu.vector_store %arg10[%swap3A_482, %swap3A_483], %max3A_481 {strides = array<i32>} : memref<1x128xf32, #tpu.memory_space<vmem>>, vector<1x128xf32>,
    %get3A_485 = arith.constant 0 : index
    %get3A_486 = arith.constant 0 : index
    %get3A_487 = vector.load %arg10[%get3A_485, %get3A_486] : memref<1x128xf32, #tpu.memory_space<vmem>>, vector<1x128xf32>
    %slice3A_488 = vector.extract_strided_slice %select_n3A_182 {offsets = [0, 4864], sizes = [1, 128], strides = [1, 1]} : vector<1x6400xf32> to vector<1x128xf32>
    %max3A_489 = arith.maximumf %get3A_487, %slice3A_488 : vector<1x128xf32>
    %swap3A_490 = arith.constant 0 : index
    %swap3A_491 = arith.constant 0 : index
    %swap3A_492 = vector.load %arg10[%swap3A_490, %swap3A_491] : memref<1x128xf32, #tpu.memory_space<vmem>>, vector<1x128xf32>
    tpu.vector_store %arg10[%swap3A_490, %swap3A_491], %max3A_489 {strides = array<i32>} : memref<1x128xf32, #tpu.memory_space<vmem>>, vector<1x128xf32>,
    %get3A_493 = arith.constant 0 : index
    %get3A_494 = arith.constant 0 : index
    %get3A_495 = vector.load %arg10[%get3A_493, %get3A_494] : memref<1x128xf32, #tpu.memory_space<vmem>>, vector<1x128xf32>
    %slice3A_496 = vector.extract_strided_slice %select_n3A_182 {offsets = [0, 4992], sizes = [1, 128], strides = [1, 1]} : vector<1x6400xf32> to vector<1x128xf32>
    %max3A_497 = arith.maximumf %get3A_495, %slice3A_496 : vector<1x128xf32>
    %swap3A_498 = arith.constant 0 : index
    %swap3A_499 = arith.constant 0 : index
    %swap3A_500 = vector.load %arg10[%swap3A_498, %swap3A_499] : memref<1x128xf32, #tpu.memory_space<vmem>>, vector<1x128xf32>
    tpu.vector_store %arg10[%swap3A_498, %swap3A_499], %max3A_497 {strides = array<i32>} : memref<1x128xf32, #tpu.memory_space<vmem>>, vector<1x128xf32>,
    %get3A_501 = arith.constant 0 : index
    %get3A_502 = arith.constant 0 : index
    %get3A_503 = vector.load %arg10[%get3A_501, %get3A_502] : memref<1x128xf32, #tpu.memory_space<vmem>>, vector<1x128xf32>
    %slice3A_504 = vector.extract_strided_slice %select_n3A_182 {offsets = [0, 5120], sizes = [1, 128], strides = [1, 1]} : vector<1x6400xf32> to vector<1x128xf32>
    %max3A_505 = arith.maximumf %get3A_503, %slice3A_504 : vector<1x128xf32>
    %swap3A_506 = arith.constant 0 : index
    %swap3A_507 = arith.constant 0 : index
    %swap3A_508 = vector.load %arg10[%swap3A_506, %swap3A_507] : memref<1x128xf32, #tpu.memory_space<vmem>>, vector<1x128xf32>
    tpu.vector_store %arg10[%swap3A_506, %swap3A_507], %max3A_505 {strides = array<i32>} : memref<1x128xf32, #tpu.memory_space<vmem>>, vector<1x128xf32>,
    %get3A_509 = arith.constant 0 : index
    %get3A_510 = arith.constant 0 : index
    %get3A_511 = vector.load %arg10[%get3A_509, %get3A_510] : memref<1x128xf32, #tpu.memory_space<vmem>>, vector<1x128xf32>
    %slice3A_512 = vector.extract_strided_slice %select_n3A_182 {offsets = [0, 5248], sizes = [1, 128], strides = [1, 1]} : vector<1x6400xf32> to vector<1x128xf32>
    %max3A_513 = arith.maximumf %get3A_511, %slice3A_512 : vector<1x128xf32>
    %swap3A_514 = arith.constant 0 : index
    %swap3A_515 = arith.constant 0 : index
    %swap3A_516 = vector.load %arg10[%swap3A_514, %swap3A_515] : memref<1x128xf32, #tpu.memory_space<vmem>>, vector<1x128xf32>
    tpu.vector_store %arg10[%swap3A_514, %swap3A_515], %max3A_513 {strides = array<i32>} : memref<1x128xf32, #tpu.memory_space<vmem>>, vector<1x128xf32>,
    %get3A_517 = arith.constant 0 : index
    %get3A_518 = arith.constant 0 : index
    %get3A_519 = vector.load %arg10[%get3A_517, %get3A_518] : memref<1x128xf32, #tpu.memory_space<vmem>>, vector<1x128xf32>
    %slice3A_520 = vector.extract_strided_slice %select_n3A_182 {offsets = [0, 5376], sizes = [1, 128], strides = [1, 1]} : vector<1x6400xf32> to vector<1x128xf32>
    %max3A_521 = arith.maximumf %get3A_519, %slice3A_520 : vector<1x128xf32>
    %swap3A_522 = arith.constant 0 : index
    %swap3A_523 = arith.constant 0 : index
    %swap3A_524 = vector.load %arg10[%swap3A_522, %swap3A_523] : memref<1x128xf32, #tpu.memory_space<vmem>>, vector<1x128xf32>
    tpu.vector_store %arg10[%swap3A_522, %swap3A_523], %max3A_521 {strides = array<i32>} : memref<1x128xf32, #tpu.memory_space<vmem>>, vector<1x128xf32>,
    %get3A_525 = arith.constant 0 : index
    %get3A_526 = arith.constant 0 : index
    %get3A_527 = vector.load %arg10[%get3A_525, %get3A_526] : memref<1x128xf32, #tpu.memory_space<vmem>>, vector<1x128xf32>
    %slice3A_528 = vector.extract_strided_slice %select_n3A_182 {offsets = [0, 5504], sizes = [1, 128], strides = [1, 1]} : vector<1x6400xf32> to vector<1x128xf32>
    %max3A_529 = arith.maximumf %get3A_527, %slice3A_528 : vector<1x128xf32>
    %swap3A_530 = arith.constant 0 : index
    %swap3A_531 = arith.constant 0 : index
    %swap3A_532 = vector.load %arg10[%swap3A_530, %swap3A_531] : memref<1x128xf32, #tpu.memory_space<vmem>>, vector<1x128xf32>
    tpu.vector_store %arg10[%swap3A_530, %swap3A_531], %max3A_529 {strides = array<i32>} : memref<1x128xf32, #tpu.memory_space<vmem>>, vector<1x128xf32>,
    %get3A_533 = arith.constant 0 : index
    %get3A_534 = arith.constant 0 : index
    %get3A_535 = vector.load %arg10[%get3A_533, %get3A_534] : memref<1x128xf32, #tpu.memory_space<vmem>>, vector<1x128xf32>
    %slice3A_536 = vector.extract_strided_slice %select_n3A_182 {offsets = [0, 5632], sizes = [1, 128], strides = [1, 1]} : vector<1x6400xf32> to vector<1x128xf32>
    %max3A_537 = arith.maximumf %get3A_535, %slice3A_536 : vector<1x128xf32>
    %swap3A_538 = arith.constant 0 : index
    %swap3A_539 = arith.constant 0 : index
    %swap3A_540 = vector.load %arg10[%swap3A_538, %swap3A_539] : memref<1x128xf32, #tpu.memory_space<vmem>>, vector<1x128xf32>
    tpu.vector_store %arg10[%swap3A_538, %swap3A_539], %max3A_537 {strides = array<i32>} : memref<1x128xf32, #tpu.memory_space<vmem>>, vector<1x128xf32>,
    %get3A_541 = arith.constant 0 : index
    %get3A_542 = arith.constant 0 : index
    %get3A_543 = vector.load %arg10[%get3A_541, %get3A_542] : memref<1x128xf32, #tpu.memory_space<vmem>>, vector<1x128xf32>
    %slice3A_544 = vector.extract_strided_slice %select_n3A_182 {offsets = [0, 5760], sizes = [1, 128], strides = [1, 1]} : vector<1x6400xf32> to vector<1x128xf32>
    %max3A_545 = arith.maximumf %get3A_543, %slice3A_544 : vector<1x128xf32>
    %swap3A_546 = arith.constant 0 : index
    %swap3A_547 = arith.constant 0 : index
    %swap3A_548 = vector.load %arg10[%swap3A_546, %swap3A_547] : memref<1x128xf32, #tpu.memory_space<vmem>>, vector<1x128xf32>
    tpu.vector_store %arg10[%swap3A_546, %swap3A_547], %max3A_545 {strides = array<i32>} : memref<1x128xf32, #tpu.memory_space<vmem>>, vector<1x128xf32>,
    %get3A_549 = arith.constant 0 : index
    %get3A_550 = arith.constant 0 : index
    %get3A_551 = vector.load %arg10[%get3A_549, %get3A_550] : memref<1x128xf32, #tpu.memory_space<vmem>>, vector<1x128xf32>
    %slice3A_552 = vector.extract_strided_slice %select_n3A_182 {offsets = [0, 5888], sizes = [1, 128], strides = [1, 1]} : vector<1x6400xf32> to vector<1x128xf32>
    %max3A_553 = arith.maximumf %get3A_551, %slice3A_552 : vector<1x128xf32>
    %swap3A_554 = arith.constant 0 : index
    %swap3A_555 = arith.constant 0 : index
    %swap3A_556 = vector.load %arg10[%swap3A_554, %swap3A_555] : memref<1x128xf32, #tpu.memory_space<vmem>>, vector<1x128xf32>
    tpu.vector_store %arg10[%swap3A_554, %swap3A_555], %max3A_553 {strides = array<i32>} : memref<1x128xf32, #tpu.memory_space<vmem>>, vector<1x128xf32>,
    %get3A_557 = arith.constant 0 : index
    %get3A_558 = arith.constant 0 : index
    %get3A_559 = vector.load %arg10[%get3A_557, %get3A_558] : memref<1x128xf32, #tpu.memory_space<vmem>>, vector<1x128xf32>
    %slice3A_560 = vector.extract_strided_slice %select_n3A_182 {offsets = [0, 6016], sizes = [1, 128], strides = [1, 1]} : vector<1x6400xf32> to vector<1x128xf32>
    %max3A_561 = arith.maximumf %get3A_559, %slice3A_560 : vector<1x128xf32>
    %swap3A_562 = arith.constant 0 : index
    %swap3A_563 = arith.constant 0 : index
    %swap3A_564 = vector.load %arg10[%swap3A_562, %swap3A_563] : memref<1x128xf32, #tpu.memory_space<vmem>>, vector<1x128xf32>
    tpu.vector_store %arg10[%swap3A_562, %swap3A_563], %max3A_561 {strides = array<i32>} : memref<1x128xf32, #tpu.memory_space<vmem>>, vector<1x128xf32>,
    %get3A_565 = arith.constant 0 : index
    %get3A_566 = arith.constant 0 : index
    %get3A_567 = vector.load %arg10[%get3A_565, %get3A_566] : memref<1x128xf32, #tpu.memory_space<vmem>>, vector<1x128xf32>
    %slice3A_568 = vector.extract_strided_slice %select_n3A_182 {offsets = [0, 6144], sizes = [1, 128], strides = [1, 1]} : vector<1x6400xf32> to vector<1x128xf32>
    %max3A_569 = arith.maximumf %get3A_567, %slice3A_568 : vector<1x128xf32>
    %swap3A_570 = arith.constant 0 : index
    %swap3A_571 = arith.constant 0 : index
    %swap3A_572 = vector.load %arg10[%swap3A_570, %swap3A_571] : memref<1x128xf32, #tpu.memory_space<vmem>>, vector<1x128xf32>
    tpu.vector_store %arg10[%swap3A_570, %swap3A_571], %max3A_569 {strides = array<i32>} : memref<1x128xf32, #tpu.memory_space<vmem>>, vector<1x128xf32>,
    %get3A_573 = arith.constant 0 : index
    %get3A_574 = arith.constant 0 : index
    %get3A_575 = vector.load %arg10[%get3A_573, %get3A_574] : memref<1x128xf32, #tpu.memory_space<vmem>>, vector<1x128xf32>
    %slice3A_576 = vector.extract_strided_slice %select_n3A_182 {offsets = [0, 6272], sizes = [1, 128], strides = [1, 1]} : vector<1x6400xf32> to vector<1x128xf32>
    %max3A_577 = arith.maximumf %get3A_575, %slice3A_576 : vector<1x128xf32>
    %swap3A_578 = arith.constant 0 : index
    %swap3A_579 = arith.constant 0 : index
    %swap3A_580 = vector.load %arg10[%swap3A_578, %swap3A_579] : memref<1x128xf32, #tpu.memory_space<vmem>>, vector<1x128xf32>
    tpu.vector_store %arg10[%swap3A_578, %swap3A_579], %max3A_577 {strides = array<i32>} : memref<1x128xf32, #tpu.memory_space<vmem>>, vector<1x128xf32>,
    %eq3A_581 = arith.constant 15 : i32
    %eq3A_582 = arith.cmpi eq, %arg0, %eq3A_581 : i32
    %convert_element_type3A_583 = arith.extui %eq3A_582 : i1 to i32
    %cond3A_584 = arith.constant 0 : i32
    %cond3A_585 = arith.cmpi ne, %convert_element_type3A_583, %cond3A_584 : i32
    scf.if %cond3A_585 {
      %get3A_586 = arith.constant 0 : index
      %get3A_587 = arith.constant 0 : index
      %get3A_588 = vector.load %arg10[%get3A_586, %get3A_587] : memref<1x128xf32, #tpu.memory_space<vmem>>, vector<1x128xf32>
      %roll3A = arith.constant 64 : i32
      %roll3A_589 = tpu.dynamic_rotate %get3A_588 by %roll3A dim 1 : vector<1x128xf32>, i32 -> vector<1x128xf32>
      %max3A_590 = arith.maximumf %get3A_588, %roll3A_589 : vector<1x128xf32>
      %roll3A_591 = arith.constant 96 : i32
      %roll3A_592 = tpu.dynamic_rotate %max3A_590 by %roll3A_591 dim 1 : vector<1x128xf32>, i32 -> vector<1x128xf32>
      %max3A_593 = arith.maximumf %max3A_590, %roll3A_592 : vector<1x128xf32>
      %roll3A_594 = arith.constant 112 : i32
      %roll3A_595 = tpu.dynamic_rotate %max3A_593 by %roll3A_594 dim 1 : vector<1x128xf32>, i32 -> vector<1x128xf32>
      %max3A_596 = arith.maximumf %max3A_593, %roll3A_595 : vector<1x128xf32>
      %roll3A_597 = arith.constant 120 : i32
      %roll3A_598 = tpu.dynamic_rotate %max3A_596 by %roll3A_597 dim 1 : vector<1x128xf32>, i32 -> vector<1x128xf32>
      %max3A_599 = arith.maximumf %max3A_596, %roll3A_598 : vector<1x128xf32>
      %roll3A_600 = arith.constant 124 : i32
      %roll3A_601 = tpu.dynamic_rotate %max3A_599 by %roll3A_600 dim 1 : vector<1x128xf32>, i32 -> vector<1x128xf32>
      %max3A_602 = arith.maximumf %max3A_599, %roll3A_601 : vector<1x128xf32>
      %roll3A_603 = arith.constant 126 : i32
      %roll3A_604 = tpu.dynamic_rotate %max3A_602 by %roll3A_603 dim 1 : vector<1x128xf32>, i32 -> vector<1x128xf32>
      %max3A_605 = arith.maximumf %max3A_602, %roll3A_604 : vector<1x128xf32>
      %roll3A_606 = arith.constant 127 : i32
      %roll3A_607 = tpu.dynamic_rotate %max3A_605 by %roll3A_606 dim 1 : vector<1x128xf32>, i32 -> vector<1x128xf32>
      %max3A_608 = arith.maximumf %max3A_605, %roll3A_607 : vector<1x128xf32>
      %slice3A_609 = vector.extract_strided_slice %max3A_608 {offsets = [0, 0], sizes = [1, 1], strides = [1, 1]} : vector<1x128xf32> to vector<1x1xf32>
      %swap3A_610 = arith.constant 0 : index
      %swap3A_611 = arith.constant 0 : index
      %swap3A_612 = vector.load %arg9[%swap3A_610, %swap3A_611] : memref<1x1xf32, #tpu.memory_space<vmem>>, vector<1x1xf32>
      tpu.vector_store %arg9[%swap3A_610, %swap3A_611], %slice3A_609 {strides = array<i32>} : memref<1x1xf32, #tpu.memory_space<vmem>>, vector<1x1xf32>,
    } else {
    }
    return
  }
  func.func @transform_0(%arg0: i32) -> (i32, i32) {
    %c0_i32 = arith.constant 0 : i32
    %c0_i32_0 = arith.constant 0 : i32
    return %c0_i32, %arg0 : i32, i32
  }
  func.func @transform_1(%arg0: i32) -> (i32, i32) {
    %c0_i32 = arith.constant 0 : i32
    %c0_i32_0 = arith.constant 0 : i32
    %c0_i32_1 = arith.constant 0 : i32
    return %c0_i32, %c0_i32_0 : i32, i32
  }
  func.func @transform_2(%arg0: i32) -> (i32, i32) {
    %c0_i32 = arith.constant 0 : i32
    %c0_i32_0 = arith.constant 0 : i32
    %c0_i32_1 = arith.constant 0 : i32
    return %c0_i32, %c0_i32_0 : i32, i32
  }
  func.func @transform_3(%arg0: i32) -> (i32, i32) {
    %c0_i32 = arith.constant 0 : i32
    %c0_i32_0 = arith.constant 0 : i32
    %c0_i32_1 = arith.constant 0 : i32
    return %c0_i32, %c0_i32_0 : i32, i32
  }
  func.func @transform_4(%arg0: i32) -> (i32, i32) {
    %c0_i32 = arith.constant 0 : i32
    %c0_i32_0 = arith.constant 0 : i32
    %c0_i32_1 = arith.constant 0 : i32
    return %c0_i32, %c0_i32_0 : i32, i32
  }
  func.func @transform_5(%arg0: i32) -> (i32, i32) {
    %c0_i32 = arith.constant 0 : i32
    %c0_i32_0 = arith.constant 0 : i32
    %c0_i32_1 = arith.constant 0 : i32
    return %c0_i32, %c0_i32_0 : i32, i32
  }
  func.func @transform_6(%arg0: i32) -> (i32, i32) {
    %c0_i32 = arith.constant 0 : i32
    %c0_i32_0 = arith.constant 0 : i32
    %c0_i32_1 = arith.constant 0 : i32
    return %c0_i32, %c0_i32_0 : i32, i32
  }
  func.func @transform_7(%arg0: i32) -> (i32, i32) {
    %c0_i32 = arith.constant 0 : i32
    %c0_i32_0 = arith.constant 0 : i32
    return %c0_i32, %arg0 : i32, i32
  }
  func.func @transform_8(%arg0: i32) -> (i32, i32) {
    %c0_i32 = arith.constant 0 : i32
    %c0_i32_0 = arith.constant 0 : i32
    %c0_i32_1 = arith.constant 0 : i32
    return %c0_i32, %c0_i32_0 : i32, i32
  }
}

module attributes {stable_mosaic.version = 14 : i64} {
  func.func @_k_sort(%arg0: memref<800x128xf32, #tpu.memory_space<vmem>>, %arg1: memref<800x128xi32, #tpu.memory_space<vmem>>, %arg2: memref<1xf32, #tpu.memory_space<smem>>, %arg3: memref<153xi32, #tpu.memory_space<smem>>, %arg4: memref<153xi32, #tpu.memory_space<smem>>, %arg5: memref<153xi32, #tpu.memory_space<smem>>, %arg6: memref<153xi32, #tpu.memory_space<smem>>, %arg7: memref<153xi32, #tpu.memory_space<smem>>, %arg8: memref<1024x128xi32, #tpu.memory_space<vmem>>, %arg9: memref<1024x128xf32, #tpu.memory_space<vmem>>, %arg10: memref<1024x128xi32, #tpu.memory_space<vmem>>, %arg11: memref<1024x128xf32, #tpu.memory_space<vmem>>, %arg12: memref<1024x128xi32, #tpu.memory_space<vmem>>, %arg13: memref<1024x128xi32, #tpu.memory_space<vmem>>) attributes {dimension_semantics = [], scalar_prefetch = 0 : i64, scratch_operands = 5 : i64, tpu.core_type = #tpu.core_type<tc>} {
    %iota3A = tpu.iota {dimensions = array<i32: 0>} : vector<1024x128xi32>
    %iota3A_0 = tpu.iota {dimensions = array<i32: 1>} : vector<1024x128xi32>
    %mul3A = arith.constant 128 : i32
    %mul3A_1 = vector.broadcast %mul3A : i32 to vector<1024x128xi32>
    %mul3A_2 = arith.muli %iota3A, %mul3A_1 : vector<1024x128xi32>
    %add3A = arith.addi %mul3A_2, %iota3A_0 : vector<1024x128xi32>
    %swap3A = arith.constant 0 : index
    %swap3A_3 = arith.constant 0 : index
    %swap3A_4 = vector.load %arg13[%swap3A, %swap3A_3] : memref<1024x128xi32, #tpu.memory_space<vmem>>, vector<1024x128xi32>
    tpu.vector_store %arg13[%swap3A, %swap3A_3], %add3A {strides = array<i32>} : memref<1024x128xi32, #tpu.memory_space<vmem>>, vector<1024x128xi32>,
    %get3A = arith.constant 0 : index
    %get3A_5 = memref.load %arg2[%get3A] : memref<1xf32, #tpu.memory_space<smem>>
    %add3A_6 = arith.constant 1.000000e+01 : f32
    %add3A_7 = arith.addf %get3A_5, %add3A_6 : f32
    %get3A_8 = arith.constant 0 : index
    %get3A_9 = arith.constant 0 : index
    %get3A_10 = vector.load %arg0[%get3A_8, %get3A_9] : memref<800x128xf32, #tpu.memory_space<vmem>>, vector<800x128xf32>
    %get3A_11 = arith.constant 0 : index
    %get3A_12 = arith.constant 0 : index
    %get3A_13 = vector.load %arg1[%get3A_11, %get3A_12] : memref<800x128xi32, #tpu.memory_space<vmem>>, vector<800x128xi32>
    %convert_element_type3A = arith.sitofp %get3A_13 : vector<800x128xi32> to vector<800x128xf32>
    %mul3A_14 = vector.broadcast %add3A_7 : f32 to vector<800x128xf32>
    %mul3A_15 = arith.mulf %convert_element_type3A, %mul3A_14 : vector<800x128xf32>
    %add3A_16 = arith.addf %get3A_10, %mul3A_15 : vector<800x128xf32>
    %slice3A = vector.extract_strided_slice %add3A {offsets = [0, 0], sizes = [800, 128], strides = [1, 1]} : vector<1024x128xi32> to vector<800x128xi32>
    %lt3A = arith.constant 100000 : i32
    %lt3A_17 = vector.broadcast %lt3A : i32 to vector<800x128xi32>
    %lt3A_18 = arith.cmpi slt, %slice3A, %lt3A_17 : vector<800x128xi32>
    %jit3A = arith.constant 0x7F800000 : f32
    %broadcast_in_dim3A = vector.broadcast %jit3A : f32 to vector<800x128xf32>
    %select_n3A = arith.select %lt3A_18, %add3A_16, %broadcast_in_dim3A : vector<800x128xi1>, vector<800x128xf32>
    %broadcast_in_dim3A_19 = arith.constant 0x7F800000 : f32
    %broadcast_in_dim3A_20 = vector.broadcast %broadcast_in_dim3A_19 : f32 to vector<1024x128xf32>
    %swap3A_21 = arith.constant 0 : index
    %swap3A_22 = arith.constant 0 : index
    %swap3A_23 = vector.load %arg9[%swap3A_21, %swap3A_22] : memref<1024x128xf32, #tpu.memory_space<vmem>>, vector<1024x128xf32>
    tpu.vector_store %arg9[%swap3A_21, %swap3A_22], %broadcast_in_dim3A_20 {strides = array<i32>} : memref<1024x128xf32, #tpu.memory_space<vmem>>, vector<1024x128xf32>,
    %swap3A_24 = arith.constant 0 : index
    %swap3A_25 = arith.constant 0 : index
    %swap3A_26 = vector.load %arg9[%swap3A_24, %swap3A_25] : memref<1024x128xf32, #tpu.memory_space<vmem>>, vector<800x128xf32>
    tpu.vector_store %arg9[%swap3A_24, %swap3A_25], %select_n3A {strides = array<i32>} : memref<1024x128xf32, #tpu.memory_space<vmem>>, vector<800x128xf32>,
    %swap3A_27 = arith.constant 0 : index
    %swap3A_28 = arith.constant 0 : index
    %swap3A_29 = vector.load %arg10[%swap3A_27, %swap3A_28] : memref<1024x128xi32, #tpu.memory_space<vmem>>, vector<1024x128xi32>
    tpu.vector_store %arg10[%swap3A_27, %swap3A_28], %add3A {strides = array<i32>} : memref<1024x128xi32, #tpu.memory_space<vmem>>, vector<1024x128xi32>,
    %scan3A = arith.constant 0 : i32
    %scan3A_30 = arith.constant 153 : i32
    %scan3A_31 = arith.addi %scan3A, %scan3A_30 : i32
    %scan3A_32 = arith.constant 1 : i32
    scf.for %scan3A_40 = %scan3A to %scan3A_31 step %scan3A_32  : i32 {
      %get3A_41 = arith.index_cast %scan3A_40 : i32 to index
      %get3A_42 = memref.load %arg3[%get3A_41] : memref<153xi32, #tpu.memory_space<smem>>
      %get3A_43 = arith.index_cast %scan3A_40 : i32 to index
      %get3A_44 = memref.load %arg4[%get3A_43] : memref<153xi32, #tpu.memory_space<smem>>
      %get3A_45 = arith.index_cast %scan3A_40 : i32 to index
      %get3A_46 = memref.load %arg5[%get3A_45] : memref<153xi32, #tpu.memory_space<smem>>
      %get3A_47 = arith.index_cast %scan3A_40 : i32 to index
      %get3A_48 = memref.load %arg6[%get3A_47] : memref<153xi32, #tpu.memory_space<smem>>
      %get3A_49 = arith.index_cast %scan3A_40 : i32 to index
      %get3A_50 = memref.load %arg7[%get3A_49] : memref<153xi32, #tpu.memory_space<smem>>
      %get3A_51 = arith.constant 0 : index
      %get3A_52 = arith.constant 0 : index
      %get3A_53 = vector.load %arg13[%get3A_51, %get3A_52] : memref<1024x128xi32, #tpu.memory_space<vmem>>, vector<1024x128xi32>
      %and3A = vector.broadcast %get3A_42 : i32 to vector<1024x128xi32>
      %and3A_54 = arith.andi %get3A_53, %and3A : vector<1024x128xi32>
      %eq3A = arith.constant 0 : i32
      %eq3A_55 = vector.broadcast %eq3A : i32 to vector<1024x128xi32>
      %eq3A_56 = arith.cmpi eq, %and3A_54, %eq3A_55 : vector<1024x128xi32>
      %and3A_57 = vector.broadcast %get3A_44 : i32 to vector<1024x128xi32>
      %and3A_58 = arith.andi %get3A_53, %and3A_57 : vector<1024x128xi32>
      %eq3A_59 = arith.constant 0 : i32
      %eq3A_60 = vector.broadcast %eq3A_59 : i32 to vector<1024x128xi32>
      %eq3A_61 = arith.cmpi eq, %and3A_58, %eq3A_60 : vector<1024x128xi32>
      %eq3A_62 = arith.constant 1 : i32
      %eq3A_63 = arith.cmpi eq, %get3A_50, %eq3A_62 : i32
      %convert_element_type3A_64 = arith.extui %eq3A_63 : i1 to i32
      %cond3A = arith.constant 0 : i32
      %cond3A_65 = arith.cmpi ne, %convert_element_type3A_64, %cond3A : i32
      scf.if %cond3A_65 {
        %get3A_99 = arith.constant 0 : index
        %get3A_100 = arith.constant 0 : index
        %get3A_101 = vector.load %arg9[%get3A_99, %get3A_100] : memref<1024x128xf32, #tpu.memory_space<vmem>>, vector<1024x128xf32>
        %get3A_102 = arith.constant 0 : index
        %get3A_103 = arith.constant 0 : index
        %get3A_104 = vector.load %arg10[%get3A_102, %get3A_103] : memref<1024x128xi32, #tpu.memory_space<vmem>>, vector<1024x128xi32>
        %roll3A = tpu.dynamic_rotate %get3A_101 by %get3A_46 dim 0 : vector<1024x128xf32>, i32 -> vector<1024x128xf32>
        %roll3A_105 = tpu.dynamic_rotate %get3A_101 by %get3A_48 dim 0 : vector<1024x128xf32>, i32 -> vector<1024x128xf32>
        %select_n3A_106 = arith.select %eq3A_56, %roll3A, %roll3A_105 : vector<1024x128xi1>, vector<1024x128xf32>
        %swap3A_107 = arith.constant 0 : index
        %swap3A_108 = arith.constant 0 : index
        %swap3A_109 = vector.load %arg11[%swap3A_107, %swap3A_108] : memref<1024x128xf32, #tpu.memory_space<vmem>>, vector<1024x128xf32>
        tpu.vector_store %arg11[%swap3A_107, %swap3A_108], %select_n3A_106 {strides = array<i32>} : memref<1024x128xf32, #tpu.memory_space<vmem>>, vector<1024x128xf32>,
        %roll3A_110 = tpu.dynamic_rotate %get3A_104 by %get3A_46 dim 0 : vector<1024x128xi32>, i32 -> vector<1024x128xi32>
        %roll3A_111 = tpu.dynamic_rotate %get3A_104 by %get3A_48 dim 0 : vector<1024x128xi32>, i32 -> vector<1024x128xi32>
        %select_n3A_112 = arith.select %eq3A_56, %roll3A_110, %roll3A_111 : vector<1024x128xi1>, vector<1024x128xi32>
        %swap3A_113 = arith.constant 0 : index
        %swap3A_114 = arith.constant 0 : index
        %swap3A_115 = vector.load %arg12[%swap3A_113, %swap3A_114] : memref<1024x128xi32, #tpu.memory_space<vmem>>, vector<1024x128xi32>
        tpu.vector_store %arg12[%swap3A_113, %swap3A_114], %select_n3A_112 {strides = array<i32>} : memref<1024x128xi32, #tpu.memory_space<vmem>>, vector<1024x128xi32>,
      } else {
      }
      %eq3A_66 = arith.constant 0 : i32
      %eq3A_67 = arith.cmpi eq, %get3A_50, %eq3A_66 : i32
      %convert_element_type3A_68 = arith.extui %eq3A_67 : i1 to i32
      %cond3A_69 = arith.constant 0 : i32
      %cond3A_70 = arith.cmpi ne, %convert_element_type3A_68, %cond3A_69 : i32
      scf.if %cond3A_70 {
        %get3A_99 = arith.constant 0 : index
        %get3A_100 = arith.constant 0 : index
        %get3A_101 = vector.load %arg9[%get3A_99, %get3A_100] : memref<1024x128xf32, #tpu.memory_space<vmem>>, vector<1024x128xf32>
        %get3A_102 = arith.constant 0 : index
        %get3A_103 = arith.constant 0 : index
        %get3A_104 = vector.load %arg10[%get3A_102, %get3A_103] : memref<1024x128xi32, #tpu.memory_space<vmem>>, vector<1024x128xi32>
        %roll3A = tpu.dynamic_rotate %get3A_101 by %get3A_46 dim 1 : vector<1024x128xf32>, i32 -> vector<1024x128xf32>
        %roll3A_105 = tpu.dynamic_rotate %get3A_101 by %get3A_48 dim 1 : vector<1024x128xf32>, i32 -> vector<1024x128xf32>
        %select_n3A_106 = arith.select %eq3A_56, %roll3A, %roll3A_105 : vector<1024x128xi1>, vector<1024x128xf32>
        %swap3A_107 = arith.constant 0 : index
        %swap3A_108 = arith.constant 0 : index
        %swap3A_109 = vector.load %arg11[%swap3A_107, %swap3A_108] : memref<1024x128xf32, #tpu.memory_space<vmem>>, vector<1024x128xf32>
        tpu.vector_store %arg11[%swap3A_107, %swap3A_108], %select_n3A_106 {strides = array<i32>} : memref<1024x128xf32, #tpu.memory_space<vmem>>, vector<1024x128xf32>,
        %roll3A_110 = tpu.dynamic_rotate %get3A_104 by %get3A_46 dim 1 : vector<1024x128xi32>, i32 -> vector<1024x128xi32>
        %roll3A_111 = tpu.dynamic_rotate %get3A_104 by %get3A_48 dim 1 : vector<1024x128xi32>, i32 -> vector<1024x128xi32>
        %select_n3A_112 = arith.select %eq3A_56, %roll3A_110, %roll3A_111 : vector<1024x128xi1>, vector<1024x128xi32>
        %swap3A_113 = arith.constant 0 : index
        %swap3A_114 = arith.constant 0 : index
        %swap3A_115 = vector.load %arg12[%swap3A_113, %swap3A_114] : memref<1024x128xi32, #tpu.memory_space<vmem>>, vector<1024x128xi32>
        tpu.vector_store %arg12[%swap3A_113, %swap3A_114], %select_n3A_112 {strides = array<i32>} : memref<1024x128xi32, #tpu.memory_space<vmem>>, vector<1024x128xi32>,
      } else {
      }
      %get3A_71 = arith.constant 0 : index
      %get3A_72 = arith.constant 0 : index
      %get3A_73 = vector.load %arg9[%get3A_71, %get3A_72] : memref<1024x128xf32, #tpu.memory_space<vmem>>, vector<1024x128xf32>
      %get3A_74 = arith.constant 0 : index
      %get3A_75 = arith.constant 0 : index
      %get3A_76 = vector.load %arg10[%get3A_74, %get3A_75] : memref<1024x128xi32, #tpu.memory_space<vmem>>, vector<1024x128xi32>
      %get3A_77 = arith.constant 0 : index
      %get3A_78 = arith.constant 0 : index
      %get3A_79 = vector.load %arg11[%get3A_77, %get3A_78] : memref<1024x128xf32, #tpu.memory_space<vmem>>, vector<1024x128xf32>
      %get3A_80 = arith.constant 0 : index
      %get3A_81 = arith.constant 0 : index
      %get3A_82 = vector.load %arg12[%get3A_80, %get3A_81] : memref<1024x128xi32, #tpu.memory_space<vmem>>, vector<1024x128xi32>
      %lt3A_83 = arith.cmpf olt, %get3A_79, %get3A_73 : vector<1024x128xf32>
      %eq3A_84 = arith.cmpf oeq, %get3A_79, %get3A_73 : vector<1024x128xf32>
      %lt3A_85 = arith.cmpi slt, %get3A_82, %get3A_76 : vector<1024x128xi32>
      %and3A_86 = arith.andi %eq3A_84, %lt3A_85 : vector<1024x128xi1>
      %or3A = arith.ori %lt3A_83, %and3A_86 : vector<1024x128xi1>
      %xor3A = arith.xori %eq3A_56, %eq3A_61 : vector<1024x128xi1>
      %not3A = arith.constant dense<true> : vector<1024x128xi1>
      %not3A_87 = arith.xori %xor3A, %not3A : vector<1024x128xi1>
      %xor3A_88 = arith.xori %or3A, %not3A_87 : vector<1024x128xi1>
      %not3A_89 = arith.constant dense<true> : vector<1024x128xi1>
      %not3A_90 = arith.xori %xor3A_88, %not3A_89 : vector<1024x128xi1>
      %select_n3A_91 = arith.select %not3A_90, %get3A_79, %get3A_73 : vector<1024x128xi1>, vector<1024x128xf32>
      %swap3A_92 = arith.constant 0 : index
      %swap3A_93 = arith.constant 0 : index
      %swap3A_94 = vector.load %arg9[%swap3A_92, %swap3A_93] : memref<1024x128xf32, #tpu.memory_space<vmem>>, vector<1024x128xf32>
      tpu.vector_store %arg9[%swap3A_92, %swap3A_93], %select_n3A_91 {strides = array<i32>} : memref<1024x128xf32, #tpu.memory_space<vmem>>, vector<1024x128xf32>,
      %select_n3A_95 = arith.select %not3A_90, %get3A_82, %get3A_76 : vector<1024x128xi1>, vector<1024x128xi32>
      %swap3A_96 = arith.constant 0 : index
      %swap3A_97 = arith.constant 0 : index
      %swap3A_98 = vector.load %arg10[%swap3A_96, %swap3A_97] : memref<1024x128xi32, #tpu.memory_space<vmem>>, vector<1024x128xi32>
      tpu.vector_store %arg10[%swap3A_96, %swap3A_97], %select_n3A_95 {strides = array<i32>} : memref<1024x128xi32, #tpu.memory_space<vmem>>, vector<1024x128xi32>,
    }
    %scan3A_33 = arith.constant 153 : i32
    %get3A_34 = arith.constant 0 : index
    %get3A_35 = arith.constant 0 : index
    %get3A_36 = vector.load %arg10[%get3A_34, %get3A_35] : memref<1024x128xi32, #tpu.memory_space<vmem>>, vector<1024x128xi32>
    %swap3A_37 = arith.constant 0 : index
    %swap3A_38 = arith.constant 0 : index
    %swap3A_39 = vector.load %arg8[%swap3A_37, %swap3A_38] : memref<1024x128xi32, #tpu.memory_space<vmem>>, vector<1024x128xi32>
    tpu.vector_store %arg8[%swap3A_37, %swap3A_38], %get3A_36 {strides = array<i32>} : memref<1024x128xi32, #tpu.memory_space<vmem>>, vector<1024x128xi32>,
    return
  }
}

</mosaic_0001>

<sc_bundles>
// kernel: kernel.9.cloned.1.call-start
scs
__scs_entry_jumppad:
0x0: {  	(pc) =	sbr.rel $0x88, $3  }
0x1: {  	(tag) =	ssettag $0x0;
	lr =	simm.s32 $0x1  }
0x2: {  	[smem:$0x3F94] =	sst lr;
	_ =	strace $0xD0000000  }
0x3: {  	_ = 	snop  }
0x4: {  	_ = 	snop  }
0x5: {  	_ = 	snop  }
0x6: {  	_ = 	snop  }
0x7: {  	_ = 	snop  }
__scs_overlays_trampoline_lowered:
0x8: {  	[smem:$0x3FA3] =	sst s0  }
0x9: {  	[smem:$0x3FA4] =	sst s1  }
0xa: {  	[smem:$0x3FA5] =	sst s2  }
0xb: {  	[smem:$0x3FA6] =	sst s3  }
0xc: {  	[smem:$0x3FA7] =	sst s4  }
0xd: {  	[smem:$0x3FA8] =	sst s5  }
0xe: {  	[smem:$0x3FA9] =	sst s6  }
0xf: {  	[smem:$0x3FAA] =	sst s7  }
0x10: {  	[smem:$0x3FAB] =	sst s8  }
0x11: {  	[smem:$0x3FAC] =	sst s9;
	s0 =	simm.s32 @!p0 $0x0  }
0x12: {  	s1 =	sld [smem:$0x3F92];
	s0 =	simm.s32 @p0 $0x1  }
0x13: {  	[smem:$0x3FAD] =	sst s0;
	s0 =	simm.s32 @!p1 $0x0  }
0x14: {  	s2 =	sld [smem:$0x3F91];
	s0 =	simm.s32 @p1 $0x1  }
0x15: {  	[smem:$0x3FAE] =	sst s0;
	s0 =	simm.s32 @!p2 $0x0  }
0x16: {  	s3 =	sld [smem:$0x3FDB];
	s0 =	simm.s32 @p2 $0x1  }
0x17: {  	s4 =	simm.s32 $0x1BF5;
	[smem:$0x3FB0] =	sst s0  }
0x18: {  	s0 =	sld [smem:$0x3F93];
	_ =	swait.ge [sflag:s4], $0x0  }
0x19: {  	s7 =	sld [smem:$0x3F94]  }
0x1a: {  	s8 =	sadd.s32 $0xFFFFE003, lr  }
0x1b: {  	s9 =	sadd.s32 $0xFFFFFEF7, lr;
	s5 =	simm.s32 $0xFFFFFFFF;
	p2 =	slt.u32 s8, $0xFFFFF086  }
0x1c: {  	p1 =	slt.u32 s9, $0xF7A;
	s5 =	simm.s32 @!p2 $0x0  }
0x1d: {  	s5 =	simm.s32 @p1 $0x1;
	p0 =	seq.s32 s7, s2  }
0x1e: {  	s7 =	smul.u32 @!p0 $0xF7A, s2;
	p2 =	seq.s32 @!p0 s5, $0x0  }
0x1f: {  	s9 =	smul.u32 $0xF7A, s1;
	s8 =	simm.s32 @!p0 $0x1BF5;
	p2 =	por !p2, p0  }
0x20: {  	[sflag:s8] =	ssyncset.s32 @!p0 $0xFFFFF086;
	s6 =	sadd.s32 @!p0 s3, s7;
	s7 =	simm.s32 @!p0 $0x108  }
0x21: {  	s3 =	sadd.s32 s3, s9;
	s6 =	sadd.s32 @!p0 $0x88, s6;
	s7 =	simm.s32 @p2 $0x1082  }
0x22: {  	[simem:s7], [sflag:s8] =	dma.local @!p0 [hbm:s6], $0xF7A  }
0x23: {  	s9 =	sor.u32 $0xD0000000, s2;
	s6 =	simm.s32 $0x108;
	_ =	swait.ge @!p0 [sflag:s8], $0x0  }
0x24: {  	s3 =	sadd.s32 $0x88, s3;
	s6 =	simm.s32 @!p1 $0x1082;
	[sflag:s4] =	ssyncset.s32 $0xFFFFF086  }
0x25: {  	[simem:s6], [sflag:s4] =	dma.local [hbm:s3], $0xF7A  }
0x26: {  	[smem:$0x3F94] =	sst s1;
	(tag) =	ssettag s2;
	_ =	strace s9  }
0x27: {  	s1 =	sld [smem:$0x3FA4]  }
0x28: {  	s2 =	sld [smem:$0x3FA5]  }
0x29: {  	s4 =	sld [smem:$0x3FA7]  }
0x2a: {  	p0 =	seq.s32 s5, $0x0;
	s5 =	sld [smem:$0x3FA8]  }
0x2b: {  	s6 =	sld [smem:$0x3FA9]  }
0x2c: {  	s7 =	sld [smem:$0x3FAA]  }
0x2d: {  	s3 =	simm.s32 $0x108;
	s8 =	sld [smem:$0x3FAB]  }
0x2e: {  	s3 =	simm.s32 @!p0 $0x1082;
	s9 =	sld [smem:$0x3FAC]  }
0x2f: {  	lr =	sadd.s32 s0, s3;
	s0 =	sld [smem:$0x3FA3]  }
0x30: {  	s3 =	sld [smem:$0x3FA6]  }
0x31: {  	[smem:$0x3FAF] =	sst s10  }
0x32: {  	s10 =	sld [smem:$0x3FAD];
	_ =	sdelay $0x3  }
0x33: {  	p0 =	seq.s32 s10, $0x1;
	s10 =	sld [smem:$0x3FAF];
	_ =	sdelay $0x3  }
0x34: {  	[smem:$0x3FAF] =	sst s10  }
0x35: {  	s10 =	sld [smem:$0x3FAE];
	_ =	sdelay $0x3  }
0x36: {  	p1 =	seq.s32 s10, $0x1;
	s10 =	sld [smem:$0x3FAF];
	_ =	sdelay $0x3  }
0x37: {  	[smem:$0x3FAF] =	sst s10  }
0x38: {  	s10 =	sld [smem:$0x3FB0]  }
0x39: {  	_ = 	snop;
	(pc) =	sbr.ind lr, $3  }
0x3a: {  	_ = 	snop  }
0x3b: {  	_ = 	snop  }
0x3c: {  	p2 =	seq.s32 s10, $0x1;
	s10 =	sld [smem:$0x3FAF]  }
0x3d: {  	_ =	shalt  }
0x3e: {  	_ =	shalt  }
0x3f: {  	_ =	shalt  }
0x40: {  	_ =	shalt  }
0x41: {  	_ =	shalt  }
0x42: {  	_ =	shalt  }
0x43: {  	_ =	shalt  }
0x44: {  	_ =	shalt  }
0x45: {  	_ =	shalt  }
0x46: {  	_ =	shalt  }
0x47: {  	_ =	shalt  }
0x48: {  	_ =	shalt  }
0x49: {  	_ =	shalt  }
0x4a: {  	_ =	shalt  }
0x4b: {  	_ =	shalt  }
0x4c: {  	_ =	shalt  }
0x4d: {  	_ =	shalt  }
0x4e: {  	_ =	shalt  }
0x4f: {  	_ =	shalt  }
0x50: {  	_ =	shalt  }
0x51: {  	_ =	shalt  }
0x52: {  	_ =	shalt  }
0x53: {  	_ =	shalt  }
0x54: {  	_ =	shalt  }
0x55: {  	_ =	shalt  }
0x56: {  	_ =	shalt  }
0x57: {  	_ =	shalt  }
0x58: {  	_ =	shalt  }
0x59: {  	_ =	shalt  }
0x5a: {  	_ =	shalt  }
0x5b: {  	_ =	shalt  }
0x5c: {  	_ =	shalt  }
0x5d: {  	_ =	shalt  }
0x5e: {  	_ =	shalt  }
0x5f: {  	_ =	shalt  }
0x60: {  	_ =	shalt  }
0x61: {  	_ =	shalt  }
0x62: {  	_ =	shalt  }
0x63: {  	_ =	shalt  }
0x64: {  	_ =	shalt  }
0x65: {  	_ =	shalt  }
0x66: {  	_ =	shalt  }
0x67: {  	_ =	shalt  }
0x68: {  	_ =	shalt  }
0x69: {  	_ =	shalt  }
0x6a: {  	_ =	shalt  }
0x6b: {  	_ =	shalt  }
0x6c: {  	_ =	shalt  }
0x6d: {  	_ =	shalt  }
0x6e: {  	_ =	shalt  }
0x6f: {  	_ =	shalt  }
0x70: {  	_ =	shalt  }
0x71: {  	_ =	shalt  }
0x72: {  	_ =	shalt  }
0x73: {  	_ =	shalt  }
0x74: {  	_ =	shalt  }
0x75: {  	_ =	shalt  }
0x76: {  	_ =	shalt  }
0x77: {  	_ =	shalt  }
0x78: {  	_ =	shalt  }
0x79: {  	_ =	shalt  }
0x7a: {  	_ =	shalt  }
0x7b: {  	_ =	shalt  }
0x7c: {  	_ =	shalt  }
0x7d: {  	_ =	shalt  }
0x7e: {  	_ =	shalt  }
0x7f: {  	_ =	shalt  }
0x80: {  	_ =	shalt  }
0x81: {  	_ =	shalt  }
0x82: {  	_ =	shalt  }
0x83: {  	_ =	shalt  }
0x84: {  	_ =	shalt  }
0x85: {  	_ =	shalt  }
0x86: {  	_ =	shalt  }
0x87: {  	_ =	shalt  }
.Lfunc_end0:
.L_simem_size_0:
called_computation_lowered:
.L_overlay_start_0:
0x88: {  	s2 =	sld [smem:$0x3FD9]  }
0x89: {  	s3 =	sld [smem:$0x3FFE];
	_ =	sdelay $0x1  }
0x8a: {  	s1 =	srdreg.scid  }
0x8b: {  	s0 =	sand.u32 $0x1, s1  }
0x8c: {  	s16 =	sshll.u32 s0, $0xA;
	s2 =	sadd.s32 s3, s2  }
0x8d: {  	s2 =	sadd.s32 s2, s16  }
0x8e: {  	[smem:$0x3FBB] =	sst s2  }
0x8f: {  	_ = 	snop  }
0x90: {  	(tm) =	ssettm $0x1  }
0x91: {  	s17 =	sld [smem:$0x3FFB];
	_ =	sdelay $0x3  }
0x92: {  	_ =	strace s17  }
0x93: {  	s2 =	sld [smem:$0x3FFC];
	_ =	sdelay $0x3  }
0x94: {  	_ =	strace s2  }
0x95: {  	s2 =	sld [smem:$0x3FFD];
	_ =	sdelay $0x3  }
0x96: {  	_ =	strace s2  }
0x97: {  	_ =	strace $0x8FFFFFFF  }
0x98: {  	s18 =	sld [smem:$0x3FDB];
	_ =	sdelay $0x1  }
0x99: {  	s19 =	simm.s32 $_scs_section_size  }
0x9a: {  	s4 =	simm.s32 $_size__tile_overlayer_lowered;
	s5 =	simm.s32 $_tile_overlayer_lowered  }
0x9b: {  	s22 =	simm.s32 $0x1BFF;
	s21 =	sshll.u32 s5, $0x1;
	s2 =	sadd.s32 s19, s18  }
0x9c: {  	s6 =	simm.s32 $0x0;
	s20 =	sshll.u32 s4, $0x1;
	s4 =	sadd.s32 s21, s2  }
0x9d: {  	[timem:s6], [sflag:s22] =	dma.local [hbm:s4], s20  }
0x9e: {  	_ =	swait.ge [sflag:s22], s20  }
0x9f: {  	s3 =	ssub.s32 $0x0, s20;
	[sflag:s22] =	ssyncset.done $0x0  }
0xa0: {  	[sflag:s22] =	ssyncadd.s32 s3;
	_ =	sdelay $0x1  }
0xa1: {  	s23 =	simm.s32 $0x1B8B  }
0xa2: {  	_ =	swait.ge [sflag:s23], $0x1  }
0xa3: {  	[sflag:s23] =	ssyncset.done $0x0  }
0xa4: {  	s25 =	simm.s32 $0x1B8E;
	s24 =	sld [smem:$0x3FFE];
	[sflag:s23] =	ssyncadd.s32 $0xFFFFFFFF  }
0xa5: {  	s26 =	simm.s32 $execute0_lowered;
	[smem:$0x3FD2] =	sst s25  }
0xa6: {  	s4 =	sshll.u32 s26, $0x1;
	_ =	strace $0x80000046;
	[dreg:$0x1] =	wrdreg $0xFFFFFFFF  }
0xa7: {  	s28 =	simm.s32 $_size_execute0_lowered;
	s2 =	sadd.s32 s2, s4;
	[dreg:$0x0] =	wrdreg $0x0  }
0xa8: {  	s4 =	sshll.u32 s28, $0x1;
	[dreg:$0x2] =	wrdreg s2  }
0xa9: {  	[dreg:$0x3] =	wrdreg s4  }
0xaa: {  	[dreg:$0x4] =	wrdreg $0xC0  }
0xab: {  	_ =	task [dreg:s6], $0x5FFFF  }
0xac: {  	[dreg:$0x1] =	wrdreg $0xFFFFFFFF  }
0xad: {  	[dreg:$0x0] =	wrdreg $0x60  }
0xae: {  	[dreg:$0x2] =	wrdreg s24  }
0xaf: {  	[dreg:$0x3] =	wrdreg $0x40000  }
0xb0: {  	[dreg:$0x4] =	wrdreg $0x9  }
0xb1: {  	_ =	task.clear_ibuf [dreg:s6], $0x5FFFF;
	_ =	strace $0x90000046  }
0xb2: {  	s29 =	simm.s32 $0x9;
	_ =	strace $0x80000048  }
0xb3: {  	_ =	swait.ge [sflag:s29], $0x1  }
0xb4: {  	[sflag:s29] =	ssyncadd.s32 $0xFFFFFFFF  }
0xb5: {  	_ =	strace $0x90000048  }
0xb6: {  	_ =	sfence  }
0xb7: {  	s30 =	sld [smem:$0x0];
	_ =	sdelay $0x2  }
0xb8: {  	s31 =	sshll.u32 s1, $0xD;
	s1 =	sshrl.u32 s1, $0x2  }
0xb9: {  	s3 =	sand.u32 $0x4000, s31;
	s1 =	sadd.s32 s1, s30  }
0xba: {  	s0 =	sor.u32 s3, s0;
	s1 =	sshll.u32 s1, $0x11  }
0xbb: {  	s0 =	sor.u32 s1, s0  }
0xbc: {  	s0 =	sadd.s32 $0x8F2B, s0  }
0xbd: {  	[sflag:s0] =	ssyncadd.remote.s32 $0x1  }
0xbe: {  	_ =	sfence.sel $0xFFFF  }
0xbf: {  	[dreg:$0x0] =	wrdreg $0xFFFFFFFF;
	(pc) =	sbr.abs _section_cstart, $3  }
0xc0: {  	[dreg:$0x1] =	wrdreg $0xFFFFFFFF  }
0xc1: {  	_ =	task.clear_ibuf [dreg:s6], $0x2FFFF;
	_ =	strace $0x9FFFFFFF  }
0xc2: {  	(tm) =	ssettm $0x7FFFFFFF  }
0xc3: {  	_ =	shalt  }
tec
execute0_lowered:
.L_overlay_start_1:
0x0: {  	(tag) =	ssettag $0x1  }
0x1: {  	s1 =	srdreg.scid  }
0x2: {  	s1 =	sand.u32 $0x1, s1  }
0x3: {  	p0 =	seq.s32 s1, $0x1  }
.Ltmp0:
0x4: {  	_ = 	snop;
	(pc) =	sbr.rel @p0 .LBB2_4-.Ltmp0, $4  }
0x5: {  	s3 =	rddreg [dreg:$0x0]  }
0x6: {  	s2 =	rddreg [dreg:$0x1];
	s4 =	simm.s32 $0x0  }
0x7: {  	[smem:$0x7FF] =	sst s4  }
0x8: {  	s0 =	rddreg [dreg:$0x2];
	_ =	strace $0x80000047;
	s1 =	stileid.u32  }
0x9: {  	s5 =	sadd.s32 $0x2C00, s3;
	s6 =	sshll.u32 s1, $0xA  }
0xa: {  	s7 =	simm.s32 $0x2;
	s5 =	sadd.s32 s5, s6  }
0xb: {  	[tilespmem:s4], [sflag:$0x2] =	stream.linear.gather [hbm4b:s5+s4], $0x2000, $0x38;
	[tilespmem:$0x6000] =	vst v63  }
0xc: {  	s31 =	sadd.s32 s6, s3;
	s6 =	simm.s32 $0x40;
	_ =	swait.ge [sflag:s7], $0x2000  }
0xd: {  	v0 =	vlaneseq.u32;
	s5 =	sshll.u32 s1, $0xD;
	s3 =	sadd.s32 $0x6C00, s31;
	[sflag:s7] =	ssyncset.done $0x0  }
0xe: {  	s4 =	sadd.s32 s5, s2;
	v1 =	vor.u32 s5, v0;
	[sflag:s7] =	ssyncadd.s32 $0xFFFFE000;
	s7 =	simm.s32 $0x0  }
.LBB2_2:
0xf: {  	p0 =	sne.s32 s6, $0x7FC0  }
0x10: {  	[tilespmem:s7+$0x2000] =	vst v1;
	s5 =	sadd.s32 $0x10, s5;
	s7 =	smov.u32 s6;
	s6 =	sadd.s32 $0x40, s6  }
.Ltmp1:
0x11: {  	(pc) =	sbr.rel @p0 .LBB2_2-.Ltmp1, $2  }
0x12: {  	_ =	sdelay $0x2  }
0x13: {  	v1 =	vor.u32 s5, v0;
	s7 =	sshra.s32 s7, $0x2  }
0x14: {  	[tilespmem:s7+$0x2000] =	vst v1;
	s5 =	simm.s32 $0x0;
	s6 =	simm.s32 $0x2000;
	s29 =	simm.s32 $0x1  }
0x15: {  	[spmem:s2] =	stream.indirect.scatter [tilespmem:s6], [sflag:$0x1], $0x1, s5, s6, $0xb8;
	[tilespmem:$0x6000] =	vst v63  }
0x16: {  	_ =	swait.ge [sflag:s29], $0x2000  }
0x17: {  	[sflag:s29] =	ssyncset.done $0x0  }
0x18: {  	s30 =	sshll.u32 s1, $0x6;
	s4 =	sshrl.u32 s4, $0x3;
	[sflag:s29] =	ssyncadd.s32 $0xFFFFE000  }
0x19: {  	s31 =	simm.s32 $0x2;
	s2 =	sor.u32 $0x1C02, s30;
	[bflag:$0x0] =	sbarrier.arrive $0xFFFF  }
0x1a: {  	[hbm:s3], [sflag:s2] =	dma.local [spmem:s4], $0x400  }
0x1b: {  	_ =	swait.ge [sflag:s31], $0x400  }
0x1c: {  	[sflag:s31] =	ssyncset.done $0x0  }
0x1d: {  	[sflag:s31] =	ssyncadd.s32 $0xFFFFFC00  }
.LBB2_4:
0x1e: {  	_ =	sfence.sel $0x180000  }
0x1f: {  	[bflag:$0x0] =	sbarrier.arrive $0xFFFF  }
0x20: {  	p0 =	sne.s32 s1, $0x0;
	_ =	strace $0x90000047  }
0x21: {  	s0 =	sadd.s32 @!p0 $0x100000, s0;
	[bflag:$0x2] =	sbarrier.arrive $0xFFFF  }
0x22: {  	[sflag:s0] =	ssyncadd.tile.s32 @!p0 $0x1;
	_ =	shalt  }
.Lfunc_end2:
_tile_overlayer_lowered:
.L_overlay_start_2:
0x23: {  	(tag) =	ssettag $0x2  }
0x24: {  	s0 =	rddreg [dreg:$0x0];
	s2 =	stileid.u32  }
0x25: {  	s1 =	rddreg [dreg:$0x1];
	p0 =	sne.s32 s2, $0x0  }
0x26: {  	s3 =	rddreg [dreg:$0x2];
	[bflag:$0x3] =	sbarrier.arrive $0xFFFF;
	s2 =	simm.s32 @!p0 $0x1C02  }
0x27: {  	[timem:s3], [sflag:s2] =	dma.local @!p0 [hbm:s0], s1  }
0x28: {  	s0 =	simm.s32 @!p0 $0x2  }
0x29: {  	_ =	swait.ge @!p0 [sflag:s0], s1  }
0x2a: {  	s1 =	ssub.s32 @!p0 $0x0, s1;
	[sflag:s0] =	ssyncset.done @!p0 $0x0  }
0x2b: {  	[sflag:s0] =	ssyncadd.s32 @!p0 s1  }
0x2c: {  	[bflag:$0x3] =	sbarrier.arrive $0xFFFF  }
0x2d: {  	_ =	shalt  }

</sc_bundles>
